<compile_context>
chip_gen: v7x
topology: tpu7x:2x2x1
jax: 0.10.2.dev20260603
libtpu: 0.0.44.dev20260713+nightly
codegen_flags: <defaults>
</compile_context>

<pallas_src>
import dataclasses
import functools

import jax
import jax.numpy as jnp
from jax import lax
from jax.experimental import pallas as pl
from jax.experimental.pallas import tpu as pltpu
from jax.experimental.pallas import tpu_sc as plsc

B, C, H, W = 2, 96, 384, 384
HW = H * W
N = B * HW
CB = 8
G = C // CB
NC, NS, L = 2, 16, 16
PPT = N // (NC * NS)
CH = 1536
NCHUNK = PPT // CH
ROWS_PER_TILE = PPT // W
IDX_ROWS = N // 128

_mesh = plsc.VectorSubcoreMesh(core_axis_name="c", subcore_axis_name="s")


def _compiler_params():
    cp = pltpu.CompilerParams(use_tc_tiling_on_sc=False)
    if "needs_layout_passes" in pltpu.CompilerParams.__dataclass_fields__:
        cp = dataclasses.replace(cp, needs_layout_passes=False)
    return cp


def _phase_a_body(fx_hbm, fy_hbm, idx_hbm, w_hbm, fxv, fyv, idxv, wv):
    c = lax.axis_index("c")
    s = lax.axis_index("s")
    base_pixel = c * HW + s * PPT
    base_irow = c * (HW // 128) + s * (PPT // 128)
    iota = lax.iota(jnp.int32, L)
    iotaf = iota.astype(jnp.float32)

    @pl.loop(0, NCHUNK)
    def chunk(i):
        poff = base_pixel + i * CH
        pltpu.sync_copy(fx_hbm.at[pl.ds(poff, CH)], fxv)
        pltpu.sync_copy(fy_hbm.at[pl.ds(poff, CH)], fyv)

        @pl.loop(0, CH // W)
        def rows(r):
            y0 = s * ROWS_PER_TILE + i * (CH // W) + r
            y0f = y0.astype(jnp.float32)

            @pl.loop(0, W // L)
            def cols(kk):
                q = r * W + kk * L
                xv = iotaf + (kk * L).astype(jnp.float32)
                X = xv + fxv[pl.ds(q, L)]
                Y = y0f + fyv[pl.ds(q, L)]
                xt = X.astype(jnp.int32).astype(jnp.float32)
                yt = Y.astype(jnp.int32).astype(jnp.float32)
                xf = jnp.where(X < xt, xt - 1.0, xt)
                yf = jnp.where(Y < yt, yt - 1.0, yt)
                valid = ((xf >= 0.0) & (xf + 1.0 <= W - 1)
                         & (yf >= 0.0) & (yf + 1.0 <= H - 1))
                vm = jnp.where(valid, 1.0, 0.0).astype(jnp.float32)
                wx1 = X - xf
                wx0 = 1.0 - wx1
                wy1 = Y - yf
                wy0 = 1.0 - wy1
                xi0 = jnp.clip(xf.astype(jnp.int32), 0, W - 1)
                xi1 = jnp.clip(xf.astype(jnp.int32) + 1, 0, W - 1)
                yi0 = jnp.clip(yf.astype(jnp.int32), 0, H - 1)
                yi1 = jnp.clip(yf.astype(jnp.int32) + 1, 0, H - 1)
                qrow = lax.shift_right_logical(q, 7)
                qent = lax.bitwise_and(q, 127)
                for k, (yy, xx, ww) in enumerate((
                        (yi0, xi0, wx0 * wy0 * vm),
                        (yi0, xi1, wx1 * wy0 * vm),
                        (yi1, xi0, wx0 * wy1 * vm),
                        (yi1, xi1, wx1 * wy1 * vm))):
                    idxv.at[k, qrow, pl.ds(qent, L)][...] = yy * W + xx
                    wv.at[k, pl.ds(q, L)][...] = ww

        pltpu.sync_copy(idxv, idx_hbm.at[:, pl.ds(base_irow + i * (CH // 128),
                                                  CH // 128), :])
        pltpu.sync_copy(wv, w_hbm.at[:, pl.ds(poff, CH)])


def _phase_b_body(src_hbm, init_hbm, idx_hbm, w_hbm, out_hbm,
                  slab, sv, iv, wv, ov):
    c = lax.axis_index("c")
    s = lax.axis_index("s")
    iota = lax.iota(jnp.int32, L)
    sel = (iota >= CB).astype(jnp.int32)
    chv = lax.bitwise_and(iota, CB - 1)
    kvecs = [jnp.full((L,), k, jnp.int32) for k in range(4)]

    @pl.loop(0, B * (G // NC))
    def slab_loop(t):
        b = lax.bitwise_and(t, 1)
        g = c * (G // NC) + lax.shift_right_logical(t, 1)
        pltpu.sync_copy(init_hbm.at[b, g, pl.ds(s * PPT, PPT), :],
                        slab.at[pl.ds(s * PPT, PPT), :])
        plsc.subcore_barrier()

        @pl.loop(0, NCHUNK)
        def chunk(i):
            poff = b * HW + s * PPT + i * CH
            rowoff = b * (HW // 128) + s * (PPT // 128) + i * (CH // 128)
            pltpu.sync_copy(src_hbm.at[b, g, pl.ds(s * PPT + i * CH, CH), :],
                            sv)
            pltpu.sync_copy(w_hbm.at[:, pl.ds(poff, CH)], wv)
            for k in range(4):
                pltpu.sync_copy(idx_hbm.at[k, pl.ds(rowoff, CH // 128), :],
                                iv.at[pl.ds(k * (CH // 128), CH // 128), :])

            for h in range(2):
                @pl.loop(0, CH // 4)
                def jloop(j):
                    q = sel + 2 * j
                    pp = q + h * (CH // 2)
                    srcv = plsc.load_gather(sv, [pp, chv])
                    prow = lax.shift_right_logical(q, 7)
                    pent = lax.bitwise_and(q, 127)
                    for k in range(4):
                        wk = plsc.load_gather(wv, [kvecs[k], pp])
                        plsc.store_scatter(
                            ov, [prow + k * (CH // 256), pent, chv],
                            srcv * wk)

                for k in range(4):
                    @pl.loop(0, CH // 256)
                    def scat(rr):
                        pltpu.sync_copy(
                            ov.at[k * (CH // 256) + rr],
                            slab.at[iv.at[k * (CH // 128)
                                          + h * (CH // 256) + rr]],
                            add=True)

        plsc.subcore_barrier()
        pltpu.sync_copy(slab.at[pl.ds(s * PPT, PPT), :],
                        out_hbm.at[b, g, pl.ds(s * PPT, PPT), :])
        plsc.subcore_barrier()


@jax.jit
def _forward_warp_sc(im0, flow, im1):
    fx = flow[..., 0].reshape(N)
    fy = flow[..., 1].reshape(N)
    src_r = im0.reshape(B, G, CB, HW).transpose(0, 1, 3, 2)
    init_r = im1.reshape(B, G, CB, HW).transpose(0, 1, 3, 2)

    phase_a = pl.kernel(
        _phase_a_body,
        out_type=(jax.ShapeDtypeStruct((4, IDX_ROWS, 128), jnp.int32),
                  jax.ShapeDtypeStruct((4, N), jnp.float32)),
        mesh=_mesh,
        scratch_types=[
            pltpu.VMEM((CH,), jnp.float32),
            pltpu.VMEM((CH,), jnp.float32),
            pltpu.VMEM((4, CH // 128, 128), jnp.int32),
            pltpu.VMEM((4, CH), jnp.float32),
        ],
        compiler_params=_compiler_params(),
    )
    idx_all, w_all = phase_a(fx, fy)

    phase_b = pl.kernel(
        _phase_b_body,
        out_type=jax.ShapeDtypeStruct((B, G, HW, CB), jnp.float32),
        mesh=_mesh,
        scratch_types=[
            pltpu.VMEM_SHARED((HW, CB), jnp.float32),
            pltpu.VMEM((CH, CB), jnp.float32),
            pltpu.VMEM((4 * (CH // 128), 128), jnp.int32),
            pltpu.VMEM((4, CH), jnp.float32),
            pltpu.VMEM((4 * (CH // 256), 128, CB), jnp.float32),
        ],
        compiler_params=_compiler_params(),
    )
    out_r = phase_b(src_r, init_r, idx_all, w_all)
    return out_r.transpose(0, 1, 3, 2).reshape(B, C, H, W)


def kernel(im0, flow, im1):
    return _forward_warp_sc(im0, flow, im1)

# --- scband reference (transcript-rebuilt; emitter-appended) ---
"""Pipeline reference for scband-forward-warp-80298708566543 (READ-ONLY COPY).

The authoritative reference and input builder live on the scoring server;
editing this copy changes nothing except your own understanding.
"""

import jax, jax.numpy as jnp
import numpy as np

B, C, H, W = 2, 96, 384, 384

def setup_inputs(seed: int = 0):
    key = jax.random.key(seed)
    k1, k2 = jax.random.split(key)
    im0 = jax.random.normal(k1, (B, C, H, W), dtype=jnp.float32)
    flow = jax.random.normal(k2, (B, H, W, 2), dtype=jnp.float32) * 8.0
    im1 = jnp.zeros((B, C, H, W), dtype=jnp.float32)
    return {"im0": im0, "flow": flow, "im1": im1}

def _forward_warp_bilinear(im0, flow, im1):
    b, c, h, w = im0.shape
    grid_y, grid_x = jnp.meshgrid(jnp.arange(h, dtype=flow.dtype), jnp.arange(w, dtype=flow.dtype), indexing='ij')
    x = grid_x[None, :, :] + flow[..., 0]
    y = grid_y[None, :, :] + flow[..., 1]
    x_f = jnp.floor(x)
    y_f = jnp.floor(y)
    x_c = x_f + 1.0
    y_c = y_f + 1.0
    valid = (x_f >= 0) & (x_c <= w - 1) & (y_f >= 0) & (y_c <= h - 1)
    vm = valid.astype(im0.dtype)
    nw_k = (x_c - x) * (y_c - y) * vm
    ne_k = (x - x_f) * (y_c - y) * vm
    sw_k = (x_c - x) * (y - y_f) * vm
    se_k = (x - x_f) * (y - y_f) * vm
    xf = jnp.clip(x_f.astype(jnp.int32), 0, w - 1)
    yf = jnp.clip(y_f.astype(jnp.int32), 0, h - 1)
    xc = jnp.clip(x_c.astype(jnp.int32), 0, w - 1)
    yc = jnp.clip(y_c.astype(jnp.int32), 0, h - 1)
    src = im0.reshape(b, c, h * w)
    out = im1.reshape(b, c, h * w)
    def scat(o, s, idx, wk):
        return o.at[:, idx].add(s * wk[None, :])
    for (yy, xx, wk) in ((yf, xf, nw_k), (yf, xc, ne_k), (yc, xf, sw_k), (yc, xc, se_k)):
        idx = (yy * w + xx).reshape(b, h * w)
        wkf = wk.reshape(b, h * w)
        out = jax.vmap(scat)(out, src, idx, wkf)
    return out.reshape(b, c, h, w)

def reference(im0, flow, im1):
    return _forward_warp_bilinear(im0, flow, im1)

if __name__ == "__main__":
    import jax
    _d = setup_inputs()
    print(jax.jit(kernel)(*tuple(_d.values())))

</pallas_src>

<mosaic_0001>
#map = affine_map<(d0, d1) -> (0, 0, 0, 0)>
#map1 = affine_map<(d0, d1) -> (0, 0, 0)>
#map2 = affine_map<(d0, d1) -> (0, 0)>
module attributes {stable_mosaic.version = 14 : i64} {
  func.func @_phase_b_body(%arg0: i32, %arg1: i32, %arg2: memref<2x12x147456x8xf32, #tpu.memory_space<hbm>>, %arg3: memref<2x12x147456x8xf32, #tpu.memory_space<hbm>>, %arg4: memref<4x2304x128xi32, #tpu.memory_space<hbm>>, %arg5: memref<4x294912xf32, #tpu.memory_space<hbm>>, %arg6: memref<2x12x147456x8xf32, #tpu.memory_space<hbm>>, %arg7: memref<147456x8xf32, #tpu.memory_space<vmem_shared>>, %arg8: memref<1536x8xf32, #tpu.memory_space<vmem>>, %arg9: memref<48x128xi32, #tpu.memory_space<vmem>>, %arg10: memref<4x1536xf32, #tpu.memory_space<vmem>>, %arg11: memref<24x128x8xf32, #tpu.memory_space<vmem>>) attributes {dimension_semantics = [#tpu.dimension_semantics<core_parallel>, #tpu.dimension_semantics<subcore_parallel>], iteration_bounds = array<i64: 2, 16>, scalar_prefetch = 0 : i64, scratch_operands = 5 : i64, tpu.core_type = #tpu.core_type<sc_vector_subcore>, window_params = [{transform_indices = #map}, {transform_indices = #map}, {transform_indices = #map1}, {transform_indices = #map2}, {transform_indices = #map}]} {
    %iota3A = tpu.iota {dimensions = array<i32: 0>} : vector<16xi32>
    %ge3A = arith.constant 8 : i32
    %ge3A_0 = vector.broadcast %ge3A : i32 to vector<16xi32>
    %ge3A_1 = arith.cmpi sge, %iota3A, %ge3A_0 : vector<16xi32>
    %convert_element_type3A = arith.extui %ge3A_1 : vector<16xi1> to vector<16xi32>
    %and3A = arith.constant 7 : i32
    %and3A_2 = vector.broadcast %and3A : i32 to vector<16xi32>
    %and3A_3 = arith.andi %iota3A, %and3A_2 : vector<16xi32>
    %broadcast_in_dim3A = arith.constant 0 : i32
    %broadcast_in_dim3A_4 = vector.broadcast %broadcast_in_dim3A : i32 to vector<16xi32>
    %broadcast_in_dim3A_5 = arith.constant 1 : i32
    %broadcast_in_dim3A_6 = vector.broadcast %broadcast_in_dim3A_5 : i32 to vector<16xi32>
    %broadcast_in_dim3A_7 = arith.constant 2 : i32
    %broadcast_in_dim3A_8 = vector.broadcast %broadcast_in_dim3A_7 : i32 to vector<16xi32>
    %broadcast_in_dim3A_9 = arith.constant 3 : i32
    %broadcast_in_dim3A_10 = vector.broadcast %broadcast_in_dim3A_9 : i32 to vector<16xi32>
    %scan3A = arith.constant 0 : i32
    %scan3A_11 = arith.constant 12 : i32
    %scan3A_12 = arith.addi %scan3A, %scan3A_11 : i32
    %scan3A_13 = arith.constant 1 : i32
    scf.for %scan3A_15 = %scan3A to %scan3A_12 step %scan3A_13  : i32 {
      %mul3A = arith.constant 1 : i32
      %mul3A_16 = arith.muli %scan3A_15, %mul3A : i32
      %add3A = arith.constant 0 : i32
      %add3A_17 = arith.addi %add3A, %mul3A_16 : i32
      %and3A_18 = arith.constant 1 : i32
      %and3A_19 = arith.andi %add3A_17, %and3A_18 : i32
      %mul3A_20 = arith.constant 6 : i32
      %mul3A_21 = arith.muli %arg0, %mul3A_20 : i32
      %shift_right_logical3A = arith.constant 1 : i32
      %shift_right_logical3A_22 = arith.shrui %add3A_17, %shift_right_logical3A : i32
      %add3A_23 = arith.addi %mul3A_21, %shift_right_logical3A_22 : i32
      %mul3A_24 = arith.constant 9216 : i32
      %mul3A_25 = arith.muli %arg1, %mul3A_24 : i32
      %mul3A_26 = arith.constant 9216 : i32
      %mul3A_27 = arith.muli %arg1, %mul3A_26 : i32
      "tpu.region"() ({
        %run_scoped3A = tpu.sem_alloc : memref<!tpu.dma_semaphore, #tpu.memory_space<semaphore_mem>>
        %dma_start3A = arith.constant 0 : i32
        %dma_start3A_39 = tpu.memref_slice %arg7[%mul3A_27, %dma_start3A] : memref<147456x8xf32, #tpu.memory_space<vmem_shared>> -> memref<9216x8xf32, #tpu.memory_space<vmem_shared>>
        %dma_start3A_40 = arith.constant 0 : i32
        %dma_start3A_41 = tpu.memref_slice %arg3[%and3A_19, %add3A_23, %mul3A_25, %dma_start3A_40] : memref<2x12x147456x8xf32, #tpu.memory_space<hbm>> -> memref<1x1x9216x8xf32, #tpu.memory_space<hbm>>
        %dma_start3A_42 = tpu.memref_squeeze %dma_start3A_41 : memref<1x1x9216x8xf32, #tpu.memory_space<hbm>> -> memref<9216x8xf32, #tpu.memory_space<hbm>>
        tpu.enqueue_dma source(%dma_start3A_42 : memref<9216x8xf32, #tpu.memory_space<hbm>>) target(%dma_start3A_39 : memref<9216x8xf32, #tpu.memory_space<vmem_shared>>) target_semaphore(%run_scoped3A : memref<!tpu.dma_semaphore, #tpu.memory_space<semaphore_mem>>)
        %dma_wait3A = arith.constant 0 : i32
        %dma_wait3A_43 = tpu.memref_slice %arg7[%mul3A_27, %dma_wait3A] : memref<147456x8xf32, #tpu.memory_space<vmem_shared>> -> memref<9216x8xf32, #tpu.memory_space<vmem_shared>>
        %dma_wait3A_44 = arith.constant 0 : i32
        %dma_wait3A_45 = tpu.memref_slice %arg3[%and3A_19, %add3A_23, %mul3A_25, %dma_wait3A_44] : memref<2x12x147456x8xf32, #tpu.memory_space<hbm>> -> memref<1x1x9216x8xf32, #tpu.memory_space<hbm>>
        %dma_wait3A_46 = tpu.memref_squeeze %dma_wait3A_45 : memref<1x1x9216x8xf32, #tpu.memory_space<hbm>> -> memref<9216x8xf32, #tpu.memory_space<hbm>>
        tpu.wait_dma2 semaphore(%run_scoped3A : memref<!tpu.dma_semaphore, #tpu.memory_space<semaphore_mem>>) src(%dma_wait3A_46 : memref<9216x8xf32, #tpu.memory_space<hbm>>) dst(%dma_wait3A_43 : memref<9216x8xf32, #tpu.memory_space<vmem_shared>>)
        tpu.yield
      }) : () -> ()
      %barrier3A = arith.constant 0 : index
      tpu.barrier barrier_id(%barrier3A)
      %scan3A_28 = arith.constant 0 : i32
      %scan3A_29 = arith.constant 6 : i32
      %scan3A_30 = arith.addi %scan3A_28, %scan3A_29 : i32
      %scan3A_31 = arith.constant 1 : i32
      scf.for %scan3A_39 = %scan3A_28 to %scan3A_30 step %scan3A_31  : i32 {
        %mul3A_40 = arith.constant 1 : i32
        %mul3A_41 = arith.muli %scan3A_39, %mul3A_40 : i32
        %add3A_42 = arith.constant 0 : i32
        %add3A_43 = arith.addi %add3A_42, %mul3A_41 : i32
        %mul3A_44 = arith.constant 147456 : i32
        %mul3A_45 = arith.muli %and3A_19, %mul3A_44 : i32
        %mul3A_46 = arith.constant 9216 : i32
        %mul3A_47 = arith.muli %arg1, %mul3A_46 : i32
        %add3A_48 = arith.addi %mul3A_45, %mul3A_47 : i32
        %mul3A_49 = arith.constant 1536 : i32
        %mul3A_50 = arith.muli %add3A_43, %mul3A_49 : i32
        %add3A_51 = arith.addi %add3A_48, %mul3A_50 : i32
        %mul3A_52 = arith.constant 1152 : i32
        %mul3A_53 = arith.muli %and3A_19, %mul3A_52 : i32
        %mul3A_54 = arith.constant 72 : i32
        %mul3A_55 = arith.muli %arg1, %mul3A_54 : i32
        %add3A_56 = arith.addi %mul3A_53, %mul3A_55 : i32
        %mul3A_57 = arith.constant 12 : i32
        %mul3A_58 = arith.muli %add3A_43, %mul3A_57 : i32
        %add3A_59 = arith.addi %add3A_56, %mul3A_58 : i32
        %mul3A_60 = arith.constant 9216 : i32
        %mul3A_61 = arith.muli %arg1, %mul3A_60 : i32
        %mul3A_62 = arith.constant 1536 : i32
        %mul3A_63 = arith.muli %add3A_43, %mul3A_62 : i32
        %add3A_64 = arith.addi %mul3A_61, %mul3A_63 : i32
        "tpu.region"() ({
          %run_scoped3A_118 = tpu.sem_alloc : memref<!tpu.dma_semaphore, #tpu.memory_space<semaphore_mem>>
          %dma_start3A = arith.constant 0 : i32
          %dma_start3A_119 = tpu.memref_slice %arg2[%and3A_19, %add3A_23, %add3A_64, %dma_start3A] : memref<2x12x147456x8xf32, #tpu.memory_space<hbm>> -> memref<1x1x1536x8xf32, #tpu.memory_space<hbm>>
          %dma_start3A_120 = tpu.memref_squeeze %dma_start3A_119 : memref<1x1x1536x8xf32, #tpu.memory_space<hbm>> -> memref<1536x8xf32, #tpu.memory_space<hbm>>
          %dma_start3A_121 = arith.constant 0 : i32
          %dma_start3A_122 = tpu.memref_slice %arg2[%and3A_19, %add3A_23, %add3A_64, %dma_start3A_121] : memref<2x12x147456x8xf32, #tpu.memory_space<hbm>> -> memref<1x1x1536x8xf32, #tpu.memory_space<hbm>>
          %dma_start3A_123 = tpu.memref_squeeze %dma_start3A_122 : memref<1x1x1536x8xf32, #tpu.memory_space<hbm>> -> memref<1536x8xf32, #tpu.memory_space<hbm>>
          tpu.enqueue_dma source(%dma_start3A_123 : memref<1536x8xf32, #tpu.memory_space<hbm>>) target(%arg8 : memref<1536x8xf32, #tpu.memory_space<vmem>>) target_semaphore(%run_scoped3A_118 : memref<!tpu.dma_semaphore, #tpu.memory_space<semaphore_mem>>)
          %dma_wait3A = arith.constant 0 : i32
          %dma_wait3A_124 = tpu.memref_slice %arg2[%and3A_19, %add3A_23, %add3A_64, %dma_wait3A] : memref<2x12x147456x8xf32, #tpu.memory_space<hbm>> -> memref<1x1x1536x8xf32, #tpu.memory_space<hbm>>
          %dma_wait3A_125 = tpu.memref_squeeze %dma_wait3A_124 : memref<1x1x1536x8xf32, #tpu.memory_space<hbm>> -> memref<1536x8xf32, #tpu.memory_space<hbm>>
          %dma_wait3A_126 = arith.constant 0 : i32
          %dma_wait3A_127 = tpu.memref_slice %arg2[%and3A_19, %add3A_23, %add3A_64, %dma_wait3A_126] : memref<2x12x147456x8xf32, #tpu.memory_space<hbm>> -> memref<1x1x1536x8xf32, #tpu.memory_space<hbm>>
          %dma_wait3A_128 = tpu.memref_squeeze %dma_wait3A_127 : memref<1x1x1536x8xf32, #tpu.memory_space<hbm>> -> memref<1536x8xf32, #tpu.memory_space<hbm>>
          tpu.wait_dma2 semaphore(%run_scoped3A_118 : memref<!tpu.dma_semaphore, #tpu.memory_space<semaphore_mem>>) src(%dma_wait3A_128 : memref<1536x8xf32, #tpu.memory_space<hbm>>) dst(%arg8 : memref<1536x8xf32, #tpu.memory_space<vmem>>)
          tpu.yield
        }) : () -> ()
        "tpu.region"() ({
          %run_scoped3A_118 = tpu.sem_alloc : memref<!tpu.dma_semaphore, #tpu.memory_space<semaphore_mem>>
          %dma_start3A = arith.constant 0 : i32
          %dma_start3A_119 = tpu.memref_slice %arg5[%dma_start3A, %add3A_51] : memref<4x294912xf32, #tpu.memory_space<hbm>> -> memref<4x1536xf32, #tpu.memory_space<hbm>>
          %dma_start3A_120 = arith.constant 0 : i32
          %dma_start3A_121 = tpu.memref_slice %arg5[%dma_start3A_120, %add3A_51] : memref<4x294912xf32, #tpu.memory_space<hbm>> -> memref<4x1536xf32, #tpu.memory_space<hbm>>
          tpu.enqueue_dma source(%dma_start3A_121 : memref<4x1536xf32, #tpu.memory_space<hbm>>) target(%arg10 : memref<4x1536xf32, #tpu.memory_space<vmem>>) target_semaphore(%run_scoped3A_118 : memref<!tpu.dma_semaphore, #tpu.memory_space<semaphore_mem>>)
          %dma_wait3A = arith.constant 0 : i32
          %dma_wait3A_122 = tpu.memref_slice %arg5[%dma_wait3A, %add3A_51] : memref<4x294912xf32, #tpu.memory_space<hbm>> -> memref<4x1536xf32, #tpu.memory_space<hbm>>
          %dma_wait3A_123 = arith.constant 0 : i32
          %dma_wait3A_124 = tpu.memref_slice %arg5[%dma_wait3A_123, %add3A_51] : memref<4x294912xf32, #tpu.memory_space<hbm>> -> memref<4x1536xf32, #tpu.memory_space<hbm>>
          tpu.wait_dma2 semaphore(%run_scoped3A_118 : memref<!tpu.dma_semaphore, #tpu.memory_space<semaphore_mem>>) src(%dma_wait3A_124 : memref<4x1536xf32, #tpu.memory_space<hbm>>) dst(%arg10 : memref<4x1536xf32, #tpu.memory_space<vmem>>)
          tpu.yield
        }) : () -> ()
        %run_scoped3A = arith.constant 0 : i32
        "tpu.region"() ({
          %run_scoped3A_118 = tpu.sem_alloc : memref<!tpu.dma_semaphore, #tpu.memory_space<semaphore_mem>>
          %dma_start3A = arith.constant 0 : i32
          %dma_start3A_119 = arith.constant 0 : i32
          %dma_start3A_120 = tpu.memref_slice %arg9[%dma_start3A, %dma_start3A_119] : memref<48x128xi32, #tpu.memory_space<vmem>> -> memref<12x128xi32, #tpu.memory_space<vmem>>
          %dma_start3A_121 = arith.constant 0 : i32
          %dma_start3A_122 = tpu.memref_slice %arg4[%run_scoped3A, %add3A_59, %dma_start3A_121] : memref<4x2304x128xi32, #tpu.memory_space<hbm>> -> memref<1x12x128xi32, #tpu.memory_space<hbm>>
          %dma_start3A_123 = tpu.memref_squeeze %dma_start3A_122 : memref<1x12x128xi32, #tpu.memory_space<hbm>> -> memref<12x128xi32, #tpu.memory_space<hbm>>
          %dma_start3A_124 = arith.constant 0 : i32
          %dma_start3A_125 = arith.constant 0 : i32
          %dma_start3A_126 = tpu.memref_slice %arg9[%dma_start3A_124, %dma_start3A_125] : memref<48x128xi32, #tpu.memory_space<vmem>> -> memref<12x128xi32, #tpu.memory_space<vmem>>
          %dma_start3A_127 = arith.constant 0 : i32
          %dma_start3A_128 = tpu.memref_slice %arg4[%run_scoped3A, %add3A_59, %dma_start3A_127] : memref<4x2304x128xi32, #tpu.memory_space<hbm>> -> memref<1x12x128xi32, #tpu.memory_space<hbm>>
          %dma_start3A_129 = tpu.memref_squeeze %dma_start3A_128 : memref<1x12x128xi32, #tpu.memory_space<hbm>> -> memref<12x128xi32, #tpu.memory_space<hbm>>
          tpu.enqueue_dma source(%dma_start3A_129 : memref<12x128xi32, #tpu.memory_space<hbm>>) target(%dma_start3A_126 : memref<12x128xi32, #tpu.memory_space<vmem>>) target_semaphore(%run_scoped3A_118 : memref<!tpu.dma_semaphore, #tpu.memory_space<semaphore_mem>>)
          %dma_wait3A = arith.constant 0 : i32
          %dma_wait3A_130 = arith.constant 0 : i32
          %dma_wait3A_131 = tpu.memref_slice %arg9[%dma_wait3A, %dma_wait3A_130] : memref<48x128xi32, #tpu.memory_space<vmem>> -> memref<12x128xi32, #tpu.memory_space<vmem>>
          %dma_wait3A_132 = arith.constant 0 : i32
          %dma_wait3A_133 = tpu.memref_slice %arg4[%run_scoped3A, %add3A_59, %dma_wait3A_132] : memref<4x2304x128xi32, #tpu.memory_space<hbm>> -> memref<1x12x128xi32, #tpu.memory_space<hbm>>
          %dma_wait3A_134 = tpu.memref_squeeze %dma_wait3A_133 : memref<1x12x128xi32, #tpu.memory_space<hbm>> -> memref<12x128xi32, #tpu.memory_space<hbm>>
          %dma_wait3A_135 = arith.constant 0 : i32
          %dma_wait3A_136 = arith.constant 0 : i32
          %dma_wait3A_137 = tpu.memref_slice %arg9[%dma_wait3A_135, %dma_wait3A_136] : memref<48x128xi32, #tpu.memory_space<vmem>> -> memref<12x128xi32, #tpu.memory_space<vmem>>
          %dma_wait3A_138 = arith.constant 0 : i32
          %dma_wait3A_139 = tpu.memref_slice %arg4[%run_scoped3A, %add3A_59, %dma_wait3A_138] : memref<4x2304x128xi32, #tpu.memory_space<hbm>> -> memref<1x12x128xi32, #tpu.memory_space<hbm>>
          %dma_wait3A_140 = tpu.memref_squeeze %dma_wait3A_139 : memref<1x12x128xi32, #tpu.memory_space<hbm>> -> memref<12x128xi32, #tpu.memory_space<hbm>>
          tpu.wait_dma2 semaphore(%run_scoped3A_118 : memref<!tpu.dma_semaphore, #tpu.memory_space<semaphore_mem>>) src(%dma_wait3A_140 : memref<12x128xi32, #tpu.memory_space<hbm>>) dst(%dma_wait3A_137 : memref<12x128xi32, #tpu.memory_space<vmem>>)
          tpu.yield
        }) : () -> ()
        %run_scoped3A_65 = arith.constant 1 : i32
        "tpu.region"() ({
          %run_scoped3A_118 = tpu.sem_alloc : memref<!tpu.dma_semaphore, #tpu.memory_space<semaphore_mem>>
          %dma_start3A = arith.constant 12 : i32
          %dma_start3A_119 = arith.constant 0 : i32
          %dma_start3A_120 = tpu.memref_slice %arg9[%dma_start3A, %dma_start3A_119] : memref<48x128xi32, #tpu.memory_space<vmem>> -> memref<12x128xi32, #tpu.memory_space<vmem>>
          %dma_start3A_121 = arith.constant 0 : i32
          %dma_start3A_122 = tpu.memref_slice %arg4[%run_scoped3A_65, %add3A_59, %dma_start3A_121] : memref<4x2304x128xi32, #tpu.memory_space<hbm>> -> memref<1x12x128xi32, #tpu.memory_space<hbm>>
          %dma_start3A_123 = tpu.memref_squeeze %dma_start3A_122 : memref<1x12x128xi32, #tpu.memory_space<hbm>> -> memref<12x128xi32, #tpu.memory_space<hbm>>
          %dma_start3A_124 = arith.constant 12 : i32
          %dma_start3A_125 = arith.constant 0 : i32
          %dma_start3A_126 = tpu.memref_slice %arg9[%dma_start3A_124, %dma_start3A_125] : memref<48x128xi32, #tpu.memory_space<vmem>> -> memref<12x128xi32, #tpu.memory_space<vmem>>
          %dma_start3A_127 = arith.constant 0 : i32
          %dma_start3A_128 = tpu.memref_slice %arg4[%run_scoped3A_65, %add3A_59, %dma_start3A_127] : memref<4x2304x128xi32, #tpu.memory_space<hbm>> -> memref<1x12x128xi32, #tpu.memory_space<hbm>>
          %dma_start3A_129 = tpu.memref_squeeze %dma_start3A_128 : memref<1x12x128xi32, #tpu.memory_space<hbm>> -> memref<12x128xi32, #tpu.memory_space<hbm>>
          tpu.enqueue_dma source(%dma_start3A_129 : memref<12x128xi32, #tpu.memory_space<hbm>>) target(%dma_start3A_126 : memref<12x128xi32, #tpu.memory_space<vmem>>) target_semaphore(%run_scoped3A_118 : memref<!tpu.dma_semaphore, #tpu.memory_space<semaphore_mem>>)
          %dma_wait3A = arith.constant 12 : i32
          %dma_wait3A_130 = arith.constant 0 : i32
          %dma_wait3A_131 = tpu.memref_slice %arg9[%dma_wait3A, %dma_wait3A_130] : memref<48x128xi32, #tpu.memory_space<vmem>> -> memref<12x128xi32, #tpu.memory_space<vmem>>
          %dma_wait3A_132 = arith.constant 0 : i32
          %dma_wait3A_133 = tpu.memref_slice %arg4[%run_scoped3A_65, %add3A_59, %dma_wait3A_132] : memref<4x2304x128xi32, #tpu.memory_space<hbm>> -> memref<1x12x128xi32, #tpu.memory_space<hbm>>
          %dma_wait3A_134 = tpu.memref_squeeze %dma_wait3A_133 : memref<1x12x128xi32, #tpu.memory_space<hbm>> -> memref<12x128xi32, #tpu.memory_space<hbm>>
          %dma_wait3A_135 = arith.constant 12 : i32
          %dma_wait3A_136 = arith.constant 0 : i32
          %dma_wait3A_137 = tpu.memref_slice %arg9[%dma_wait3A_135, %dma_wait3A_136] : memref<48x128xi32, #tpu.memory_space<vmem>> -> memref<12x128xi32, #tpu.memory_space<vmem>>
          %dma_wait3A_138 = arith.constant 0 : i32
          %dma_wait3A_139 = tpu.memref_slice %arg4[%run_scoped3A_65, %add3A_59, %dma_wait3A_138] : memref<4x2304x128xi32, #tpu.memory_space<hbm>> -> memref<1x12x128xi32, #tpu.memory_space<hbm>>
          %dma_wait3A_140 = tpu.memref_squeeze %dma_wait3A_139 : memref<1x12x128xi32, #tpu.memory_space<hbm>> -> memref<12x128xi32, #tpu.memory_space<hbm>>
          tpu.wait_dma2 semaphore(%run_scoped3A_118 : memref<!tpu.dma_semaphore, #tpu.memory_space<semaphore_mem>>) src(%dma_wait3A_140 : memref<12x128xi32, #tpu.memory_space<hbm>>) dst(%dma_wait3A_137 : memref<12x128xi32, #tpu.memory_space<vmem>>)
          tpu.yield
        }) : () -> ()
        %run_scoped3A_66 = arith.constant 2 : i32
        "tpu.region"() ({
          %run_scoped3A_118 = tpu.sem_alloc : memref<!tpu.dma_semaphore, #tpu.memory_space<semaphore_mem>>
          %dma_start3A = arith.constant 24 : i32
          %dma_start3A_119 = arith.constant 0 : i32
          %dma_start3A_120 = tpu.memref_slice %arg9[%dma_start3A, %dma_start3A_119] : memref<48x128xi32, #tpu.memory_space<vmem>> -> memref<12x128xi32, #tpu.memory_space<vmem>>
          %dma_start3A_121 = arith.constant 0 : i32
          %dma_start3A_122 = tpu.memref_slice %arg4[%run_scoped3A_66, %add3A_59, %dma_start3A_121] : memref<4x2304x128xi32, #tpu.memory_space<hbm>> -> memref<1x12x128xi32, #tpu.memory_space<hbm>>
          %dma_start3A_123 = tpu.memref_squeeze %dma_start3A_122 : memref<1x12x128xi32, #tpu.memory_space<hbm>> -> memref<12x128xi32, #tpu.memory_space<hbm>>
          %dma_start3A_124 = arith.constant 24 : i32
          %dma_start3A_125 = arith.constant 0 : i32
          %dma_start3A_126 = tpu.memref_slice %arg9[%dma_start3A_124, %dma_start3A_125] : memref<48x128xi32, #tpu.memory_space<vmem>> -> memref<12x128xi32, #tpu.memory_space<vmem>>
          %dma_start3A_127 = arith.constant 0 : i32
          %dma_start3A_128 = tpu.memref_slice %arg4[%run_scoped3A_66, %add3A_59, %dma_start3A_127] : memref<4x2304x128xi32, #tpu.memory_space<hbm>> -> memref<1x12x128xi32, #tpu.memory_space<hbm>>
          %dma_start3A_129 = tpu.memref_squeeze %dma_start3A_128 : memref<1x12x128xi32, #tpu.memory_space<hbm>> -> memref<12x128xi32, #tpu.memory_space<hbm>>
          tpu.enqueue_dma source(%dma_start3A_129 : memref<12x128xi32, #tpu.memory_space<hbm>>) target(%dma_start3A_126 : memref<12x128xi32, #tpu.memory_space<vmem>>) target_semaphore(%run_scoped3A_118 : memref<!tpu.dma_semaphore, #tpu.memory_space<semaphore_mem>>)
          %dma_wait3A = arith.constant 24 : i32
          %dma_wait3A_130 = arith.constant 0 : i32
          %dma_wait3A_131 = tpu.memref_slice %arg9[%dma_wait3A, %dma_wait3A_130] : memref<48x128xi32, #tpu.memory_space<vmem>> -> memref<12x128xi32, #tpu.memory_space<vmem>>
          %dma_wait3A_132 = arith.constant 0 : i32
          %dma_wait3A_133 = tpu.memref_slice %arg4[%run_scoped3A_66, %add3A_59, %dma_wait3A_132] : memref<4x2304x128xi32, #tpu.memory_space<hbm>> -> memref<1x12x128xi32, #tpu.memory_space<hbm>>
          %dma_wait3A_134 = tpu.memref_squeeze %dma_wait3A_133 : memref<1x12x128xi32, #tpu.memory_space<hbm>> -> memref<12x128xi32, #tpu.memory_space<hbm>>
          %dma_wait3A_135 = arith.constant 24 : i32
          %dma_wait3A_136 = arith.constant 0 : i32
          %dma_wait3A_137 = tpu.memref_slice %arg9[%dma_wait3A_135, %dma_wait3A_136] : memref<48x128xi32, #tpu.memory_space<vmem>> -> memref<12x128xi32, #tpu.memory_space<vmem>>
          %dma_wait3A_138 = arith.constant 0 : i32
          %dma_wait3A_139 = tpu.memref_slice %arg4[%run_scoped3A_66, %add3A_59, %dma_wait3A_138] : memref<4x2304x128xi32, #tpu.memory_space<hbm>> -> memref<1x12x128xi32, #tpu.memory_space<hbm>>
          %dma_wait3A_140 = tpu.memref_squeeze %dma_wait3A_139 : memref<1x12x128xi32, #tpu.memory_space<hbm>> -> memref<12x128xi32, #tpu.memory_space<hbm>>
          tpu.wait_dma2 semaphore(%run_scoped3A_118 : memref<!tpu.dma_semaphore, #tpu.memory_space<semaphore_mem>>) src(%dma_wait3A_140 : memref<12x128xi32, #tpu.memory_space<hbm>>) dst(%dma_wait3A_137 : memref<12x128xi32, #tpu.memory_space<vmem>>)
          tpu.yield
        }) : () -> ()
        %run_scoped3A_67 = arith.constant 3 : i32
        "tpu.region"() ({
          %run_scoped3A_118 = tpu.sem_alloc : memref<!tpu.dma_semaphore, #tpu.memory_space<semaphore_mem>>
          %dma_start3A = arith.constant 36 : i32
          %dma_start3A_119 = arith.constant 0 : i32
          %dma_start3A_120 = tpu.memref_slice %arg9[%dma_start3A, %dma_start3A_119] : memref<48x128xi32, #tpu.memory_space<vmem>> -> memref<12x128xi32, #tpu.memory_space<vmem>>
          %dma_start3A_121 = arith.constant 0 : i32
          %dma_start3A_122 = tpu.memref_slice %arg4[%run_scoped3A_67, %add3A_59, %dma_start3A_121] : memref<4x2304x128xi32, #tpu.memory_space<hbm>> -> memref<1x12x128xi32, #tpu.memory_space<hbm>>
          %dma_start3A_123 = tpu.memref_squeeze %dma_start3A_122 : memref<1x12x128xi32, #tpu.memory_space<hbm>> -> memref<12x128xi32, #tpu.memory_space<hbm>>
          %dma_start3A_124 = arith.constant 36 : i32
          %dma_start3A_125 = arith.constant 0 : i32
          %dma_start3A_126 = tpu.memref_slice %arg9[%dma_start3A_124, %dma_start3A_125] : memref<48x128xi32, #tpu.memory_space<vmem>> -> memref<12x128xi32, #tpu.memory_space<vmem>>
          %dma_start3A_127 = arith.constant 0 : i32
          %dma_start3A_128 = tpu.memref_slice %arg4[%run_scoped3A_67, %add3A_59, %dma_start3A_127] : memref<4x2304x128xi32, #tpu.memory_space<hbm>> -> memref<1x12x128xi32, #tpu.memory_space<hbm>>
          %dma_start3A_129 = tpu.memref_squeeze %dma_start3A_128 : memref<1x12x128xi32, #tpu.memory_space<hbm>> -> memref<12x128xi32, #tpu.memory_space<hbm>>
          tpu.enqueue_dma source(%dma_start3A_129 : memref<12x128xi32, #tpu.memory_space<hbm>>) target(%dma_start3A_126 : memref<12x128xi32, #tpu.memory_space<vmem>>) target_semaphore(%run_scoped3A_118 : memref<!tpu.dma_semaphore, #tpu.memory_space<semaphore_mem>>)
          %dma_wait3A = arith.constant 36 : i32
          %dma_wait3A_130 = arith.constant 0 : i32
          %dma_wait3A_131 = tpu.memref_slice %arg9[%dma_wait3A, %dma_wait3A_130] : memref<48x128xi32, #tpu.memory_space<vmem>> -> memref<12x128xi32, #tpu.memory_space<vmem>>
          %dma_wait3A_132 = arith.constant 0 : i32
          %dma_wait3A_133 = tpu.memref_slice %arg4[%run_scoped3A_67, %add3A_59, %dma_wait3A_132] : memref<4x2304x128xi32, #tpu.memory_space<hbm>> -> memref<1x12x128xi32, #tpu.memory_space<hbm>>
          %dma_wait3A_134 = tpu.memref_squeeze %dma_wait3A_133 : memref<1x12x128xi32, #tpu.memory_space<hbm>> -> memref<12x128xi32, #tpu.memory_space<hbm>>
          %dma_wait3A_135 = arith.constant 36 : i32
          %dma_wait3A_136 = arith.constant 0 : i32
          %dma_wait3A_137 = tpu.memref_slice %arg9[%dma_wait3A_135, %dma_wait3A_136] : memref<48x128xi32, #tpu.memory_space<vmem>> -> memref<12x128xi32, #tpu.memory_space<vmem>>
          %dma_wait3A_138 = arith.constant 0 : i32
          %dma_wait3A_139 = tpu.memref_slice %arg4[%run_scoped3A_67, %add3A_59, %dma_wait3A_138] : memref<4x2304x128xi32, #tpu.memory_space<hbm>> -> memref<1x12x128xi32, #tpu.memory_space<hbm>>
          %dma_wait3A_140 = tpu.memref_squeeze %dma_wait3A_139 : memref<1x12x128xi32, #tpu.memory_space<hbm>> -> memref<12x128xi32, #tpu.memory_space<hbm>>
          tpu.wait_dma2 semaphore(%run_scoped3A_118 : memref<!tpu.dma_semaphore, #tpu.memory_space<semaphore_mem>>) src(%dma_wait3A_140 : memref<12x128xi32, #tpu.memory_space<hbm>>) dst(%dma_wait3A_137 : memref<12x128xi32, #tpu.memory_space<vmem>>)
          tpu.yield
        }) : () -> ()
        %scan3A_68 = arith.constant 0 : i32
        %scan3A_69 = arith.constant 384 : i32
        %scan3A_70 = arith.addi %scan3A_68, %scan3A_69 : i32
        %scan3A_71 = arith.constant 1 : i32
        scf.for %scan3A_118 = %scan3A_68 to %scan3A_70 step %scan3A_71  : i32 {
          %mul3A_119 = arith.constant 1 : i32
          %mul3A_120 = arith.muli %scan3A_118, %mul3A_119 : i32
          %add3A_121 = arith.constant 0 : i32
          %add3A_122 = arith.addi %add3A_121, %mul3A_120 : i32
          %mul3A_123 = arith.constant 2 : i32
          %mul3A_124 = arith.muli %mul3A_123, %add3A_122 : i32
          %add3A_125 = vector.broadcast %mul3A_124 : i32 to vector<16xi32>
          %add3A_126 = arith.addi %convert_element_type3A, %add3A_125 : vector<16xi32>
          %add3A_127 = arith.constant 0 : i32
          %add3A_128 = vector.broadcast %add3A_127 : i32 to vector<16xi32>
          %add3A_129 = arith.addi %add3A_126, %add3A_128 : vector<16xi32>
          %gather3A = tpu.vector_load_idx %arg8[%add3A_129, %and3A_3] : memref<1536x8xf32, #tpu.memory_space<vmem>>[vector<16xi32>, vector<16xi32>], vector<16xf32>,
          %shift_right_logical3A_130 = arith.constant 7 : i32
          %shift_right_logical3A_131 = vector.broadcast %shift_right_logical3A_130 : i32 to vector<16xi32>
          %shift_right_logical3A_132 = arith.shrui %add3A_126, %shift_right_logical3A_131 : vector<16xi32>
          %and3A_133 = arith.constant 127 : i32
          %and3A_134 = vector.broadcast %and3A_133 : i32 to vector<16xi32>
          %and3A_135 = arith.andi %add3A_126, %and3A_134 : vector<16xi32>
          %gather3A_136 = tpu.vector_load_idx %arg10[%broadcast_in_dim3A_4, %add3A_129] : memref<4x1536xf32, #tpu.memory_space<vmem>>[vector<16xi32>, vector<16xi32>], vector<16xf32>,
          %add3A_137 = arith.constant 0 : i32
          %add3A_138 = vector.broadcast %add3A_137 : i32 to vector<16xi32>
          %add3A_139 = arith.addi %shift_right_logical3A_132, %add3A_138 : vector<16xi32>
          %mul3A_140 = arith.mulf %gather3A, %gather3A_136 : vector<16xf32>
          tpu.vector_store_idx %arg11[%add3A_139, %and3A_135, %and3A_3], %mul3A_140 : memref<24x128x8xf32, #tpu.memory_space<vmem>>[vector<16xi32>, vector<16xi32>, vector<16xi32>], vector<16xf32>,
          %gather3A_141 = tpu.vector_load_idx %arg10[%broadcast_in_dim3A_6, %add3A_129] : memref<4x1536xf32, #tpu.memory_space<vmem>>[vector<16xi32>, vector<16xi32>], vector<16xf32>,
          %add3A_142 = arith.constant 6 : i32
          %add3A_143 = vector.broadcast %add3A_142 : i32 to vector<16xi32>
          %add3A_144 = arith.addi %shift_right_logical3A_132, %add3A_143 : vector<16xi32>
          %mul3A_145 = arith.mulf %gather3A, %gather3A_141 : vector<16xf32>
          tpu.vector_store_idx %arg11[%add3A_144, %and3A_135, %and3A_3], %mul3A_145 : memref<24x128x8xf32, #tpu.memory_space<vmem>>[vector<16xi32>, vector<16xi32>, vector<16xi32>], vector<16xf32>,
          %gather3A_146 = tpu.vector_load_idx %arg10[%broadcast_in_dim3A_8, %add3A_129] : memref<4x1536xf32, #tpu.memory_space<vmem>>[vector<16xi32>, vector<16xi32>], vector<16xf32>,
          %add3A_147 = arith.constant 12 : i32
          %add3A_148 = vector.broadcast %add3A_147 : i32 to vector<16xi32>
          %add3A_149 = arith.addi %shift_right_logical3A_132, %add3A_148 : vector<16xi32>
          %mul3A_150 = arith.mulf %gather3A, %gather3A_146 : vector<16xf32>
          tpu.vector_store_idx %arg11[%add3A_149, %and3A_135, %and3A_3], %mul3A_150 : memref<24x128x8xf32, #tpu.memory_space<vmem>>[vector<16xi32>, vector<16xi32>, vector<16xi32>], vector<16xf32>,
          %gather3A_151 = tpu.vector_load_idx %arg10[%broadcast_in_dim3A_10, %add3A_129] : memref<4x1536xf32, #tpu.memory_space<vmem>>[vector<16xi32>, vector<16xi32>], vector<16xf32>,
          %add3A_152 = arith.constant 18 : i32
          %add3A_153 = vector.broadcast %add3A_152 : i32 to vector<16xi32>
          %add3A_154 = arith.addi %shift_right_logical3A_132, %add3A_153 : vector<16xi32>
          %mul3A_155 = arith.mulf %gather3A, %gather3A_151 : vector<16xf32>
          tpu.vector_store_idx %arg11[%add3A_154, %and3A_135, %and3A_3], %mul3A_155 : memref<24x128x8xf32, #tpu.memory_space<vmem>>[vector<16xi32>, vector<16xi32>, vector<16xi32>], vector<16xf32>,
        }
        %scan3A_72 = arith.constant 384 : i32
        %scan3A_73 = arith.constant 0 : i32
        %scan3A_74 = arith.constant 6 : i32
        %scan3A_75 = arith.addi %scan3A_73, %scan3A_74 : i32
        %scan3A_76 = arith.constant 1 : i32
        scf.for %scan3A_118 = %scan3A_73 to %scan3A_75 step %scan3A_76  : i32 {
          %mul3A_119 = arith.constant 1 : i32
          %mul3A_120 = arith.muli %scan3A_118, %mul3A_119 : i32
          %add3A_121 = arith.constant 0 : i32
          %add3A_122 = arith.addi %add3A_121, %mul3A_120 : i32
          %add3A_123 = arith.constant 0 : i32
          %add3A_124 = arith.addi %add3A_123, %add3A_122 : i32
          %add3A_125 = arith.constant 0 : i32
          %add3A_126 = arith.addi %add3A_125, %add3A_122 : i32
          "tpu.region"() ({
            %run_scoped3A_127 = tpu.sem_alloc : memref<!tpu.dma_semaphore, #tpu.memory_space<semaphore_mem>>
            %dma_start3A = arith.constant 0 : i32
            %dma_start3A_128 = arith.constant 0 : i32
            %dma_start3A_129 = tpu.memref_slice %arg11[%add3A_124, %dma_start3A, %dma_start3A_128] : memref<24x128x8xf32, #tpu.memory_space<vmem>> -> memref<1x128x8xf32, #tpu.memory_space<vmem>>
            %dma_start3A_130 = tpu.memref_squeeze %dma_start3A_129 : memref<1x128x8xf32, #tpu.memory_space<vmem>> -> memref<128x8xf32, #tpu.memory_space<vmem>>
            %dma_start3A_131 = arith.constant 0 : i32
            %dma_start3A_132 = tpu.memref_slice %arg9[%add3A_126, %dma_start3A_131] : memref<48x128xi32, #tpu.memory_space<vmem>> -> memref<1x128xi32, #tpu.memory_space<vmem>>
            %dma_start3A_133 = tpu.memref_squeeze %dma_start3A_132 : memref<1x128xi32, #tpu.memory_space<vmem>> -> memref<128xi32, #tpu.memory_space<vmem>>
            %dma_start3A_134 = arith.constant 0 : i32
            %dma_start3A_135 = arith.constant 0 : i32
            %dma_start3A_136 = tpu.memref_slice %arg7[%dma_start3A_134, %dma_start3A_135] : memref<147456x8xf32, #tpu.memory_space<vmem_shared>> -> memref<147456x8xf32, #tpu.memory_space<vmem_shared>>
            tpu.enqueue_indirect_dma source(%dma_start3A_130 : memref<128x8xf32, #tpu.memory_space<vmem>>) target(%dma_start3A_136 : memref<147456x8xf32, #tpu.memory_space<vmem_shared>>) offsets(%dma_start3A_133 : memref<128xi32, #tpu.memory_space<vmem>>) semaphore(%run_scoped3A_127 : memref<!tpu.dma_semaphore, #tpu.memory_space<semaphore_mem>>) {add = true}
            %dma_wait3A = arith.constant 0 : i32
            %dma_wait3A_137 = arith.constant 0 : i32
            %dma_wait3A_138 = tpu.memref_slice %arg11[%add3A_124, %dma_wait3A, %dma_wait3A_137] : memref<24x128x8xf32, #tpu.memory_space<vmem>> -> memref<1x128x8xf32, #tpu.memory_space<vmem>>
            %dma_wait3A_139 = tpu.memref_squeeze %dma_wait3A_138 : memref<1x128x8xf32, #tpu.memory_space<vmem>> -> memref<128x8xf32, #tpu.memory_space<vmem>>
            %dma_wait3A_140 = arith.constant 0 : i32
            %dma_wait3A_141 = tpu.memref_slice %arg9[%add3A_126, %dma_wait3A_140] : memref<48x128xi32, #tpu.memory_space<vmem>> -> memref<1x128xi32, #tpu.memory_space<vmem>>
            %dma_wait3A_142 = tpu.memref_squeeze %dma_wait3A_141 : memref<1x128xi32, #tpu.memory_space<vmem>> -> memref<128xi32, #tpu.memory_space<vmem>>
            %dma_wait3A_143 = arith.constant 0 : i32
            %dma_wait3A_144 = arith.constant 0 : i32
            %dma_wait3A_145 = tpu.memref_slice %arg7[%dma_wait3A_143, %dma_wait3A_144] : memref<147456x8xf32, #tpu.memory_space<vmem_shared>> -> memref<147456x8xf32, #tpu.memory_space<vmem_shared>>
            tpu.wait_indirect_dma semaphore(%run_scoped3A_127 : memref<!tpu.dma_semaphore, #tpu.memory_space<semaphore_mem>>) src(%dma_wait3A_139 : memref<128x8xf32, #tpu.memory_space<vmem>>) dst(%dma_wait3A_145 : memref<147456x8xf32, #tpu.memory_space<vmem_shared>>)
            tpu.yield
          }) : () -> ()
        }
        %scan3A_77 = arith.constant 6 : i32
        %scan3A_78 = arith.constant 0 : i32
        %scan3A_79 = arith.constant 6 : i32
        %scan3A_80 = arith.addi %scan3A_78, %scan3A_79 : i32
        %scan3A_81 = arith.constant 1 : i32
        scf.for %scan3A_118 = %scan3A_78 to %scan3A_80 step %scan3A_81  : i32 {
          %mul3A_119 = arith.constant 1 : i32
          %mul3A_120 = arith.muli %scan3A_118, %mul3A_119 : i32
          %add3A_121 = arith.constant 0 : i32
          %add3A_122 = arith.addi %add3A_121, %mul3A_120 : i32
          %add3A_123 = arith.constant 6 : i32
          %add3A_124 = arith.addi %add3A_123, %add3A_122 : i32
          %add3A_125 = arith.constant 12 : i32
          %add3A_126 = arith.addi %add3A_125, %add3A_122 : i32
          "tpu.region"() ({
            %run_scoped3A_127 = tpu.sem_alloc : memref<!tpu.dma_semaphore, #tpu.memory_space<semaphore_mem>>
            %dma_start3A = arith.constant 0 : i32
            %dma_start3A_128 = arith.constant 0 : i32
            %dma_start3A_129 = tpu.memref_slice %arg11[%add3A_124, %dma_start3A, %dma_start3A_128] : memref<24x128x8xf32, #tpu.memory_space<vmem>> -> memref<1x128x8xf32, #tpu.memory_space<vmem>>
            %dma_start3A_130 = tpu.memref_squeeze %dma_start3A_129 : memref<1x128x8xf32, #tpu.memory_space<vmem>> -> memref<128x8xf32, #tpu.memory_space<vmem>>
            %dma_start3A_131 = arith.constant 0 : i32
            %dma_start3A_132 = tpu.memref_slice %arg9[%add3A_126, %dma_start3A_131] : memref<48x128xi32, #tpu.memory_space<vmem>> -> memref<1x128xi32, #tpu.memory_space<vmem>>
            %dma_start3A_133 = tpu.memref_squeeze %dma_start3A_132 : memref<1x128xi32, #tpu.memory_space<vmem>> -> memref<128xi32, #tpu.memory_space<vmem>>
            %dma_start3A_134 = arith.constant 0 : i32
            %dma_start3A_135 = arith.constant 0 : i32
            %dma_start3A_136 = tpu.memref_slice %arg7[%dma_start3A_134, %dma_start3A_135] : memref<147456x8xf32, #tpu.memory_space<vmem_shared>> -> memref<147456x8xf32, #tpu.memory_space<vmem_shared>>
            tpu.enqueue_indirect_dma source(%dma_start3A_130 : memref<128x8xf32, #tpu.memory_space<vmem>>) target(%dma_start3A_136 : memref<147456x8xf32, #tpu.memory_space<vmem_shared>>) offsets(%dma_start3A_133 : memref<128xi32, #tpu.memory_space<vmem>>) semaphore(%run_scoped3A_127 : memref<!tpu.dma_semaphore, #tpu.memory_space<semaphore_mem>>) {add = true}
            %dma_wait3A = arith.constant 0 : i32
            %dma_wait3A_137 = arith.constant 0 : i32
            %dma_wait3A_138 = tpu.memref_slice %arg11[%add3A_124, %dma_wait3A, %dma_wait3A_137] : memref<24x128x8xf32, #tpu.memory_space<vmem>> -> memref<1x128x8xf32, #tpu.memory_space<vmem>>
            %dma_wait3A_139 = tpu.memref_squeeze %dma_wait3A_138 : memref<1x128x8xf32, #tpu.memory_space<vmem>> -> memref<128x8xf32, #tpu.memory_space<vmem>>
            %dma_wait3A_140 = arith.constant 0 : i32
            %dma_wait3A_141 = tpu.memref_slice %arg9[%add3A_126, %dma_wait3A_140] : memref<48x128xi32, #tpu.memory_space<vmem>> -> memref<1x128xi32, #tpu.memory_space<vmem>>
            %dma_wait3A_142 = tpu.memref_squeeze %dma_wait3A_141 : memref<1x128xi32, #tpu.memory_space<vmem>> -> memref<128xi32, #tpu.memory_space<vmem>>
            %dma_wait3A_143 = arith.constant 0 : i32
            %dma_wait3A_144 = arith.constant 0 : i32
            %dma_wait3A_145 = tpu.memref_slice %arg7[%dma_wait3A_143, %dma_wait3A_144] : memref<147456x8xf32, #tpu.memory_space<vmem_shared>> -> memref<147456x8xf32, #tpu.memory_space<vmem_shared>>
            tpu.wait_indirect_dma semaphore(%run_scoped3A_127 : memref<!tpu.dma_semaphore, #tpu.memory_space<semaphore_mem>>) src(%dma_wait3A_139 : memref<128x8xf32, #tpu.memory_space<vmem>>) dst(%dma_wait3A_145 : memref<147456x8xf32, #tpu.memory_space<vmem_shared>>)
            tpu.yield
          }) : () -> ()
        }
        %scan3A_82 = arith.constant 6 : i32
        %scan3A_83 = arith.constant 0 : i32
        %scan3A_84 = arith.constant 6 : i32
        %scan3A_85 = arith.addi %scan3A_83, %scan3A_84 : i32
        %scan3A_86 = arith.constant 1 : i32
        scf.for %scan3A_118 = %scan3A_83 to %scan3A_85 step %scan3A_86  : i32 {
          %mul3A_119 = arith.constant 1 : i32
          %mul3A_120 = arith.muli %scan3A_118, %mul3A_119 : i32
          %add3A_121 = arith.constant 0 : i32
          %add3A_122 = arith.addi %add3A_121, %mul3A_120 : i32
          %add3A_123 = arith.constant 12 : i32
          %add3A_124 = arith.addi %add3A_123, %add3A_122 : i32
          %add3A_125 = arith.constant 24 : i32
          %add3A_126 = arith.addi %add3A_125, %add3A_122 : i32
          "tpu.region"() ({
            %run_scoped3A_127 = tpu.sem_alloc : memref<!tpu.dma_semaphore, #tpu.memory_space<semaphore_mem>>
            %dma_start3A = arith.constant 0 : i32
            %dma_start3A_128 = arith.constant 0 : i32
            %dma_start3A_129 = tpu.memref_slice %arg11[%add3A_124, %dma_start3A, %dma_start3A_128] : memref<24x128x8xf32, #tpu.memory_space<vmem>> -> memref<1x128x8xf32, #tpu.memory_space<vmem>>
            %dma_start3A_130 = tpu.memref_squeeze %dma_start3A_129 : memref<1x128x8xf32, #tpu.memory_space<vmem>> -> memref<128x8xf32, #tpu.memory_space<vmem>>
            %dma_start3A_131 = arith.constant 0 : i32
            %dma_start3A_132 = tpu.memref_slice %arg9[%add3A_126, %dma_start3A_131] : memref<48x128xi32, #tpu.memory_space<vmem>> -> memref<1x128xi32, #tpu.memory_space<vmem>>
            %dma_start3A_133 = tpu.memref_squeeze %dma_start3A_132 : memref<1x128xi32, #tpu.memory_space<vmem>> -> memref<128xi32, #tpu.memory_space<vmem>>
            %dma_start3A_134 = arith.constant 0 : i32
            %dma_start3A_135 = arith.constant 0 : i32
            %dma_start3A_136 = tpu.memref_slice %arg7[%dma_start3A_134, %dma_start3A_135] : memref<147456x8xf32, #tpu.memory_space<vmem_shared>> -> memref<147456x8xf32, #tpu.memory_space<vmem_shared>>
            tpu.enqueue_indirect_dma source(%dma_start3A_130 : memref<128x8xf32, #tpu.memory_space<vmem>>) target(%dma_start3A_136 : memref<147456x8xf32, #tpu.memory_space<vmem_shared>>) offsets(%dma_start3A_133 : memref<128xi32, #tpu.memory_space<vmem>>) semaphore(%run_scoped3A_127 : memref<!tpu.dma_semaphore, #tpu.memory_space<semaphore_mem>>) {add = true}
            %dma_wait3A = arith.constant 0 : i32
            %dma_wait3A_137 = arith.constant 0 : i32
            %dma_wait3A_138 = tpu.memref_slice %arg11[%add3A_124, %dma_wait3A, %dma_wait3A_137] : memref<24x128x8xf32, #tpu.memory_space<vmem>> -> memref<1x128x8xf32, #tpu.memory_space<vmem>>
            %dma_wait3A_139 = tpu.memref_squeeze %dma_wait3A_138 : memref<1x128x8xf32, #tpu.memory_space<vmem>> -> memref<128x8xf32, #tpu.memory_space<vmem>>
            %dma_wait3A_140 = arith.constant 0 : i32
            %dma_wait3A_141 = tpu.memref_slice %arg9[%add3A_126, %dma_wait3A_140] : memref<48x128xi32, #tpu.memory_space<vmem>> -> memref<1x128xi32, #tpu.memory_space<vmem>>
            %dma_wait3A_142 = tpu.memref_squeeze %dma_wait3A_141 : memref<1x128xi32, #tpu.memory_space<vmem>> -> memref<128xi32, #tpu.memory_space<vmem>>
            %dma_wait3A_143 = arith.constant 0 : i32
            %dma_wait3A_144 = arith.constant 0 : i32
            %dma_wait3A_145 = tpu.memref_slice %arg7[%dma_wait3A_143, %dma_wait3A_144] : memref<147456x8xf32, #tpu.memory_space<vmem_shared>> -> memref<147456x8xf32, #tpu.memory_space<vmem_shared>>
            tpu.wait_indirect_dma semaphore(%run_scoped3A_127 : memref<!tpu.dma_semaphore, #tpu.memory_space<semaphore_mem>>) src(%dma_wait3A_139 : memref<128x8xf32, #tpu.memory_space<vmem>>) dst(%dma_wait3A_145 : memref<147456x8xf32, #tpu.memory_space<vmem_shared>>)
            tpu.yield
          }) : () -> ()
        }
        %scan3A_87 = arith.constant 6 : i32
        %scan3A_88 = arith.constant 0 : i32
        %scan3A_89 = arith.constant 6 : i32
        %scan3A_90 = arith.addi %scan3A_88, %scan3A_89 : i32
        %scan3A_91 = arith.constant 1 : i32
        scf.for %scan3A_118 = %scan3A_88 to %scan3A_90 step %scan3A_91  : i32 {
          %mul3A_119 = arith.constant 1 : i32
          %mul3A_120 = arith.muli %scan3A_118, %mul3A_119 : i32
          %add3A_121 = arith.constant 0 : i32
          %add3A_122 = arith.addi %add3A_121, %mul3A_120 : i32
          %add3A_123 = arith.constant 18 : i32
          %add3A_124 = arith.addi %add3A_123, %add3A_122 : i32
          %add3A_125 = arith.constant 36 : i32
          %add3A_126 = arith.addi %add3A_125, %add3A_122 : i32
          "tpu.region"() ({
            %run_scoped3A_127 = tpu.sem_alloc : memref<!tpu.dma_semaphore, #tpu.memory_space<semaphore_mem>>
            %dma_start3A = arith.constant 0 : i32
            %dma_start3A_128 = arith.constant 0 : i32
            %dma_start3A_129 = tpu.memref_slice %arg11[%add3A_124, %dma_start3A, %dma_start3A_128] : memref<24x128x8xf32, #tpu.memory_space<vmem>> -> memref<1x128x8xf32, #tpu.memory_space<vmem>>
            %dma_start3A_130 = tpu.memref_squeeze %dma_start3A_129 : memref<1x128x8xf32, #tpu.memory_space<vmem>> -> memref<128x8xf32, #tpu.memory_space<vmem>>
            %dma_start3A_131 = arith.constant 0 : i32
            %dma_start3A_132 = tpu.memref_slice %arg9[%add3A_126, %dma_start3A_131] : memref<48x128xi32, #tpu.memory_space<vmem>> -> memref<1x128xi32, #tpu.memory_space<vmem>>
            %dma_start3A_133 = tpu.memref_squeeze %dma_start3A_132 : memref<1x128xi32, #tpu.memory_space<vmem>> -> memref<128xi32, #tpu.memory_space<vmem>>
            %dma_start3A_134 = arith.constant 0 : i32
            %dma_start3A_135 = arith.constant 0 : i32
            %dma_start3A_136 = tpu.memref_slice %arg7[%dma_start3A_134, %dma_start3A_135] : memref<147456x8xf32, #tpu.memory_space<vmem_shared>> -> memref<147456x8xf32, #tpu.memory_space<vmem_shared>>
            tpu.enqueue_indirect_dma source(%dma_start3A_130 : memref<128x8xf32, #tpu.memory_space<vmem>>) target(%dma_start3A_136 : memref<147456x8xf32, #tpu.memory_space<vmem_shared>>) offsets(%dma_start3A_133 : memref<128xi32, #tpu.memory_space<vmem>>) semaphore(%run_scoped3A_127 : memref<!tpu.dma_semaphore, #tpu.memory_space<semaphore_mem>>) {add = true}
            %dma_wait3A = arith.constant 0 : i32
            %dma_wait3A_137 = arith.constant 0 : i32
            %dma_wait3A_138 = tpu.memref_slice %arg11[%add3A_124, %dma_wait3A, %dma_wait3A_137] : memref<24x128x8xf32, #tpu.memory_space<vmem>> -> memref<1x128x8xf32, #tpu.memory_space<vmem>>
            %dma_wait3A_139 = tpu.memref_squeeze %dma_wait3A_138 : memref<1x128x8xf32, #tpu.memory_space<vmem>> -> memref<128x8xf32, #tpu.memory_space<vmem>>
            %dma_wait3A_140 = arith.constant 0 : i32
            %dma_wait3A_141 = tpu.memref_slice %arg9[%add3A_126, %dma_wait3A_140] : memref<48x128xi32, #tpu.memory_space<vmem>> -> memref<1x128xi32, #tpu.memory_space<vmem>>
            %dma_wait3A_142 = tpu.memref_squeeze %dma_wait3A_141 : memref<1x128xi32, #tpu.memory_space<vmem>> -> memref<128xi32, #tpu.memory_space<vmem>>
            %dma_wait3A_143 = arith.constant 0 : i32
            %dma_wait3A_144 = arith.constant 0 : i32
            %dma_wait3A_145 = tpu.memref_slice %arg7[%dma_wait3A_143, %dma_wait3A_144] : memref<147456x8xf32, #tpu.memory_space<vmem_shared>> -> memref<147456x8xf32, #tpu.memory_space<vmem_shared>>
            tpu.wait_indirect_dma semaphore(%run_scoped3A_127 : memref<!tpu.dma_semaphore, #tpu.memory_space<semaphore_mem>>) src(%dma_wait3A_139 : memref<128x8xf32, #tpu.memory_space<vmem>>) dst(%dma_wait3A_145 : memref<147456x8xf32, #tpu.memory_space<vmem_shared>>)
            tpu.yield
          }) : () -> ()
        }
        %scan3A_92 = arith.constant 6 : i32
        %scan3A_93 = arith.constant 0 : i32
        %scan3A_94 = arith.constant 384 : i32
        %scan3A_95 = arith.addi %scan3A_93, %scan3A_94 : i32
        %scan3A_96 = arith.constant 1 : i32
        scf.for %scan3A_118 = %scan3A_93 to %scan3A_95 step %scan3A_96  : i32 {
          %mul3A_119 = arith.constant 1 : i32
          %mul3A_120 = arith.muli %scan3A_118, %mul3A_119 : i32
          %add3A_121 = arith.constant 0 : i32
          %add3A_122 = arith.addi %add3A_121, %mul3A_120 : i32
          %mul3A_123 = arith.constant 2 : i32
          %mul3A_124 = arith.muli %mul3A_123, %add3A_122 : i32
          %add3A_125 = vector.broadcast %mul3A_124 : i32 to vector<16xi32>
          %add3A_126 = arith.addi %convert_element_type3A, %add3A_125 : vector<16xi32>
          %add3A_127 = arith.constant 768 : i32
          %add3A_128 = vector.broadcast %add3A_127 : i32 to vector<16xi32>
          %add3A_129 = arith.addi %add3A_126, %add3A_128 : vector<16xi32>
          %gather3A = tpu.vector_load_idx %arg8[%add3A_129, %and3A_3] : memref<1536x8xf32, #tpu.memory_space<vmem>>[vector<16xi32>, vector<16xi32>], vector<16xf32>,
          %shift_right_logical3A_130 = arith.constant 7 : i32
          %shift_right_logical3A_131 = vector.broadcast %shift_right_logical3A_130 : i32 to vector<16xi32>
          %shift_right_logical3A_132 = arith.shrui %add3A_126, %shift_right_logical3A_131 : vector<16xi32>
          %and3A_133 = arith.constant 127 : i32
          %and3A_134 = vector.broadcast %and3A_133 : i32 to vector<16xi32>
          %and3A_135 = arith.andi %add3A_126, %and3A_134 : vector<16xi32>
          %gather3A_136 = tpu.vector_load_idx %arg10[%broadcast_in_dim3A_4, %add3A_129] : memref<4x1536xf32, #tpu.memory_space<vmem>>[vector<16xi32>, vector<16xi32>], vector<16xf32>,
          %add3A_137 = arith.constant 0 : i32
          %add3A_138 = vector.broadcast %add3A_137 : i32 to vector<16xi32>
          %add3A_139 = arith.addi %shift_right_logical3A_132, %add3A_138 : vector<16xi32>
          %mul3A_140 = arith.mulf %gather3A, %gather3A_136 : vector<16xf32>
          tpu.vector_store_idx %arg11[%add3A_139, %and3A_135, %and3A_3], %mul3A_140 : memref<24x128x8xf32, #tpu.memory_space<vmem>>[vector<16xi32>, vector<16xi32>, vector<16xi32>], vector<16xf32>,
          %gather3A_141 = tpu.vector_load_idx %arg10[%broadcast_in_dim3A_6, %add3A_129] : memref<4x1536xf32, #tpu.memory_space<vmem>>[vector<16xi32>, vector<16xi32>], vector<16xf32>,
          %add3A_142 = arith.constant 6 : i32
          %add3A_143 = vector.broadcast %add3A_142 : i32 to vector<16xi32>
          %add3A_144 = arith.addi %shift_right_logical3A_132, %add3A_143 : vector<16xi32>
          %mul3A_145 = arith.mulf %gather3A, %gather3A_141 : vector<16xf32>
          tpu.vector_store_idx %arg11[%add3A_144, %and3A_135, %and3A_3], %mul3A_145 : memref<24x128x8xf32, #tpu.memory_space<vmem>>[vector<16xi32>, vector<16xi32>, vector<16xi32>], vector<16xf32>,
          %gather3A_146 = tpu.vector_load_idx %arg10[%broadcast_in_dim3A_8, %add3A_129] : memref<4x1536xf32, #tpu.memory_space<vmem>>[vector<16xi32>, vector<16xi32>], vector<16xf32>,
          %add3A_147 = arith.constant 12 : i32
          %add3A_148 = vector.broadcast %add3A_147 : i32 to vector<16xi32>
          %add3A_149 = arith.addi %shift_right_logical3A_132, %add3A_148 : vector<16xi32>
          %mul3A_150 = arith.mulf %gather3A, %gather3A_146 : vector<16xf32>
          tpu.vector_store_idx %arg11[%add3A_149, %and3A_135, %and3A_3], %mul3A_150 : memref<24x128x8xf32, #tpu.memory_space<vmem>>[vector<16xi32>, vector<16xi32>, vector<16xi32>], vector<16xf32>,
          %gather3A_151 = tpu.vector_load_idx %arg10[%broadcast_in_dim3A_10, %add3A_129] : memref<4x1536xf32, #tpu.memory_space<vmem>>[vector<16xi32>, vector<16xi32>], vector<16xf32>,
          %add3A_152 = arith.constant 18 : i32
          %add3A_153 = vector.broadcast %add3A_152 : i32 to vector<16xi32>
          %add3A_154 = arith.addi %shift_right_logical3A_132, %add3A_153 : vector<16xi32>
          %mul3A_155 = arith.mulf %gather3A, %gather3A_151 : vector<16xf32>
          tpu.vector_store_idx %arg11[%add3A_154, %and3A_135, %and3A_3], %mul3A_155 : memref<24x128x8xf32, #tpu.memory_space<vmem>>[vector<16xi32>, vector<16xi32>, vector<16xi32>], vector<16xf32>,
        }
        %scan3A_97 = arith.constant 384 : i32
        %scan3A_98 = arith.constant 0 : i32
        %scan3A_99 = arith.constant 6 : i32
        %scan3A_100 = arith.addi %scan3A_98, %scan3A_99 : i32
        %scan3A_101 = arith.constant 1 : i32
        scf.for %scan3A_118 = %scan3A_98 to %scan3A_100 step %scan3A_101  : i32 {
          %mul3A_119 = arith.constant 1 : i32
          %mul3A_120 = arith.muli %scan3A_118, %mul3A_119 : i32
          %add3A_121 = arith.constant 0 : i32
          %add3A_122 = arith.addi %add3A_121, %mul3A_120 : i32
          %add3A_123 = arith.constant 0 : i32
          %add3A_124 = arith.addi %add3A_123, %add3A_122 : i32
          %add3A_125 = arith.constant 6 : i32
          %add3A_126 = arith.addi %add3A_125, %add3A_122 : i32
          "tpu.region"() ({
            %run_scoped3A_127 = tpu.sem_alloc : memref<!tpu.dma_semaphore, #tpu.memory_space<semaphore_mem>>
            %dma_start3A = arith.constant 0 : i32
            %dma_start3A_128 = arith.constant 0 : i32
            %dma_start3A_129 = tpu.memref_slice %arg11[%add3A_124, %dma_start3A, %dma_start3A_128] : memref<24x128x8xf32, #tpu.memory_space<vmem>> -> memref<1x128x8xf32, #tpu.memory_space<vmem>>
            %dma_start3A_130 = tpu.memref_squeeze %dma_start3A_129 : memref<1x128x8xf32, #tpu.memory_space<vmem>> -> memref<128x8xf32, #tpu.memory_space<vmem>>
            %dma_start3A_131 = arith.constant 0 : i32
            %dma_start3A_132 = tpu.memref_slice %arg9[%add3A_126, %dma_start3A_131] : memref<48x128xi32, #tpu.memory_space<vmem>> -> memref<1x128xi32, #tpu.memory_space<vmem>>
            %dma_start3A_133 = tpu.memref_squeeze %dma_start3A_132 : memref<1x128xi32, #tpu.memory_space<vmem>> -> memref<128xi32, #tpu.memory_space<vmem>>
            %dma_start3A_134 = arith.constant 0 : i32
            %dma_start3A_135 = arith.constant 0 : i32
            %dma_start3A_136 = tpu.memref_slice %arg7[%dma_start3A_134, %dma_start3A_135] : memref<147456x8xf32, #tpu.memory_space<vmem_shared>> -> memref<147456x8xf32, #tpu.memory_space<vmem_shared>>
            tpu.enqueue_indirect_dma source(%dma_start3A_130 : memref<128x8xf32, #tpu.memory_space<vmem>>) target(%dma_start3A_136 : memref<147456x8xf32, #tpu.memory_space<vmem_shared>>) offsets(%dma_start3A_133 : memref<128xi32, #tpu.memory_space<vmem>>) semaphore(%run_scoped3A_127 : memref<!tpu.dma_semaphore, #tpu.memory_space<semaphore_mem>>) {add = true}
            %dma_wait3A = arith.constant 0 : i32
            %dma_wait3A_137 = arith.constant 0 : i32
            %dma_wait3A_138 = tpu.memref_slice %arg11[%add3A_124, %dma_wait3A, %dma_wait3A_137] : memref<24x128x8xf32, #tpu.memory_space<vmem>> -> memref<1x128x8xf32, #tpu.memory_space<vmem>>
            %dma_wait3A_139 = tpu.memref_squeeze %dma_wait3A_138 : memref<1x128x8xf32, #tpu.memory_space<vmem>> -> memref<128x8xf32, #tpu.memory_space<vmem>>
            %dma_wait3A_140 = arith.constant 0 : i32
            %dma_wait3A_141 = tpu.memref_slice %arg9[%add3A_126, %dma_wait3A_140] : memref<48x128xi32, #tpu.memory_space<vmem>> -> memref<1x128xi32, #tpu.memory_space<vmem>>
            %dma_wait3A_142 = tpu.memref_squeeze %dma_wait3A_141 : memref<1x128xi32, #tpu.memory_space<vmem>> -> memref<128xi32, #tpu.memory_space<vmem>>
            %dma_wait3A_143 = arith.constant 0 : i32
            %dma_wait3A_144 = arith.constant 0 : i32
            %dma_wait3A_145 = tpu.memref_slice %arg7[%dma_wait3A_143, %dma_wait3A_144] : memref<147456x8xf32, #tpu.memory_space<vmem_shared>> -> memref<147456x8xf32, #tpu.memory_space<vmem_shared>>
            tpu.wait_indirect_dma semaphore(%run_scoped3A_127 : memref<!tpu.dma_semaphore, #tpu.memory_space<semaphore_mem>>) src(%dma_wait3A_139 : memref<128x8xf32, #tpu.memory_space<vmem>>) dst(%dma_wait3A_145 : memref<147456x8xf32, #tpu.memory_space<vmem_shared>>)
            tpu.yield
          }) : () -> ()
        }
        %scan3A_102 = arith.constant 6 : i32
        %scan3A_103 = arith.constant 0 : i32
        %scan3A_104 = arith.constant 6 : i32
        %scan3A_105 = arith.addi %scan3A_103, %scan3A_104 : i32
        %scan3A_106 = arith.constant 1 : i32
        scf.for %scan3A_118 = %scan3A_103 to %scan3A_105 step %scan3A_106  : i32 {
          %mul3A_119 = arith.constant 1 : i32
          %mul3A_120 = arith.muli %scan3A_118, %mul3A_119 : i32
          %add3A_121 = arith.constant 0 : i32
          %add3A_122 = arith.addi %add3A_121, %mul3A_120 : i32
          %add3A_123 = arith.constant 6 : i32
          %add3A_124 = arith.addi %add3A_123, %add3A_122 : i32
          %add3A_125 = arith.constant 18 : i32
          %add3A_126 = arith.addi %add3A_125, %add3A_122 : i32
          "tpu.region"() ({
            %run_scoped3A_127 = tpu.sem_alloc : memref<!tpu.dma_semaphore, #tpu.memory_space<semaphore_mem>>
            %dma_start3A = arith.constant 0 : i32
            %dma_start3A_128 = arith.constant 0 : i32
            %dma_start3A_129 = tpu.memref_slice %arg11[%add3A_124, %dma_start3A, %dma_start3A_128] : memref<24x128x8xf32, #tpu.memory_space<vmem>> -> memref<1x128x8xf32, #tpu.memory_space<vmem>>
            %dma_start3A_130 = tpu.memref_squeeze %dma_start3A_129 : memref<1x128x8xf32, #tpu.memory_space<vmem>> -> memref<128x8xf32, #tpu.memory_space<vmem>>
            %dma_start3A_131 = arith.constant 0 : i32
            %dma_start3A_132 = tpu.memref_slice %arg9[%add3A_126, %dma_start3A_131] : memref<48x128xi32, #tpu.memory_space<vmem>> -> memref<1x128xi32, #tpu.memory_space<vmem>>
            %dma_start3A_133 = tpu.memref_squeeze %dma_start3A_132 : memref<1x128xi32, #tpu.memory_space<vmem>> -> memref<128xi32, #tpu.memory_space<vmem>>
            %dma_start3A_134 = arith.constant 0 : i32
            %dma_start3A_135 = arith.constant 0 : i32
            %dma_start3A_136 = tpu.memref_slice %arg7[%dma_start3A_134, %dma_start3A_135] : memref<147456x8xf32, #tpu.memory_space<vmem_shared>> -> memref<147456x8xf32, #tpu.memory_space<vmem_shared>>
            tpu.enqueue_indirect_dma source(%dma_start3A_130 : memref<128x8xf32, #tpu.memory_space<vmem>>) target(%dma_start3A_136 : memref<147456x8xf32, #tpu.memory_space<vmem_shared>>) offsets(%dma_start3A_133 : memref<128xi32, #tpu.memory_space<vmem>>) semaphore(%run_scoped3A_127 : memref<!tpu.dma_semaphore, #tpu.memory_space<semaphore_mem>>) {add = true}
            %dma_wait3A = arith.constant 0 : i32
            %dma_wait3A_137 = arith.constant 0 : i32
            %dma_wait3A_138 = tpu.memref_slice %arg11[%add3A_124, %dma_wait3A, %dma_wait3A_137] : memref<24x128x8xf32, #tpu.memory_space<vmem>> -> memref<1x128x8xf32, #tpu.memory_space<vmem>>
            %dma_wait3A_139 = tpu.memref_squeeze %dma_wait3A_138 : memref<1x128x8xf32, #tpu.memory_space<vmem>> -> memref<128x8xf32, #tpu.memory_space<vmem>>
            %dma_wait3A_140 = arith.constant 0 : i32
            %dma_wait3A_141 = tpu.memref_slice %arg9[%add3A_126, %dma_wait3A_140] : memref<48x128xi32, #tpu.memory_space<vmem>> -> memref<1x128xi32, #tpu.memory_space<vmem>>
            %dma_wait3A_142 = tpu.memref_squeeze %dma_wait3A_141 : memref<1x128xi32, #tpu.memory_space<vmem>> -> memref<128xi32, #tpu.memory_space<vmem>>
            %dma_wait3A_143 = arith.constant 0 : i32
            %dma_wait3A_144 = arith.constant 0 : i32
            %dma_wait3A_145 = tpu.memref_slice %arg7[%dma_wait3A_143, %dma_wait3A_144] : memref<147456x8xf32, #tpu.memory_space<vmem_shared>> -> memref<147456x8xf32, #tpu.memory_space<vmem_shared>>
            tpu.wait_indirect_dma semaphore(%run_scoped3A_127 : memref<!tpu.dma_semaphore, #tpu.memory_space<semaphore_mem>>) src(%dma_wait3A_139 : memref<128x8xf32, #tpu.memory_space<vmem>>) dst(%dma_wait3A_145 : memref<147456x8xf32, #tpu.memory_space<vmem_shared>>)
            tpu.yield
          }) : () -> ()
        }
        %scan3A_107 = arith.constant 6 : i32
        %scan3A_108 = arith.constant 0 : i32
        %scan3A_109 = arith.constant 6 : i32
        %scan3A_110 = arith.addi %scan3A_108, %scan3A_109 : i32
        %scan3A_111 = arith.constant 1 : i32
        scf.for %scan3A_118 = %scan3A_108 to %scan3A_110 step %scan3A_111  : i32 {
          %mul3A_119 = arith.constant 1 : i32
          %mul3A_120 = arith.muli %scan3A_118, %mul3A_119 : i32
          %add3A_121 = arith.constant 0 : i32
          %add3A_122 = arith.addi %add3A_121, %mul3A_120 : i32
          %add3A_123 = arith.constant 12 : i32
          %add3A_124 = arith.addi %add3A_123, %add3A_122 : i32
          %add3A_125 = arith.constant 30 : i32
          %add3A_126 = arith.addi %add3A_125, %add3A_122 : i32
          "tpu.region"() ({
            %run_scoped3A_127 = tpu.sem_alloc : memref<!tpu.dma_semaphore, #tpu.memory_space<semaphore_mem>>
            %dma_start3A = arith.constant 0 : i32
            %dma_start3A_128 = arith.constant 0 : i32
            %dma_start3A_129 = tpu.memref_slice %arg11[%add3A_124, %dma_start3A, %dma_start3A_128] : memref<24x128x8xf32, #tpu.memory_space<vmem>> -> memref<1x128x8xf32, #tpu.memory_space<vmem>>
            %dma_start3A_130 = tpu.memref_squeeze %dma_start3A_129 : memref<1x128x8xf32, #tpu.memory_space<vmem>> -> memref<128x8xf32, #tpu.memory_space<vmem>>
            %dma_start3A_131 = arith.constant 0 : i32
            %dma_start3A_132 = tpu.memref_slice %arg9[%add3A_126, %dma_start3A_131] : memref<48x128xi32, #tpu.memory_space<vmem>> -> memref<1x128xi32, #tpu.memory_space<vmem>>
            %dma_start3A_133 = tpu.memref_squeeze %dma_start3A_132 : memref<1x128xi32, #tpu.memory_space<vmem>> -> memref<128xi32, #tpu.memory_space<vmem>>
            %dma_start3A_134 = arith.constant 0 : i32
            %dma_start3A_135 = arith.constant 0 : i32
            %dma_start3A_136 = tpu.memref_slice %arg7[%dma_start3A_134, %dma_start3A_135] : memref<147456x8xf32, #tpu.memory_space<vmem_shared>> -> memref<147456x8xf32, #tpu.memory_space<vmem_shared>>
            tpu.enqueue_indirect_dma source(%dma_start3A_130 : memref<128x8xf32, #tpu.memory_space<vmem>>) target(%dma_start3A_136 : memref<147456x8xf32, #tpu.memory_space<vmem_shared>>) offsets(%dma_start3A_133 : memref<128xi32, #tpu.memory_space<vmem>>) semaphore(%run_scoped3A_127 : memref<!tpu.dma_semaphore, #tpu.memory_space<semaphore_mem>>) {add = true}
            %dma_wait3A = arith.constant 0 : i32
            %dma_wait3A_137 = arith.constant 0 : i32
            %dma_wait3A_138 = tpu.memref_slice %arg11[%add3A_124, %dma_wait3A, %dma_wait3A_137] : memref<24x128x8xf32, #tpu.memory_space<vmem>> -> memref<1x128x8xf32, #tpu.memory_space<vmem>>
            %dma_wait3A_139 = tpu.memref_squeeze %dma_wait3A_138 : memref<1x128x8xf32, #tpu.memory_space<vmem>> -> memref<128x8xf32, #tpu.memory_space<vmem>>
            %dma_wait3A_140 = arith.constant 0 : i32
            %dma_wait3A_141 = tpu.memref_slice %arg9[%add3A_126, %dma_wait3A_140] : memref<48x128xi32, #tpu.memory_space<vmem>> -> memref<1x128xi32, #tpu.memory_space<vmem>>
            %dma_wait3A_142 = tpu.memref_squeeze %dma_wait3A_141 : memref<1x128xi32, #tpu.memory_space<vmem>> -> memref<128xi32, #tpu.memory_space<vmem>>
            %dma_wait3A_143 = arith.constant 0 : i32
            %dma_wait3A_144 = arith.constant 0 : i32
            %dma_wait3A_145 = tpu.memref_slice %arg7[%dma_wait3A_143, %dma_wait3A_144] : memref<147456x8xf32, #tpu.memory_space<vmem_shared>> -> memref<147456x8xf32, #tpu.memory_space<vmem_shared>>
            tpu.wait_indirect_dma semaphore(%run_scoped3A_127 : memref<!tpu.dma_semaphore, #tpu.memory_space<semaphore_mem>>) src(%dma_wait3A_139 : memref<128x8xf32, #tpu.memory_space<vmem>>) dst(%dma_wait3A_145 : memref<147456x8xf32, #tpu.memory_space<vmem_shared>>)
            tpu.yield
          }) : () -> ()
        }
        %scan3A_112 = arith.constant 6 : i32
        %scan3A_113 = arith.constant 0 : i32
        %scan3A_114 = arith.constant 6 : i32
        %scan3A_115 = arith.addi %scan3A_113, %scan3A_114 : i32
        %scan3A_116 = arith.constant 1 : i32
        scf.for %scan3A_118 = %scan3A_113 to %scan3A_115 step %scan3A_116  : i32 {
          %mul3A_119 = arith.constant 1 : i32
          %mul3A_120 = arith.muli %scan3A_118, %mul3A_119 : i32
          %add3A_121 = arith.constant 0 : i32
          %add3A_122 = arith.addi %add3A_121, %mul3A_120 : i32
          %add3A_123 = arith.constant 18 : i32
          %add3A_124 = arith.addi %add3A_123, %add3A_122 : i32
          %add3A_125 = arith.constant 42 : i32
          %add3A_126 = arith.addi %add3A_125, %add3A_122 : i32
          "tpu.region"() ({
            %run_scoped3A_127 = tpu.sem_alloc : memref<!tpu.dma_semaphore, #tpu.memory_space<semaphore_mem>>
            %dma_start3A = arith.constant 0 : i32
            %dma_start3A_128 = arith.constant 0 : i32
            %dma_start3A_129 = tpu.memref_slice %arg11[%add3A_124, %dma_start3A, %dma_start3A_128] : memref<24x128x8xf32, #tpu.memory_space<vmem>> -> memref<1x128x8xf32, #tpu.memory_space<vmem>>
            %dma_start3A_130 = tpu.memref_squeeze %dma_start3A_129 : memref<1x128x8xf32, #tpu.memory_space<vmem>> -> memref<128x8xf32, #tpu.memory_space<vmem>>
            %dma_start3A_131 = arith.constant 0 : i32
            %dma_start3A_132 = tpu.memref_slice %arg9[%add3A_126, %dma_start3A_131] : memref<48x128xi32, #tpu.memory_space<vmem>> -> memref<1x128xi32, #tpu.memory_space<vmem>>
            %dma_start3A_133 = tpu.memref_squeeze %dma_start3A_132 : memref<1x128xi32, #tpu.memory_space<vmem>> -> memref<128xi32, #tpu.memory_space<vmem>>
            %dma_start3A_134 = arith.constant 0 : i32
            %dma_start3A_135 = arith.constant 0 : i32
            %dma_start3A_136 = tpu.memref_slice %arg7[%dma_start3A_134, %dma_start3A_135] : memref<147456x8xf32, #tpu.memory_space<vmem_shared>> -> memref<147456x8xf32, #tpu.memory_space<vmem_shared>>
            tpu.enqueue_indirect_dma source(%dma_start3A_130 : memref<128x8xf32, #tpu.memory_space<vmem>>) target(%dma_start3A_136 : memref<147456x8xf32, #tpu.memory_space<vmem_shared>>) offsets(%dma_start3A_133 : memref<128xi32, #tpu.memory_space<vmem>>) semaphore(%run_scoped3A_127 : memref<!tpu.dma_semaphore, #tpu.memory_space<semaphore_mem>>) {add = true}
            %dma_wait3A = arith.constant 0 : i32
            %dma_wait3A_137 = arith.constant 0 : i32
            %dma_wait3A_138 = tpu.memref_slice %arg11[%add3A_124, %dma_wait3A, %dma_wait3A_137] : memref<24x128x8xf32, #tpu.memory_space<vmem>> -> memref<1x128x8xf32, #tpu.memory_space<vmem>>
            %dma_wait3A_139 = tpu.memref_squeeze %dma_wait3A_138 : memref<1x128x8xf32, #tpu.memory_space<vmem>> -> memref<128x8xf32, #tpu.memory_space<vmem>>
            %dma_wait3A_140 = arith.constant 0 : i32
            %dma_wait3A_141 = tpu.memref_slice %arg9[%add3A_126, %dma_wait3A_140] : memref<48x128xi32, #tpu.memory_space<vmem>> -> memref<1x128xi32, #tpu.memory_space<vmem>>
            %dma_wait3A_142 = tpu.memref_squeeze %dma_wait3A_141 : memref<1x128xi32, #tpu.memory_space<vmem>> -> memref<128xi32, #tpu.memory_space<vmem>>
            %dma_wait3A_143 = arith.constant 0 : i32
            %dma_wait3A_144 = arith.constant 0 : i32
            %dma_wait3A_145 = tpu.memref_slice %arg7[%dma_wait3A_143, %dma_wait3A_144] : memref<147456x8xf32, #tpu.memory_space<vmem_shared>> -> memref<147456x8xf32, #tpu.memory_space<vmem_shared>>
            tpu.wait_indirect_dma semaphore(%run_scoped3A_127 : memref<!tpu.dma_semaphore, #tpu.memory_space<semaphore_mem>>) src(%dma_wait3A_139 : memref<128x8xf32, #tpu.memory_space<vmem>>) dst(%dma_wait3A_145 : memref<147456x8xf32, #tpu.memory_space<vmem_shared>>)
            tpu.yield
          }) : () -> ()
        }
        %scan3A_117 = arith.constant 6 : i32
      }
      %scan3A_32 = arith.constant 6 : i32
      %barrier3A_33 = arith.constant 0 : index
      tpu.barrier barrier_id(%barrier3A_33)
      %mul3A_34 = arith.constant 9216 : i32
      %mul3A_35 = arith.muli %arg1, %mul3A_34 : i32
      %mul3A_36 = arith.constant 9216 : i32
      %mul3A_37 = arith.muli %arg1, %mul3A_36 : i32
      "tpu.region"() ({
        %run_scoped3A = tpu.sem_alloc : memref<!tpu.dma_semaphore, #tpu.memory_space<semaphore_mem>>
        %dma_start3A = arith.constant 0 : i32
        %dma_start3A_39 = tpu.memref_slice %arg6[%and3A_19, %add3A_23, %mul3A_37, %dma_start3A] : memref<2x12x147456x8xf32, #tpu.memory_space<hbm>> -> memref<1x1x9216x8xf32, #tpu.memory_space<hbm>>
        %dma_start3A_40 = tpu.memref_squeeze %dma_start3A_39 : memref<1x1x9216x8xf32, #tpu.memory_space<hbm>> -> memref<9216x8xf32, #tpu.memory_space<hbm>>
        %dma_start3A_41 = arith.constant 0 : i32
        %dma_start3A_42 = tpu.memref_slice %arg7[%mul3A_35, %dma_start3A_41] : memref<147456x8xf32, #tpu.memory_space<vmem_shared>> -> memref<9216x8xf32, #tpu.memory_space<vmem_shared>>
        tpu.enqueue_dma source(%dma_start3A_42 : memref<9216x8xf32, #tpu.memory_space<vmem_shared>>) target(%dma_start3A_40 : memref<9216x8xf32, #tpu.memory_space<hbm>>) target_semaphore(%run_scoped3A : memref<!tpu.dma_semaphore, #tpu.memory_space<semaphore_mem>>)
        %dma_wait3A = arith.constant 0 : i32
        %dma_wait3A_43 = tpu.memref_slice %arg6[%and3A_19, %add3A_23, %mul3A_37, %dma_wait3A] : memref<2x12x147456x8xf32, #tpu.memory_space<hbm>> -> memref<1x1x9216x8xf32, #tpu.memory_space<hbm>>
        %dma_wait3A_44 = tpu.memref_squeeze %dma_wait3A_43 : memref<1x1x9216x8xf32, #tpu.memory_space<hbm>> -> memref<9216x8xf32, #tpu.memory_space<hbm>>
        %dma_wait3A_45 = arith.constant 0 : i32
        %dma_wait3A_46 = tpu.memref_slice %arg7[%mul3A_35, %dma_wait3A_45] : memref<147456x8xf32, #tpu.memory_space<vmem_shared>> -> memref<9216x8xf32, #tpu.memory_space<vmem_shared>>
        tpu.wait_dma2 semaphore(%run_scoped3A : memref<!tpu.dma_semaphore, #tpu.memory_space<semaphore_mem>>) src(%dma_wait3A_46 : memref<9216x8xf32, #tpu.memory_space<vmem_shared>>) dst(%dma_wait3A_44 : memref<9216x8xf32, #tpu.memory_space<hbm>>)
        tpu.yield
      }) : () -> ()
      %barrier3A_38 = arith.constant 0 : index
      tpu.barrier barrier_id(%barrier3A_38)
    }
    %scan3A_14 = arith.constant 12 : i32
    return
  }
}

#map = affine_map<(d0, d1) -> (0)>
#map1 = affine_map<(d0, d1) -> (0, 0, 0)>
#map2 = affine_map<(d0, d1) -> (0, 0)>
module attributes {stable_mosaic.version = 14 : i64} {
  func.func @_phase_a_body(%arg0: i32, %arg1: i32, %arg2: memref<294912xf32, #tpu.memory_space<hbm>>, %arg3: memref<294912xf32, #tpu.memory_space<hbm>>, %arg4: memref<4x2304x128xi32, #tpu.memory_space<hbm>>, %arg5: memref<4x294912xf32, #tpu.memory_space<hbm>>, %arg6: memref<1536xf32, #tpu.memory_space<vmem>>, %arg7: memref<1536xf32, #tpu.memory_space<vmem>>, %arg8: memref<4x12x128xi32, #tpu.memory_space<vmem>>, %arg9: memref<4x1536xf32, #tpu.memory_space<vmem>>) attributes {dimension_semantics = [#tpu.dimension_semantics<core_parallel>, #tpu.dimension_semantics<subcore_parallel>], iteration_bounds = array<i64: 2, 16>, scalar_prefetch = 0 : i64, scratch_operands = 4 : i64, tpu.core_type = #tpu.core_type<sc_vector_subcore>, window_params = [{transform_indices = #map}, {transform_indices = #map}, {transform_indices = #map1}, {transform_indices = #map2}]} {
    %mul3A = arith.constant 147456 : i32
    %mul3A_0 = arith.muli %arg0, %mul3A : i32
    %mul3A_1 = arith.constant 9216 : i32
    %mul3A_2 = arith.muli %arg1, %mul3A_1 : i32
    %add3A = arith.addi %mul3A_0, %mul3A_2 : i32
    %mul3A_3 = arith.constant 1152 : i32
    %mul3A_4 = arith.muli %arg0, %mul3A_3 : i32
    %mul3A_5 = arith.constant 72 : i32
    %mul3A_6 = arith.muli %arg1, %mul3A_5 : i32
    %add3A_7 = arith.addi %mul3A_4, %mul3A_6 : i32
    %iota3A = tpu.iota {dimensions = array<i32: 0>} : vector<16xi32>
    %convert_element_type3A = arith.sitofp %iota3A : vector<16xi32> to vector<16xf32>
    %scan3A = arith.constant 0 : i32
    %scan3A_8 = arith.constant 6 : i32
    %scan3A_9 = arith.addi %scan3A, %scan3A_8 : i32
    %scan3A_10 = arith.constant 1 : i32
    scf.for %scan3A_12 = %scan3A to %scan3A_9 step %scan3A_10  : i32 {
      %mul3A_13 = arith.constant 1 : i32
      %mul3A_14 = arith.muli %scan3A_12, %mul3A_13 : i32
      %add3A_15 = arith.constant 0 : i32
      %add3A_16 = arith.addi %add3A_15, %mul3A_14 : i32
      %mul3A_17 = arith.constant 1536 : i32
      %mul3A_18 = arith.muli %add3A_16, %mul3A_17 : i32
      %add3A_19 = arith.addi %add3A, %mul3A_18 : i32
      "tpu.region"() ({
        %run_scoped3A = tpu.sem_alloc : memref<!tpu.dma_semaphore, #tpu.memory_space<semaphore_mem>>
        %dma_start3A = tpu.memref_slice %arg2[%add3A_19] : memref<294912xf32, #tpu.memory_space<hbm>> -> memref<1536xf32, #tpu.memory_space<hbm>>
        %dma_start3A_28 = tpu.memref_slice %arg2[%add3A_19] : memref<294912xf32, #tpu.memory_space<hbm>> -> memref<1536xf32, #tpu.memory_space<hbm>>
        tpu.enqueue_dma source(%dma_start3A_28 : memref<1536xf32, #tpu.memory_space<hbm>>) target(%arg6 : memref<1536xf32, #tpu.memory_space<vmem>>) target_semaphore(%run_scoped3A : memref<!tpu.dma_semaphore, #tpu.memory_space<semaphore_mem>>)
        %dma_wait3A = tpu.memref_slice %arg2[%add3A_19] : memref<294912xf32, #tpu.memory_space<hbm>> -> memref<1536xf32, #tpu.memory_space<hbm>>
        %dma_wait3A_29 = tpu.memref_slice %arg2[%add3A_19] : memref<294912xf32, #tpu.memory_space<hbm>> -> memref<1536xf32, #tpu.memory_space<hbm>>
        tpu.wait_dma2 semaphore(%run_scoped3A : memref<!tpu.dma_semaphore, #tpu.memory_space<semaphore_mem>>) src(%dma_wait3A_29 : memref<1536xf32, #tpu.memory_space<hbm>>) dst(%arg6 : memref<1536xf32, #tpu.memory_space<vmem>>)
        tpu.yield
      }) : () -> ()
      "tpu.region"() ({
        %run_scoped3A = tpu.sem_alloc : memref<!tpu.dma_semaphore, #tpu.memory_space<semaphore_mem>>
        %dma_start3A = tpu.memref_slice %arg3[%add3A_19] : memref<294912xf32, #tpu.memory_space<hbm>> -> memref<1536xf32, #tpu.memory_space<hbm>>
        %dma_start3A_28 = tpu.memref_slice %arg3[%add3A_19] : memref<294912xf32, #tpu.memory_space<hbm>> -> memref<1536xf32, #tpu.memory_space<hbm>>
        tpu.enqueue_dma source(%dma_start3A_28 : memref<1536xf32, #tpu.memory_space<hbm>>) target(%arg7 : memref<1536xf32, #tpu.memory_space<vmem>>) target_semaphore(%run_scoped3A : memref<!tpu.dma_semaphore, #tpu.memory_space<semaphore_mem>>)
        %dma_wait3A = tpu.memref_slice %arg3[%add3A_19] : memref<294912xf32, #tpu.memory_space<hbm>> -> memref<1536xf32, #tpu.memory_space<hbm>>
        %dma_wait3A_29 = tpu.memref_slice %arg3[%add3A_19] : memref<294912xf32, #tpu.memory_space<hbm>> -> memref<1536xf32, #tpu.memory_space<hbm>>
        tpu.wait_dma2 semaphore(%run_scoped3A : memref<!tpu.dma_semaphore, #tpu.memory_space<semaphore_mem>>) src(%dma_wait3A_29 : memref<1536xf32, #tpu.memory_space<hbm>>) dst(%arg7 : memref<1536xf32, #tpu.memory_space<vmem>>)
        tpu.yield
      }) : () -> ()
      %scan3A_20 = arith.constant 0 : i32
      %scan3A_21 = arith.constant 4 : i32
      %scan3A_22 = arith.addi %scan3A_20, %scan3A_21 : i32
      %scan3A_23 = arith.constant 1 : i32
      scf.for %scan3A_28 = %scan3A_20 to %scan3A_22 step %scan3A_23  : i32 {
        %mul3A_29 = arith.constant 1 : i32
        %mul3A_30 = arith.muli %scan3A_28, %mul3A_29 : i32
        %add3A_31 = arith.constant 0 : i32
        %add3A_32 = arith.addi %add3A_31, %mul3A_30 : i32
        %mul3A_33 = arith.constant 24 : i32
        %mul3A_34 = arith.muli %arg1, %mul3A_33 : i32
        %mul3A_35 = arith.constant 4 : i32
        %mul3A_36 = arith.muli %add3A_16, %mul3A_35 : i32
        %add3A_37 = arith.addi %mul3A_34, %mul3A_36 : i32
        %add3A_38 = arith.addi %add3A_37, %add3A_32 : i32
        %convert_element_type3A_39 = arith.sitofp %add3A_38 : i32 to f32
        %scan3A_40 = arith.constant 0 : i32
        %scan3A_41 = arith.constant 24 : i32
        %scan3A_42 = arith.addi %scan3A_40, %scan3A_41 : i32
        %scan3A_43 = arith.constant 1 : i32
        scf.for %scan3A_45 = %scan3A_40 to %scan3A_42 step %scan3A_43  : i32 {
          %mul3A_46 = arith.constant 1 : i32
          %mul3A_47 = arith.muli %scan3A_45, %mul3A_46 : i32
          %add3A_48 = arith.constant 0 : i32
          %add3A_49 = arith.addi %add3A_48, %mul3A_47 : i32
          %mul3A_50 = arith.constant 384 : i32
          %mul3A_51 = arith.muli %add3A_32, %mul3A_50 : i32
          %mul3A_52 = arith.constant 16 : i32
          %mul3A_53 = arith.muli %add3A_49, %mul3A_52 : i32
          %add3A_54 = arith.addi %mul3A_51, %mul3A_53 : i32
          %mul3A_55 = arith.constant 16 : i32
          %mul3A_56 = arith.muli %add3A_49, %mul3A_55 : i32
          %convert_element_type3A_57 = arith.sitofp %mul3A_56 : i32 to f32
          %add3A_58 = vector.broadcast %convert_element_type3A_57 : f32 to vector<16xf32>
          %add3A_59 = arith.addf %convert_element_type3A, %add3A_58 : vector<16xf32>
          %get3A = arith.index_cast %add3A_54 : i32 to index
          %get3A_60 = tpu.vector_load %arg6[%get3A] {strides = array<i32>} : memref<1536xf32, #tpu.memory_space<vmem>>, vector<16xf32>,
          %add3A_61 = arith.addf %add3A_59, %get3A_60 : vector<16xf32>
          %get3A_62 = arith.index_cast %add3A_54 : i32 to index
          %get3A_63 = tpu.vector_load %arg7[%get3A_62] {strides = array<i32>} : memref<1536xf32, #tpu.memory_space<vmem>>, vector<16xf32>,
          %add3A_64 = vector.broadcast %convert_element_type3A_39 : f32 to vector<16xf32>
          %add3A_65 = arith.addf %add3A_64, %get3A_63 : vector<16xf32>
          %convert_element_type3A_66 = arith.fptosi %add3A_61 : vector<16xf32> to vector<16xi32>
          %convert_element_type3A_67 = arith.sitofp %convert_element_type3A_66 : vector<16xi32> to vector<16xf32>
          %convert_element_type3A_68 = arith.fptosi %add3A_65 : vector<16xf32> to vector<16xi32>
          %convert_element_type3A_69 = arith.sitofp %convert_element_type3A_68 : vector<16xi32> to vector<16xf32>
          %lt3A = arith.cmpf olt, %add3A_61, %convert_element_type3A_67 : vector<16xf32>
          %sub3A = arith.constant 1.000000e+00 : f32
          %sub3A_70 = vector.broadcast %sub3A : f32 to vector<16xf32>
          %sub3A_71 = arith.subf %convert_element_type3A_67, %sub3A_70 : vector<16xf32>
          %select_n3A = arith.select %lt3A, %sub3A_71, %convert_element_type3A_67 : vector<16xi1>, vector<16xf32>
          %lt3A_72 = arith.cmpf olt, %add3A_65, %convert_element_type3A_69 : vector<16xf32>
          %sub3A_73 = arith.constant 1.000000e+00 : f32
          %sub3A_74 = vector.broadcast %sub3A_73 : f32 to vector<16xf32>
          %sub3A_75 = arith.subf %convert_element_type3A_69, %sub3A_74 : vector<16xf32>
          %select_n3A_76 = arith.select %lt3A_72, %sub3A_75, %convert_element_type3A_69 : vector<16xi1>, vector<16xf32>
          %ge3A = arith.constant 0.000000e+00 : f32
          %ge3A_77 = vector.broadcast %ge3A : f32 to vector<16xf32>
          %ge3A_78 = arith.cmpf oge, %select_n3A, %ge3A_77 : vector<16xf32>
          %add3A_79 = arith.constant 1.000000e+00 : f32
          %add3A_80 = vector.broadcast %add3A_79 : f32 to vector<16xf32>
          %add3A_81 = arith.addf %select_n3A, %add3A_80 : vector<16xf32>
          %le3A = arith.constant 3.830000e+02 : f32
          %le3A_82 = vector.broadcast %le3A : f32 to vector<16xf32>
          %le3A_83 = arith.cmpf ole, %add3A_81, %le3A_82 : vector<16xf32>
          %and3A = arith.andi %ge3A_78, %le3A_83 : vector<16xi1>
          %ge3A_84 = arith.constant 0.000000e+00 : f32
          %ge3A_85 = vector.broadcast %ge3A_84 : f32 to vector<16xf32>
          %ge3A_86 = arith.cmpf oge, %select_n3A_76, %ge3A_85 : vector<16xf32>
          %and3A_87 = arith.andi %and3A, %ge3A_86 : vector<16xi1>
          %add3A_88 = arith.constant 1.000000e+00 : f32
          %add3A_89 = vector.broadcast %add3A_88 : f32 to vector<16xf32>
          %add3A_90 = arith.addf %select_n3A_76, %add3A_89 : vector<16xf32>
          %le3A_91 = arith.constant 3.830000e+02 : f32
          %le3A_92 = vector.broadcast %le3A_91 : f32 to vector<16xf32>
          %le3A_93 = arith.cmpf ole, %add3A_90, %le3A_92 : vector<16xf32>
          %and3A_94 = arith.andi %and3A_87, %le3A_93 : vector<16xi1>
          %jit3A = arith.constant 1.000000e+00 : f32
          %jit3A_95 = arith.constant 0.000000e+00 : f32
          %broadcast_in_dim3A = vector.broadcast %jit3A : f32 to vector<16xf32>
          %broadcast_in_dim3A_96 = vector.broadcast %jit3A_95 : f32 to vector<16xf32>
          %select_n3A_97 = arith.select %and3A_94, %broadcast_in_dim3A, %broadcast_in_dim3A_96 : vector<16xi1>, vector<16xf32>
          %sub3A_98 = arith.subf %add3A_61, %select_n3A : vector<16xf32>
          %sub3A_99 = arith.constant 1.000000e+00 : f32
          %sub3A_100 = vector.broadcast %sub3A_99 : f32 to vector<16xf32>
          %sub3A_101 = arith.subf %sub3A_100, %sub3A_98 : vector<16xf32>
          %sub3A_102 = arith.subf %add3A_65, %select_n3A_76 : vector<16xf32>
          %sub3A_103 = arith.constant 1.000000e+00 : f32
          %sub3A_104 = vector.broadcast %sub3A_103 : f32 to vector<16xf32>
          %sub3A_105 = arith.subf %sub3A_104, %sub3A_102 : vector<16xf32>
          %convert_element_type3A_106 = arith.fptosi %select_n3A : vector<16xf32> to vector<16xi32>
          %jit3A_107 = arith.constant 0 : i32
          %jit3A_108 = arith.constant 383 : i32
          %max3A = vector.broadcast %jit3A_107 : i32 to vector<16xi32>
          %max3A_109 = arith.maxsi %max3A, %convert_element_type3A_106 : vector<16xi32>
          %min3A = vector.broadcast %jit3A_108 : i32 to vector<16xi32>
          %min3A_110 = arith.minsi %min3A, %max3A_109 : vector<16xi32>
          %convert_element_type3A_111 = arith.fptosi %select_n3A : vector<16xf32> to vector<16xi32>
          %add3A_112 = arith.constant 1 : i32
          %add3A_113 = vector.broadcast %add3A_112 : i32 to vector<16xi32>
          %add3A_114 = arith.addi %convert_element_type3A_111, %add3A_113 : vector<16xi32>
          %jit3A_115 = arith.constant 0 : i32
          %jit3A_116 = arith.constant 383 : i32
          %max3A_117 = vector.broadcast %jit3A_115 : i32 to vector<16xi32>
          %max3A_118 = arith.maxsi %max3A_117, %add3A_114 : vector<16xi32>
          %min3A_119 = vector.broadcast %jit3A_116 : i32 to vector<16xi32>
          %min3A_120 = arith.minsi %min3A_119, %max3A_118 : vector<16xi32>
          %convert_element_type3A_121 = arith.fptosi %select_n3A_76 : vector<16xf32> to vector<16xi32>
          %jit3A_122 = arith.constant 0 : i32
          %jit3A_123 = arith.constant 383 : i32
          %max3A_124 = vector.broadcast %jit3A_122 : i32 to vector<16xi32>
          %max3A_125 = arith.maxsi %max3A_124, %convert_element_type3A_121 : vector<16xi32>
          %min3A_126 = vector.broadcast %jit3A_123 : i32 to vector<16xi32>
          %min3A_127 = arith.minsi %min3A_126, %max3A_125 : vector<16xi32>
          %convert_element_type3A_128 = arith.fptosi %select_n3A_76 : vector<16xf32> to vector<16xi32>
          %add3A_129 = arith.constant 1 : i32
          %add3A_130 = vector.broadcast %add3A_129 : i32 to vector<16xi32>
          %add3A_131 = arith.addi %convert_element_type3A_128, %add3A_130 : vector<16xi32>
          %jit3A_132 = arith.constant 0 : i32
          %jit3A_133 = arith.constant 383 : i32
          %max3A_134 = vector.broadcast %jit3A_132 : i32 to vector<16xi32>
          %max3A_135 = arith.maxsi %max3A_134, %add3A_131 : vector<16xi32>
          %min3A_136 = vector.broadcast %jit3A_133 : i32 to vector<16xi32>
          %min3A_137 = arith.minsi %min3A_136, %max3A_135 : vector<16xi32>
          %shift_right_logical3A = arith.constant 7 : i32
          %shift_right_logical3A_138 = arith.shrui %add3A_54, %shift_right_logical3A : i32
          %and3A_139 = arith.constant 127 : i32
          %and3A_140 = arith.andi %add3A_54, %and3A_139 : i32
          %mul3A_141 = arith.mulf %sub3A_101, %sub3A_105 : vector<16xf32>
          %mul3A_142 = arith.mulf %mul3A_141, %select_n3A_97 : vector<16xf32>
          %mul3A_143 = arith.mulf %sub3A_98, %sub3A_105 : vector<16xf32>
          %mul3A_144 = arith.mulf %mul3A_143, %select_n3A_97 : vector<16xf32>
          %mul3A_145 = arith.mulf %sub3A_101, %sub3A_102 : vector<16xf32>
          %mul3A_146 = arith.mulf %mul3A_145, %select_n3A_97 : vector<16xf32>
          %mul3A_147 = arith.mulf %sub3A_98, %sub3A_102 : vector<16xf32>
          %mul3A_148 = arith.mulf %mul3A_147, %select_n3A_97 : vector<16xf32>
          %mul3A_149 = arith.constant 384 : i32
          %mul3A_150 = vector.broadcast %mul3A_149 : i32 to vector<16xi32>
          %mul3A_151 = arith.muli %min3A_127, %mul3A_150 : vector<16xi32>
          %add3A_152 = arith.addi %mul3A_151, %min3A_110 : vector<16xi32>
          %swap3A = arith.constant 0 : i32
          %swap3A_153 = arith.index_cast %swap3A : i32 to index
          %swap3A_154 = arith.index_cast %shift_right_logical3A_138 : i32 to index
          %swap3A_155 = arith.index_cast %and3A_140 : i32 to index
          %swap3A_156 = tpu.vector_load %arg8[%swap3A_153, %swap3A_154, %swap3A_155] {strides = array<i32>} : memref<4x12x128xi32, #tpu.memory_space<vmem>>, vector<16xi32>,
          tpu.vector_store %arg8[%swap3A_153, %swap3A_154, %swap3A_155], %add3A_152 {strides = array<i32>} : memref<4x12x128xi32, #tpu.memory_space<vmem>>, vector<16xi32>,
          %swap3A_157 = arith.constant 0 : i32
          %swap3A_158 = arith.index_cast %swap3A_157 : i32 to index
          %swap3A_159 = arith.index_cast %add3A_54 : i32 to index
          %swap3A_160 = tpu.vector_load %arg9[%swap3A_158, %swap3A_159] {strides = array<i32>} : memref<4x1536xf32, #tpu.memory_space<vmem>>, vector<16xf32>,
          tpu.vector_store %arg9[%swap3A_158, %swap3A_159], %mul3A_142 {strides = array<i32>} : memref<4x1536xf32, #tpu.memory_space<vmem>>, vector<16xf32>,
          %mul3A_161 = arith.constant 384 : i32
          %mul3A_162 = vector.broadcast %mul3A_161 : i32 to vector<16xi32>
          %mul3A_163 = arith.muli %min3A_127, %mul3A_162 : vector<16xi32>
          %add3A_164 = arith.addi %mul3A_163, %min3A_120 : vector<16xi32>
          %swap3A_165 = arith.constant 1 : i32
          %swap3A_166 = arith.index_cast %swap3A_165 : i32 to index
          %swap3A_167 = arith.index_cast %shift_right_logical3A_138 : i32 to index
          %swap3A_168 = arith.index_cast %and3A_140 : i32 to index
          %swap3A_169 = tpu.vector_load %arg8[%swap3A_166, %swap3A_167, %swap3A_168] {strides = array<i32>} : memref<4x12x128xi32, #tpu.memory_space<vmem>>, vector<16xi32>,
          tpu.vector_store %arg8[%swap3A_166, %swap3A_167, %swap3A_168], %add3A_164 {strides = array<i32>} : memref<4x12x128xi32, #tpu.memory_space<vmem>>, vector<16xi32>,
          %swap3A_170 = arith.constant 1 : i32
          %swap3A_171 = arith.index_cast %swap3A_170 : i32 to index
          %swap3A_172 = arith.index_cast %add3A_54 : i32 to index
          %swap3A_173 = tpu.vector_load %arg9[%swap3A_171, %swap3A_172] {strides = array<i32>} : memref<4x1536xf32, #tpu.memory_space<vmem>>, vector<16xf32>,
          tpu.vector_store %arg9[%swap3A_171, %swap3A_172], %mul3A_144 {strides = array<i32>} : memref<4x1536xf32, #tpu.memory_space<vmem>>, vector<16xf32>,
          %mul3A_174 = arith.constant 384 : i32
          %mul3A_175 = vector.broadcast %mul3A_174 : i32 to vector<16xi32>
          %mul3A_176 = arith.muli %min3A_137, %mul3A_175 : vector<16xi32>
          %add3A_177 = arith.addi %mul3A_176, %min3A_110 : vector<16xi32>
          %swap3A_178 = arith.constant 2 : i32
          %swap3A_179 = arith.index_cast %swap3A_178 : i32 to index
          %swap3A_180 = arith.index_cast %shift_right_logical3A_138 : i32 to index
          %swap3A_181 = arith.index_cast %and3A_140 : i32 to index
          %swap3A_182 = tpu.vector_load %arg8[%swap3A_179, %swap3A_180, %swap3A_181] {strides = array<i32>} : memref<4x12x128xi32, #tpu.memory_space<vmem>>, vector<16xi32>,
          tpu.vector_store %arg8[%swap3A_179, %swap3A_180, %swap3A_181], %add3A_177 {strides = array<i32>} : memref<4x12x128xi32, #tpu.memory_space<vmem>>, vector<16xi32>,
          %swap3A_183 = arith.constant 2 : i32
          %swap3A_184 = arith.index_cast %swap3A_183 : i32 to index
          %swap3A_185 = arith.index_cast %add3A_54 : i32 to index
          %swap3A_186 = tpu.vector_load %arg9[%swap3A_184, %swap3A_185] {strides = array<i32>} : memref<4x1536xf32, #tpu.memory_space<vmem>>, vector<16xf32>,
          tpu.vector_store %arg9[%swap3A_184, %swap3A_185], %mul3A_146 {strides = array<i32>} : memref<4x1536xf32, #tpu.memory_space<vmem>>, vector<16xf32>,
          %mul3A_187 = arith.constant 384 : i32
          %mul3A_188 = vector.broadcast %mul3A_187 : i32 to vector<16xi32>
          %mul3A_189 = arith.muli %min3A_137, %mul3A_188 : vector<16xi32>
          %add3A_190 = arith.addi %mul3A_189, %min3A_120 : vector<16xi32>
          %swap3A_191 = arith.constant 3 : i32
          %swap3A_192 = arith.index_cast %swap3A_191 : i32 to index
          %swap3A_193 = arith.index_cast %shift_right_logical3A_138 : i32 to index
          %swap3A_194 = arith.index_cast %and3A_140 : i32 to index
          %swap3A_195 = tpu.vector_load %arg8[%swap3A_192, %swap3A_193, %swap3A_194] {strides = array<i32>} : memref<4x12x128xi32, #tpu.memory_space<vmem>>, vector<16xi32>,
          tpu.vector_store %arg8[%swap3A_192, %swap3A_193, %swap3A_194], %add3A_190 {strides = array<i32>} : memref<4x12x128xi32, #tpu.memory_space<vmem>>, vector<16xi32>,
          %swap3A_196 = arith.constant 3 : i32
          %swap3A_197 = arith.index_cast %swap3A_196 : i32 to index
          %swap3A_198 = arith.index_cast %add3A_54 : i32 to index
          %swap3A_199 = tpu.vector_load %arg9[%swap3A_197, %swap3A_198] {strides = array<i32>} : memref<4x1536xf32, #tpu.memory_space<vmem>>, vector<16xf32>,
          tpu.vector_store %arg9[%swap3A_197, %swap3A_198], %mul3A_148 {strides = array<i32>} : memref<4x1536xf32, #tpu.memory_space<vmem>>, vector<16xf32>,
        }
        %scan3A_44 = arith.constant 24 : i32
      }
      %scan3A_24 = arith.constant 4 : i32
      %mul3A_25 = arith.constant 12 : i32
      %mul3A_26 = arith.muli %add3A_16, %mul3A_25 : i32
      %add3A_27 = arith.addi %add3A_7, %mul3A_26 : i32
      "tpu.region"() ({
        %run_scoped3A = tpu.sem_alloc : memref<!tpu.dma_semaphore, #tpu.memory_space<semaphore_mem>>
        %dma_start3A = arith.constant 0 : i32
        %dma_start3A_28 = arith.constant 0 : i32
        %dma_start3A_29 = tpu.memref_slice %arg4[%dma_start3A, %add3A_27, %dma_start3A_28] : memref<4x2304x128xi32, #tpu.memory_space<hbm>> -> memref<4x12x128xi32, #tpu.memory_space<hbm>>
        %dma_start3A_30 = arith.constant 0 : i32
        %dma_start3A_31 = arith.constant 0 : i32
        %dma_start3A_32 = tpu.memref_slice %arg4[%dma_start3A_30, %add3A_27, %dma_start3A_31] : memref<4x2304x128xi32, #tpu.memory_space<hbm>> -> memref<4x12x128xi32, #tpu.memory_space<hbm>>
        tpu.enqueue_dma source(%arg8 : memref<4x12x128xi32, #tpu.memory_space<vmem>>) target(%dma_start3A_32 : memref<4x12x128xi32, #tpu.memory_space<hbm>>) target_semaphore(%run_scoped3A : memref<!tpu.dma_semaphore, #tpu.memory_space<semaphore_mem>>)
        %dma_wait3A = arith.constant 0 : i32
        %dma_wait3A_33 = arith.constant 0 : i32
        %dma_wait3A_34 = tpu.memref_slice %arg4[%dma_wait3A, %add3A_27, %dma_wait3A_33] : memref<4x2304x128xi32, #tpu.memory_space<hbm>> -> memref<4x12x128xi32, #tpu.memory_space<hbm>>
        %dma_wait3A_35 = arith.constant 0 : i32
        %dma_wait3A_36 = arith.constant 0 : i32
        %dma_wait3A_37 = tpu.memref_slice %arg4[%dma_wait3A_35, %add3A_27, %dma_wait3A_36] : memref<4x2304x128xi32, #tpu.memory_space<hbm>> -> memref<4x12x128xi32, #tpu.memory_space<hbm>>
        tpu.wait_dma2 semaphore(%run_scoped3A : memref<!tpu.dma_semaphore, #tpu.memory_space<semaphore_mem>>) src(%arg8 : memref<4x12x128xi32, #tpu.memory_space<vmem>>) dst(%dma_wait3A_37 : memref<4x12x128xi32, #tpu.memory_space<hbm>>)
        tpu.yield
      }) : () -> ()
      "tpu.region"() ({
        %run_scoped3A = tpu.sem_alloc : memref<!tpu.dma_semaphore, #tpu.memory_space<semaphore_mem>>
        %dma_start3A = arith.constant 0 : i32
        %dma_start3A_28 = tpu.memref_slice %arg5[%dma_start3A, %add3A_19] : memref<4x294912xf32, #tpu.memory_space<hbm>> -> memref<4x1536xf32, #tpu.memory_space<hbm>>
        %dma_start3A_29 = arith.constant 0 : i32
        %dma_start3A_30 = tpu.memref_slice %arg5[%dma_start3A_29, %add3A_19] : memref<4x294912xf32, #tpu.memory_space<hbm>> -> memref<4x1536xf32, #tpu.memory_space<hbm>>
        tpu.enqueue_dma source(%arg9 : memref<4x1536xf32, #tpu.memory_space<vmem>>) target(%dma_start3A_30 : memref<4x1536xf32, #tpu.memory_space<hbm>>) target_semaphore(%run_scoped3A : memref<!tpu.dma_semaphore, #tpu.memory_space<semaphore_mem>>)
        %dma_wait3A = arith.constant 0 : i32
        %dma_wait3A_31 = tpu.memref_slice %arg5[%dma_wait3A, %add3A_19] : memref<4x294912xf32, #tpu.memory_space<hbm>> -> memref<4x1536xf32, #tpu.memory_space<hbm>>
        %dma_wait3A_32 = arith.constant 0 : i32
        %dma_wait3A_33 = tpu.memref_slice %arg5[%dma_wait3A_32, %add3A_19] : memref<4x294912xf32, #tpu.memory_space<hbm>> -> memref<4x1536xf32, #tpu.memory_space<hbm>>
        tpu.wait_dma2 semaphore(%run_scoped3A : memref<!tpu.dma_semaphore, #tpu.memory_space<semaphore_mem>>) src(%arg9 : memref<4x1536xf32, #tpu.memory_space<vmem>>) dst(%dma_wait3A_33 : memref<4x1536xf32, #tpu.memory_space<hbm>>)
        tpu.yield
      }) : () -> ()
    }
    %scan3A_11 = arith.constant 6 : i32
    return
  }
}

</mosaic_0001>

<sc_bundles>
// kernel: _forward_warp_sc.4.cloned.1.call-start
scs
__scs_entry_jumppad:
0x0: {  	(pc) =	sbr.rel $0x88, $3  }
0x1: {  	(tag) =	ssettag $0x0;
	lr =	simm.s32 $0x1  }
0x2: {  	[smem:$0x3F9E] =	sst lr;
	_ =	strace $0xD0000000  }
0x3: {  	_ = 	snop  }
0x4: {  	_ = 	snop  }
0x5: {  	_ = 	snop  }
0x6: {  	_ = 	snop  }
0x7: {  	_ = 	snop  }
__scs_overlays_trampoline_lowered:
0x8: {  	[smem:$0x3FAD] =	sst s0  }
0x9: {  	[smem:$0x3FAE] =	sst s1  }
0xa: {  	[smem:$0x3FAF] =	sst s2  }
0xb: {  	[smem:$0x3FB0] =	sst s3  }
0xc: {  	[smem:$0x3FB1] =	sst s4  }
0xd: {  	[smem:$0x3FB2] =	sst s5  }
0xe: {  	[smem:$0x3FB3] =	sst s6  }
0xf: {  	[smem:$0x3FB4] =	sst s7  }
0x10: {  	[smem:$0x3FB5] =	sst s8  }
0x11: {  	[smem:$0x3FB6] =	sst s9;
	s0 =	simm.s32 @!p0 $0x0  }
0x12: {  	s1 =	sld [smem:$0x3F9C];
	s0 =	simm.s32 @p0 $0x1  }
0x13: {  	[smem:$0x3FB7] =	sst s0;
	s0 =	simm.s32 @!p1 $0x0  }
0x14: {  	s2 =	sld [smem:$0x3F9B];
	s0 =	simm.s32 @p1 $0x1  }
0x15: {  	[smem:$0x3FB8] =	sst s0;
	s0 =	simm.s32 @!p2 $0x0  }
0x16: {  	s3 =	sld [smem:$0x3FDB];
	s0 =	simm.s32 @p2 $0x1  }
0x17: {  	s4 =	simm.s32 $0x1BF5;
	[smem:$0x3FBA] =	sst s0  }
0x18: {  	s0 =	sld [smem:$0x3F9D];
	_ =	swait.ge [sflag:s4], $0x0  }
0x19: {  	s7 =	sld [smem:$0x3F9E]  }
0x1a: {  	s8 =	sadd.s32 $0xFFFFE003, lr  }
0x1b: {  	s9 =	sadd.s32 $0xFFFFFEF7, lr;
	s5 =	simm.s32 $0xFFFFFFFF;
	p2 =	slt.u32 s8, $0xFFFFF086  }
0x1c: {  	p1 =	slt.u32 s9, $0xF7A;
	s5 =	simm.s32 @!p2 $0x0  }
0x1d: {  	s5 =	simm.s32 @p1 $0x1;
	p0 =	seq.s32 s7, s2  }
0x1e: {  	s7 =	smul.u32 @!p0 $0xF7A, s2;
	p2 =	seq.s32 @!p0 s5, $0x0  }
0x1f: {  	s9 =	smul.u32 $0xF7A, s1;
	s8 =	simm.s32 @!p0 $0x1BF5;
	p2 =	por !p2, p0  }
0x20: {  	[sflag:s8] =	ssyncset.s32 @!p0 $0xFFFFF086;
	s6 =	sadd.s32 @!p0 s3, s7;
	s7 =	simm.s32 @!p0 $0x108  }
0x21: {  	s3 =	sadd.s32 s3, s9;
	s6 =	sadd.s32 @!p0 $0x88, s6;
	s7 =	simm.s32 @p2 $0x1082  }
0x22: {  	[simem:s7], [sflag:s8] =	dma.local @!p0 [hbm:s6], $0xF7A  }
0x23: {  	s9 =	sor.u32 $0xD0000000, s2;
	s6 =	simm.s32 $0x108;
	_ =	swait.ge @!p0 [sflag:s8], $0x0  }
0x24: {  	s3 =	sadd.s32 $0x88, s3;
	s6 =	simm.s32 @!p1 $0x1082;
	[sflag:s4] =	ssyncset.s32 $0xFFFFF086  }
0x25: {  	[simem:s6], [sflag:s4] =	dma.local [hbm:s3], $0xF7A  }
0x26: {  	[smem:$0x3F9E] =	sst s1;
	(tag) =	ssettag s2;
	_ =	strace s9  }
0x27: {  	s1 =	sld [smem:$0x3FAE]  }
0x28: {  	s2 =	sld [smem:$0x3FAF]  }
0x29: {  	s4 =	sld [smem:$0x3FB1]  }
0x2a: {  	p0 =	seq.s32 s5, $0x0;
	s5 =	sld [smem:$0x3FB2]  }
0x2b: {  	s6 =	sld [smem:$0x3FB3]  }
0x2c: {  	s7 =	sld [smem:$0x3FB4]  }
0x2d: {  	s3 =	simm.s32 $0x108;
	s8 =	sld [smem:$0x3FB5]  }
0x2e: {  	s3 =	simm.s32 @!p0 $0x1082;
	s9 =	sld [smem:$0x3FB6]  }
0x2f: {  	lr =	sadd.s32 s0, s3;
	s0 =	sld [smem:$0x3FAD]  }
0x30: {  	s3 =	sld [smem:$0x3FB0]  }
0x31: {  	[smem:$0x3FB9] =	sst s10  }
0x32: {  	s10 =	sld [smem:$0x3FB7];
	_ =	sdelay $0x3  }
0x33: {  	p0 =	seq.s32 s10, $0x1;
	s10 =	sld [smem:$0x3FB9];
	_ =	sdelay $0x3  }
0x34: {  	[smem:$0x3FB9] =	sst s10  }
0x35: {  	s10 =	sld [smem:$0x3FB8];
	_ =	sdelay $0x3  }
0x36: {  	p1 =	seq.s32 s10, $0x1;
	s10 =	sld [smem:$0x3FB9];
	_ =	sdelay $0x3  }
0x37: {  	[smem:$0x3FB9] =	sst s10  }
0x38: {  	s10 =	sld [smem:$0x3FBA]  }
0x39: {  	_ = 	snop;
	(pc) =	sbr.ind lr, $3  }
0x3a: {  	_ = 	snop  }
0x3b: {  	_ = 	snop  }
0x3c: {  	p2 =	seq.s32 s10, $0x1;
	s10 =	sld [smem:$0x3FB9]  }
0x3d: {  	_ =	shalt  }
0x3e: {  	_ =	shalt  }
0x3f: {  	_ =	shalt  }
0x40: {  	_ =	shalt  }
0x41: {  	_ =	shalt  }
0x42: {  	_ =	shalt  }
0x43: {  	_ =	shalt  }
0x44: {  	_ =	shalt  }
0x45: {  	_ =	shalt  }
0x46: {  	_ =	shalt  }
0x47: {  	_ =	shalt  }
0x48: {  	_ =	shalt  }
0x49: {  	_ =	shalt  }
0x4a: {  	_ =	shalt  }
0x4b: {  	_ =	shalt  }
0x4c: {  	_ =	shalt  }
0x4d: {  	_ =	shalt  }
0x4e: {  	_ =	shalt  }
0x4f: {  	_ =	shalt  }
0x50: {  	_ =	shalt  }
0x51: {  	_ =	shalt  }
0x52: {  	_ =	shalt  }
0x53: {  	_ =	shalt  }
0x54: {  	_ =	shalt  }
0x55: {  	_ =	shalt  }
0x56: {  	_ =	shalt  }
0x57: {  	_ =	shalt  }
0x58: {  	_ =	shalt  }
0x59: {  	_ =	shalt  }
0x5a: {  	_ =	shalt  }
0x5b: {  	_ =	shalt  }
0x5c: {  	_ =	shalt  }
0x5d: {  	_ =	shalt  }
0x5e: {  	_ =	shalt  }
0x5f: {  	_ =	shalt  }
0x60: {  	_ =	shalt  }
0x61: {  	_ =	shalt  }
0x62: {  	_ =	shalt  }
0x63: {  	_ =	shalt  }
0x64: {  	_ =	shalt  }
0x65: {  	_ =	shalt  }
0x66: {  	_ =	shalt  }
0x67: {  	_ =	shalt  }
0x68: {  	_ =	shalt  }
0x69: {  	_ =	shalt  }
0x6a: {  	_ =	shalt  }
0x6b: {  	_ =	shalt  }
0x6c: {  	_ =	shalt  }
0x6d: {  	_ =	shalt  }
0x6e: {  	_ =	shalt  }
0x6f: {  	_ =	shalt  }
0x70: {  	_ =	shalt  }
0x71: {  	_ =	shalt  }
0x72: {  	_ =	shalt  }
0x73: {  	_ =	shalt  }
0x74: {  	_ =	shalt  }
0x75: {  	_ =	shalt  }
0x76: {  	_ =	shalt  }
0x77: {  	_ =	shalt  }
0x78: {  	_ =	shalt  }
0x79: {  	_ =	shalt  }
0x7a: {  	_ =	shalt  }
0x7b: {  	_ =	shalt  }
0x7c: {  	_ =	shalt  }
0x7d: {  	_ =	shalt  }
0x7e: {  	_ =	shalt  }
0x7f: {  	_ =	shalt  }
0x80: {  	_ =	shalt  }
0x81: {  	_ =	shalt  }
0x82: {  	_ =	shalt  }
0x83: {  	_ =	shalt  }
0x84: {  	_ =	shalt  }
0x85: {  	_ =	shalt  }
0x86: {  	_ =	shalt  }
0x87: {  	_ =	shalt  }
.Lfunc_end0:
.L_simem_size_0:
called_computation.4_lowered:
.L_overlay_start_0:
0x88: {  	s2 =	sld [smem:$0x3FD9]  }
0x89: {  	s3 =	sld [smem:$0x3FFE];
	_ =	sdelay $0x1  }
0x8a: {  	s1 =	srdreg.scid  }
0x8b: {  	s0 =	sand.u32 $0x1, s1  }
0x8c: {  	s17 =	sshll.u32 s0, $0xA;
	s2 =	sadd.s32 s3, s2  }
0x8d: {  	s2 =	sadd.s32 s2, s17  }
0x8e: {  	[smem:$0x3FC5] =	sst s2  }
0x8f: {  	_ = 	snop  }
0x90: {  	(tm) =	ssettm $0x1  }
0x91: {  	s18 =	sld [smem:$0x3FFB];
	_ =	sdelay $0x3  }
0x92: {  	_ =	strace s18  }
0x93: {  	s2 =	sld [smem:$0x3FFC];
	_ =	sdelay $0x3  }
0x94: {  	_ =	strace s2  }
0x95: {  	s2 =	sld [smem:$0x3FFD];
	_ =	sdelay $0x3  }
0x96: {  	_ =	strace s2  }
0x97: {  	_ =	strace $0x8FFFFFFF  }
0x98: {  	s19 =	sld [smem:$0x3FDB];
	_ =	sdelay $0x1  }
0x99: {  	s20 =	simm.s32 $_scs_section_size  }
0x9a: {  	s4 =	simm.s32 $_size__tile_overlayer_lowered;
	s5 =	simm.s32 $_tile_overlayer_lowered  }
0x9b: {  	s6 =	simm.s32 $0x1BFF;
	s21 =	sshll.u32 s5, $0x1;
	s3 =	sadd.s32 s20, s19  }
0x9c: {  	s22 =	simm.s32 $0x0;
	s4 =	sshll.u32 s4, $0x1;
	s5 =	sadd.s32 s21, s3  }
0x9d: {  	[timem:s22], [sflag:s6] =	dma.local [hbm:s5], s4  }
0x9e: {  	_ =	swait.ge [sflag:s6], s4  }
0x9f: {  	s4 =	ssub.s32 $0x0, s4;
	[sflag:s6] =	ssyncset.done $0x0  }
0xa0: {  	[sflag:s6] =	ssyncadd.s32 s4;
	_ =	sdelay $0x1  }
0xa1: {  	s23 =	simm.s32 $0x1B8B  }
0xa2: {  	_ =	swait.ge [sflag:s23], $0x1  }
0xa3: {  	[sflag:s23] =	ssyncset.done $0x0  }
0xa4: {  	[sflag:s23] =	ssyncadd.s32 $0xFFFFFFFF  }
0xa5: {  	s4 =	sld [smem:$0x0]  }
0xa6: {  	s5 =	sand.u32 $0xFFFFFFFE, s1  }
0xa7: {  	p0 =	sne.s32 s1, s5  }
0xa8: {  	s5 =	sshll.u32 @p0 s5, $0xE  }
0xa9: {  	s5 =	sadd.s32 @p0 $0x11B8D, s5;
	s6 =	sshll.u32 @p0 s4, $0x11  }
0xaa: {  	s5 =	sor.u32 @p0 s6, s5  }
0xab: {  	[sflag:s5] =	ssyncadd.remote.s32 @p0 $0x1;
	_ =	sdelay $0x1  }
0xac: {  	s5 =	simm.s32 @p0 $0x1B8D  }
0xad: {  	_ =	swait.eq @p0 [sflag:s5], $0x1  }
0xae: {  	[sflag:s5] =	ssyncadd.s32 @p0 $0xFFFFFFFF  }
0xaf: {  	s6 =	sshll.u32 @!p0 s1, $0xE  }
0xb0: {  	s6 =	sor.u32 @!p0 $0x4000, s6;
	s5 =	simm.s32 @!p0 $0x1B8D  }
0xb1: {  	s4 =	sshll.u32 @!p0 s4, $0x11;
	s6 =	sadd.s32 @!p0 $0x11B8D, s6;
	_ =	swait.eq @!p0 [sflag:s5], $0x1  }
0xb2: {  	s4 =	sor.u32 @!p0 s4, s6;
	[sflag:s5] =	ssyncadd.s32 @!p0 $0xFFFFFFFF  }
0xb3: {  	s25 =	simm.s32 $0x1B8E;
	s24 =	sld [smem:$0x3FFE];
	[sflag:s4] =	ssyncadd.remote.s32 @!p0 $0x1  }
0xb4: {  	s26 =	simm.s32 $execute0_lowered;
	[smem:$0x3FD2] =	sst s25  }
0xb5: {  	s5 =	sshll.u32 s26, $0x1;
	_ =	strace $0x8000004C;
	[dreg:$0x1] =	wrdreg $0xFFFFFFFF  }
0xb6: {  	s28 =	simm.s32 $_size_execute0_lowered;
	s3 =	sadd.s32 s3, s5;
	[dreg:$0x0] =	wrdreg $0x0  }
0xb7: {  	s5 =	sshll.u32 s28, $0x1;
	[dreg:$0x2] =	wrdreg s3  }
0xb8: {  	[dreg:$0x3] =	wrdreg s5  }
0xb9: {  	[dreg:$0x4] =	wrdreg $0xC0  }
0xba: {  	_ =	task [dreg:s22], $0x5FFFF  }
0xbb: {  	[dreg:$0x1] =	wrdreg $0xFFFFFFFF  }
0xbc: {  	[dreg:$0x0] =	wrdreg $0x60  }
0xbd: {  	[dreg:$0x2] =	wrdreg s24  }
0xbe: {  	[dreg:$0x3] =	wrdreg $0xB  }
0xbf: {  	_ =	task.clear_ibuf [dreg:s22], $0x4FFFF;
	_ =	strace $0x9000004C  }
0xc0: {  	s29 =	simm.s32 $0xB;
	_ =	strace $0x8000004E  }
0xc1: {  	_ =	swait.ge [sflag:s29], $0x1  }
0xc2: {  	[sflag:s29] =	ssyncadd.s32 $0xFFFFFFFF  }
0xc3: {  	_ =	strace $0x9000004E  }
0xc4: {  	_ =	sfence  }
0xc5: {  	s30 =	sld [smem:$0x0];
	_ =	sdelay $0x2  }
0xc6: {  	s31 =	sshll.u32 s1, $0xD;
	s1 =	sshrl.u32 s1, $0x2  }
0xc7: {  	s4 =	sand.u32 $0x4000, s31;
	s1 =	sadd.s32 s1, s30  }
0xc8: {  	s0 =	sor.u32 s4, s0;
	s1 =	sshll.u32 s1, $0x11  }
0xc9: {  	s0 =	sor.u32 s1, s0  }
0xca: {  	s0 =	sadd.s32 $0x8F2B, s0  }
0xcb: {  	[sflag:s0] =	ssyncadd.remote.s32 $0x1  }
0xcc: {  	_ =	sfence.sel $0xFFFF  }
0xcd: {  	[dreg:$0x0] =	wrdreg $0xFFFFFFFF;
	(pc) =	sbr.abs _section_cstart, $3  }
0xce: {  	[dreg:$0x1] =	wrdreg $0xFFFFFFFF  }
0xcf: {  	_ =	task.clear_ibuf [dreg:s22], $0x2FFFF;
	_ =	strace $0x9FFFFFFF  }
0xd0: {  	(tm) =	ssettm $0x7FFFFFFF  }
0xd1: {  	_ =	shalt  }
tec
execute0_lowered:
.L_overlay_start_1:
0x0: {  	(tag) =	ssettag $0x1  }
0x1: {  	v0 =	vimm.f32 $1.500000000e+01;
	vm0 =	vcmask $0x300  }
0x2: {  	vm14 =	vcmask $0x704;
	v0 =	vsel vm0, $0x0, v0  }
0x3: {  	vm15 =	vcmask $0xB08;
	v0 =	vsel vm14, $0x3F800000, v0  }
0x4: {  	vm4 =	vcmask $0xF0C;
	v0 =	vsel vm15, $0x40000000, v0  }
0x5: {  	vm5 =	vcmask $0x1310;
	v0 =	vsel vm4, $0x40400000, v0  }
0x6: {  	vm6 =	vcmask $0x1714;
	v0 =	vsel vm5, $0x40800000, v0  }
0x7: {  	s0 =	rddreg [dreg:$0x0];
	s1 =	simm.s32 $0x0;
	vm7 =	vcmask $0x1B18;
	v0 =	vsel vm6, $0x40A00000, v0  }
0x8: {  	s2 =	srdreg.scid;
	vm8 =	vcmask $0x1F1C;
	s30 =	stileid.u32;
	s13 =	simm.s32 $0x48000;
	v0 =	vsel vm7, $0x40C00000, v0  }
0x9: {  	vm9 =	vcmask $0x2320;
	s14 =	simm.s32 $0xC00;
	s15 =	simm.s32 $0x2400;
	s18 =	simm.s32 $0x0;
	v0 =	vsel vm8, $0x40E00000, v0  }
0xa: {  	vm10 =	vcmask $0x2724;
	[smem:$0x7FF] =	sst s1;
	s4 =	sand.u32 $0x1, s2;
	s8 =	smul.u32 $0x2400, s30;
	v0 =	vsel vm9, $0x41000000, v0  }
0xb: {  	vm11 =	vcmask $0x2B28;
	s3 =	sadd.s32 $0x6F6B000, s0;
	s12 =	smul.u32 $0x48, s30;
	s5 =	sadd.s32 $0x6F74000, s0;
	v0 =	vsel vm10, $0x41100000, v0  }
0xc: {  	vm12 =	vcmask $0x2F2C;
	s6 =	sadd.s32 $0x6F98000, s0;
	s7 =	smul.u32 $0x24000, s4;
	s9 =	ssub.s32 $0x2, s4;
	v0 =	vsel vm11, $0x41200000, v0  }
0xd: {  	vm13 =	vcmask $0x3330;
	_ =	strace $0x8000004D;
	s10 =	smul.u32 $0x480, s4;
	s11 =	sshrl.u32 s9, $0x1;
	v0 =	vsel vm12, $0x41300000, v0  }
0xe: {  	s4 =	sadd.s32 $0x6F62000, s0;
	vm14 =	vcmask $0x3734;
	s31 =	ssub.s32 s9, s11;
	s7 =	sadd.s32 s8, s7;
	v0 =	vsel vm13, $0x41400000, v0  }
0xf: {  	vm15 =	vcmask $0x3B38;
	s8 =	sadd.s32 s12, s10;
	s9 =	smul.u32 $0x18, s30;
	s0 =	smax.u32 s31, $0x1;
	v0 =	vsel vm14, $0x41500000, v0  }
0x10: {  	v1 =	vimm.f32 $0.0e+00;
	s11 =	simm.s32 $0x1;
	s12 =	simm.s32 $0x600;
	[dreg:$0x2] =	wrdreg s0;
	v0 =	vsel vm15, $0x41600000, v0  }
.LBB2_1:
0x11: {  	s16 =	simm.s32 $0x0  }
.LBB2_2:
0x12: {  	s0 =	smul.u32 $0x600, s16;
	_ =	sdelay $0x1  }
0x13: {  	s0 =	sadd.s32 s0, s7  }
0x14: {  	s17 =	sshrl.u32 s0, $0x3  }
0x15: {  	s0 =	sadd.s32 s3, s17  }
0x16: {  	[tilespmem:s18], [sflag:$0x1] =	stream.linear.gather [hbm4b:s0+s18], $0x600, $0x38;
	[tilespmem:$0x3C00] =	vst v63  }
0x17: {  	_ =	swait.ge [sflag:s11], $0x600  }
0x18: {  	[sflag:s11] =	ssyncset.done $0x0  }
0x19: {  	s19 =	simm.s32 $0x600;
	s30 =	sadd.s32 s4, s17;
	[sflag:s11] =	ssyncadd.s32 $0xFFFFFA00  }
0x1a: {  	[tilespmem:s19], [sflag:$0x1] =	stream.linear.gather [hbm4b:s30+s18], $0x600, $0x38;
	[tilespmem:$0x3C00] =	vst v63  }
0x1b: {  	s31 =	sshll.u32 s16, $0x2;
	s21 =	simm.s32 $0x3000;
	_ =	swait.ge [sflag:s11], $0x600  }
0x1c: {  	s22 =	simm.s32 $0x0;
	s23 =	simm.s32 $0x0;
	[sflag:s11] =	ssyncset.done $0x0  }
0x1d: {  	s24 =	simm.s32 $0x0;
	s20 =	sadd.s32 s9, s31;
	[sflag:s11] =	ssyncadd.s32 $0xFFFFFA00  }
.LBB2_3:
0x1e: {  	v2 =	vld [tilespmem:s22+$0x0]  }
0x1f: {  	s0 =	scvt.s32.f32 s18;
	v4 =	vld [tilespmem:s19+$0x0]  }
0x20: {  	s25 =	sadd.s32 s20, s24  }
0x21: {  	s26 =	scvt.s32.f32 s25;
	v3 =	vadd.f32 s0, v0;
	_ =	sdelay $0x1  }
0x22: {  	v3 =	vadd.f32 v2, v3;
	v2 =	vmov s26  }
0x23: {  	s28 =	simm.s32 $0x10;
	s29 =	smov.u32 s22;
	s30 =	smov.u32 s19;
	v4 =	vadd.f32 v4, v2  }
0x24: {  	s31 =	smov.u32 s21;
	s25 =	smov.u32 s21;
	s26 =	simm.s32 $0x0;
	v5 =	vtrunc.f32 v3  }
.LBB2_4:
0x25: {  	v5 =	vcvt.f32.s32 v5;
	v6 =	vtrunc.f32 v4;
	s29 =	sadd.s32 $0x10, s29;
	s30 =	sadd.s32 $0x10, s30;
	s31 =	sadd.s32 $0x10, s31  }
0x26: {  	p0 =	sne.s32 s28, $0x170;
	s0 =	smov.u32 s28;
	s28 =	sadd.s32 $0x10, s28;
	v6 =	vcvt.f32.s32 v6  }
0x27: {  	s2 =	scvt.s32.f32 s0;
	v5 =	vcvt.s32.f32 v5  }
0x28: {  	v6 =	vcvt.s32.f32 v6  }
0x29: {  	v7 =	vadd.f32 s2, v0;
	vm0 =	vlt.f32 v3, v5;
	v8 =	vadd.f32 $-1.000000000e+00, v5  }
0x2a: {  	v9 =	vadd.f32 $-1.000000000e+00, v6  }
0x2b: {  	v5 =	vsel vm0, v8, v5;
	vm0 =	vlt.f32 v4, v6  }
0x2c: {  	v6 =	vsel vm0, v9, v6;
	v8 =	vadd.f32 $1.000000000e+00, v5;
	v3 =	vsub.f32 v3, v5  }
0x2d: {  	v9 =	vtrunc.f32 v5;
	v4 =	vsub.f32 v4, v6;
	v10 =	vtrunc.f32 v6  }
0x2e: {  	vm0 =	vge.f32 v5, $0.0e+00;
	v5 =	vcvt.f32.s32 v9;
	v9 =	vcvt.f32.s32 v10  }
0x2f: {  	vm2 =	vge.f32 v6, $0.0e+00;
	vm1 =	vle.f32 v8, $3.830000000e+02;
	v8 =	vsub.f32 $1.000000000e+00, v4  }
0x30: {  	vm0 =	vmand vm0, vm2;
	vm2 =	vgt.s32 v9, $0x0;
	v10 =	vadd.s32 $0x1, v9  }
0x31: {  	v6 =	vadd.f32 $1.000000000e+00, v6;
	vm3 =	vgt.s32 v5, $0x0;
	v9 =	vnsel vm2, $0x0, v9  }
0x32: {  	v11 =	vsub.f32 $1.000000000e+00, v3;
	vm0 =	vmand vm0, vm1;
	v9 =	vmin.u32 v9, $0x17F  }
0x33: {  	vm1 =	vle.f32 v6, $3.830000000e+02;
	v6 =	vnsel vm3, $0x0, v5;
	v9 =	vmul.u32 $0x180, v9  }
0x34: {  	vm0 =	vmand vm1, vm0;
	v6 =	vmin.u32 v6, $0x17F;
	v12 =	vmul.f32 v8, v11  }
0x35: {  	s2 =	sadd.s32 s26, s23;
	v5 =	vadd.s32 $0x1, v5;
	v13 =	vsel vm0, $0x3F800000, v1;
	vm0 =	vgt.s32 v10, $0x0  }
0x36: {  	s10 =	sand.u32 $0x70, s26;
	s26 =	smov.u32 s0;
	s2 =	sand.u32 $0xF80, s2;
	vm1 =	vgt.s32 v5, $0x0;
	v8 =	vmul.f32 v8, v3;
	v14 =	vadd.s32 v6, v9  }
0x37: {  	s0 =	sor.u32 s10, s2;
	v5 =	vnsel vm1, $0x0, v5;
	v10 =	vnsel vm0, $0x0, v10;
	v12 =	vmul.f32 v13, v12  }
0x38: {  	v5 =	vmin.u32 v5, $0x17F;
	v10 =	vmin.u32 v10, $0x17F;
	v8 =	vmul.f32 v13, v8;
	[tilespmem:s0+$0xC00] =	vst v14  }
0x39: {  	v11 =	vmul.f32 v4, v11;
	v10 =	vmul.u32 $0x180, v10;
	v9 =	vadd.s32 v5, v9;
	[tilespmem:s25+$0xFFFFF400] =	vst v12  }
0x3a: {  	v3 =	vmul.f32 v4, v3;
	[tilespmem:s0+$0x1200] =	vst v9  }
0x3b: {  	v4 =	vmul.f32 v13, v11;
	v6 =	vadd.s32 v6, v10;
	v5 =	vadd.s32 v5, v10;
	[tilespmem:s25+$0xFFFFFA00] =	vst v8  }
0x3c: {  	[tilespmem:s0+$0x1800] =	vst v6  }
0x3d: {  	v3 =	vmul.f32 v13, v3;
	[tilespmem:s25+$0x0] =	vst v4  }
0x3e: {  	[tilespmem:s0+$0x1E00] =	vst v5  }
0x3f: {  	[tilespmem:s25+$0x600] =	vst v3;
	s25 =	smov.u32 s31  }
0x40: {  	v3 =	vld [tilespmem:s29+$0x0]  }
0x41: {  	v4 =	vld [tilespmem:s30+$0x0];
	_ =	sdelay $0x1  }
.Ltmp0:
0x42: {  	(pc) =	sbr.rel @p0 .LBB2_4-.Ltmp0, $4  }
0x43: {  	_ = 	snop  }
0x44: {  	v3 =	vadd.f32 v3, v7  }
0x45: {  	v4 =	vadd.f32 v4, v2  }
0x46: {  	v5 =	vtrunc.f32 v3  }
0x47: {  	v2 =	vcvt.f32.s32 v5;
	v57 =	vtrunc.f32 v4  }
0x48: {  	v5 =	vcvt.f32.s32 v57  }
0x49: {  	v2 =	vcvt.s32.f32 v2  }
0x4a: {  	v5 =	vcvt.s32.f32 v5  }
0x4b: {  	v6 =	vadd.f32 $-1.000000000e+00, v2  }
0x4c: {  	vm0 =	vlt.f32 v3, v2;
	v7 =	vadd.f32 $-1.000000000e+00, v5  }
0x4d: {  	vm10 =	vlt.f32 v4, v5;
	v2 =	vsel vm0, v6, v2  }
0x4e: {  	v5 =	vsel vm10, v7, v5;
	v6 =	vadd.f32 $1.000000000e+00, v2;
	v3 =	vsub.f32 v3, v2  }
0x4f: {  	v59 =	vtrunc.f32 v2;
	vm11 =	vge.f32 v2, $0.0e+00;
	v58 =	vsub.f32 v4, v5  }
0x50: {  	v8 =	vtrunc.f32 v5;
	v2 =	vcvt.f32.s32 v59;
	vm2 =	vge.f32 v5, $0.0e+00  }
0x51: {  	v5 =	vadd.f32 $1.000000000e+00, v5;
	v60 =	vcvt.f32.s32 v8;
	vm1 =	vle.f32 v6, $3.830000000e+02  }
0x52: {  	vm0 =	vmand vm11, vm2;
	v9 =	vsub.f32 $1.000000000e+00, v3;
	v61 =	vsub.f32 $1.000000000e+00, v58  }
0x53: {  	vm3 =	vgt.s32 v2, $0x0;
	vm0 =	vmand vm0, vm1;
	vm13 =	vle.f32 v5, $3.830000000e+02  }
0x54: {  	vm12 =	vgt.s32 v60, $0x0;
	v8 =	vadd.s32 $0x1, v60;
	v62 =	vnsel vm3, $0x0, v2  }
0x55: {  	vm0 =	vmand vm13, vm0;
	v2 =	vadd.s32 $0x1, v2;
	v7 =	vnsel vm12, $0x0, v60  }
0x56: {  	v5 =	vmin.u32 v62, $0x17F;
	v10 =	vmul.f32 v61, v9;
	v7 =	vmin.u32 v7, $0x17F  }
0x57: {  	s0 =	sadd.s32 s26, s23;
	v11 =	vsel vm0, $0x3F800000, v1;
	vm15 =	vgt.s32 v2, $0x0;
	v7 =	vmul.u32 $0x180, v7  }
0x58: {  	s2 =	sand.u32 $0x70, s26;
	s0 =	sand.u32 $0xF80, s0;
	vm14 =	vgt.s32 v8, $0x0;
	v6 =	vmul.f32 v61, v3;
	v2 =	vnsel vm15, $0x0, v2  }
0x59: {  	s0 =	sor.u32 s2, s0;
	v8 =	vnsel vm14, $0x0, v8;
	v10 =	vmul.f32 v11, v10;
	v12 =	vadd.s32 v5, v7  }
0x5a: {  	v9 =	vmul.f32 v58, v9;
	v2 =	vmin.u32 v2, $0x17F;
	v8 =	vmin.u32 v8, $0x17F;
	[tilespmem:s0+$0xC00] =	vst v12  }
0x5b: {  	s24 =	sadd.s32 $0x1, s24;
	v6 =	vmul.f32 v11, v6;
	v8 =	vmul.u32 $0x180, v8;
	v7 =	vadd.s32 v2, v7;
	[tilespmem:s25+$0xFFFFF400] =	vst v10  }
0x5c: {  	p0 =	sne.s32 s24, $0x4;
	[tilespmem:s0+$0x1200] =	vst v7  }
.Ltmp1:
0x5d: {  	v3 =	vmul.f32 v58, v3;
	v63 =	vmul.f32 v11, v9;
	v5 =	vadd.s32 v5, v8;
	[tilespmem:s25+$0xFFFFFA00] =	vst v6;
	(pc) =	sbr.rel @p0 .LBB2_3-.Ltmp1, $4  }
0x5e: {  	[tilespmem:s0+$0x1800] =	vst v5  }
0x5f: {  	v3 =	vmul.f32 v11, v3;
	v2 =	vadd.s32 v2, v8;
	[tilespmem:s25+$0x0] =	vst v63  }
0x60: {  	s23 =	sadd.s32 $0x180, s23;
	[tilespmem:s0+$0x1E00] =	vst v2  }
0x61: {  	s22 =	sadd.s32 $0x180, s22;
	s19 =	sadd.s32 $0x180, s19;
	s21 =	sadd.s32 $0x180, s21;
	[tilespmem:s25+$0x600] =	vst v3  }
0x62: {  	s0 =	smul.u32 $0xC, s16;
	_ =	sdelay $0x1  }
0x63: {  	s0 =	sadd.s32 s0, s8  }
0x64: {  	s0 =	sshll.u32 s0, $0x4  }
0x65: {  	s0 =	sadd.s32 s5, s0  }
0x66: {  	[hbm4b:s0+s12] =	stream.strided.scatter [tilespmem:s14], [sflag:$0x1], $0x1800, s13, s12, $0x38;
	[tilespmem:$0x3C00] =	vst v63  }
0x67: {  	s16 =	sadd.s32 $0x1, s16;
	_ =	swait.ge [sflag:s11], $0x1800  }
0x68: {  	p0 =	sne.s32 s16, $0x6;
	[sflag:s11] =	ssyncset.done $0x0  }
.Ltmp2:
0x69: {  	s31 =	sadd.s32 s6, s17;
	[sflag:s11] =	ssyncadd.s32 $0xFFFFE800;
	(pc) =	sbr.rel @p0 .LBB2_2-.Ltmp2, $4  }
0x6a: {  	[hbm4b:s31+s12] =	stream.strided.scatter [tilespmem:s15], [sflag:$0x1], $0x1800, s13, s12, $0x38;
	[tilespmem:$0x3C00] =	vst v63  }
0x6b: {  	_ =	swait.ge [sflag:s11], $0x1800  }
0x6c: {  	[sflag:s11] =	ssyncset.done $0x0  }
0x6d: {  	[sflag:s11] =	ssyncadd.s32 $0xFFFFE800  }
0x6e: {  	s1 =	sadd.s32 $0x1, s1;
	s0 =	rddreg [dreg:$0x2]  }
0x6f: {  	p0 =	sne.s32 s1, s0  }
.Ltmp3:
0x70: {  	_ = 	snop;
	(pc) =	sbr.rel @p0 .LBB2_1-.Ltmp3, $1  }
0x71: {  	_ =	sdelay $0x3  }
0x72: {  	_ =	sfence.sel $0x180000  }
0x73: {  	[bflag:$0x0] =	sbarrier.arrive $0xFFFF  }
0x74: {  	_ =	strace $0x9000004D  }
0x75: {  	s0 =	stileid.u32;
	[bflag:$0x2] =	sbarrier.arrive $0xFFFF  }
0x76: {  	p0 =	sne.s32 s0, $0x0;
	s0 =	rddreg [dreg:$0x1]  }
0x77: {  	s0 =	sadd.s32 @!p0 $0x100000, s0  }
0x78: {  	[sflag:s0] =	ssyncadd.tile.s32 @!p0 $0x1;
	_ =	shalt  }
.Lfunc_end2:
_tile_overlayer_lowered:
.L_overlay_start_2:
0x79: {  	(tag) =	ssettag $0x2  }
0x7a: {  	s0 =	rddreg [dreg:$0x0];
	s2 =	stileid.u32  }
0x7b: {  	s1 =	rddreg [dreg:$0x1];
	p0 =	sne.s32 s2, $0x0  }
0x7c: {  	s3 =	rddreg [dreg:$0x2];
	[bflag:$0x3] =	sbarrier.arrive $0xFFFF;
	s2 =	simm.s32 @!p0 $0x1C01  }
0x7d: {  	[timem:s3], [sflag:s2] =	dma.local @!p0 [hbm:s0], s1  }
0x7e: {  	s0 =	simm.s32 @!p0 $0x1  }
0x7f: {  	_ =	swait.ge @!p0 [sflag:s0], s1  }
0x80: {  	s1 =	ssub.s32 @!p0 $0x0, s1;
	[sflag:s0] =	ssyncset.done @!p0 $0x0  }
0x81: {  	[sflag:s0] =	ssyncadd.s32 @!p0 s1  }
0x82: {  	[bflag:$0x3] =	sbarrier.arrive $0xFFFF  }
0x83: {  	_ =	shalt  }

// kernel: _forward_warp_sc.7.cloned.1.call-start
scs
__scs_entry_jumppad:
0x0: {  	(pc) =	sbr.rel $0x88, $3  }
0x1: {  	(tag) =	ssettag $0x0;
	lr =	simm.s32 $0x1  }
0x2: {  	[smem:$0x3F9E] =	sst lr;
	_ =	strace $0xD0000000  }
0x3: {  	_ = 	snop  }
0x4: {  	_ = 	snop  }
0x5: {  	_ = 	snop  }
0x6: {  	_ = 	snop  }
0x7: {  	_ = 	snop  }
__scs_overlays_trampoline_lowered:
0x8: {  	[smem:$0x3FAD] =	sst s0  }
0x9: {  	[smem:$0x3FAE] =	sst s1  }
0xa: {  	[smem:$0x3FAF] =	sst s2  }
0xb: {  	[smem:$0x3FB0] =	sst s3  }
0xc: {  	[smem:$0x3FB1] =	sst s4  }
0xd: {  	[smem:$0x3FB2] =	sst s5  }
0xe: {  	[smem:$0x3FB3] =	sst s6  }
0xf: {  	[smem:$0x3FB4] =	sst s7  }
0x10: {  	[smem:$0x3FB5] =	sst s8  }
0x11: {  	[smem:$0x3FB6] =	sst s9;
	s0 =	simm.s32 @!p0 $0x0  }
0x12: {  	s1 =	sld [smem:$0x3F9C];
	s0 =	simm.s32 @p0 $0x1  }
0x13: {  	[smem:$0x3FB7] =	sst s0;
	s0 =	simm.s32 @!p1 $0x0  }
0x14: {  	s2 =	sld [smem:$0x3F9B];
	s0 =	simm.s32 @p1 $0x1  }
0x15: {  	[smem:$0x3FB8] =	sst s0;
	s0 =	simm.s32 @!p2 $0x0  }
0x16: {  	s3 =	sld [smem:$0x3FDB];
	s0 =	simm.s32 @p2 $0x1  }
0x17: {  	s4 =	simm.s32 $0x1BF5;
	[smem:$0x3FBA] =	sst s0  }
0x18: {  	s0 =	sld [smem:$0x3F9D];
	_ =	swait.ge [sflag:s4], $0x0  }
0x19: {  	s7 =	sld [smem:$0x3F9E]  }
0x1a: {  	s8 =	sadd.s32 $0xFFFFE003, lr  }
0x1b: {  	s9 =	sadd.s32 $0xFFFFFEF7, lr;
	s5 =	simm.s32 $0xFFFFFFFF;
	p2 =	slt.u32 s8, $0xFFFFF086  }
0x1c: {  	p1 =	slt.u32 s9, $0xF7A;
	s5 =	simm.s32 @!p2 $0x0  }
0x1d: {  	s5 =	simm.s32 @p1 $0x1;
	p0 =	seq.s32 s7, s2  }
0x1e: {  	s7 =	smul.u32 @!p0 $0xF7A, s2;
	p2 =	seq.s32 @!p0 s5, $0x0  }
0x1f: {  	s9 =	smul.u32 $0xF7A, s1;
	s8 =	simm.s32 @!p0 $0x1BF5;
	p2 =	por !p2, p0  }
0x20: {  	[sflag:s8] =	ssyncset.s32 @!p0 $0xFFFFF086;
	s6 =	sadd.s32 @!p0 s3, s7;
	s7 =	simm.s32 @!p0 $0x108  }
0x21: {  	s3 =	sadd.s32 s3, s9;
	s6 =	sadd.s32 @!p0 $0x88, s6;
	s7 =	simm.s32 @p2 $0x1082  }
0x22: {  	[simem:s7], [sflag:s8] =	dma.local @!p0 [hbm:s6], $0xF7A  }
0x23: {  	s9 =	sor.u32 $0xD0000000, s2;
	s6 =	simm.s32 $0x108;
	_ =	swait.ge @!p0 [sflag:s8], $0x0  }
0x24: {  	s3 =	sadd.s32 $0x88, s3;
	s6 =	simm.s32 @!p1 $0x1082;
	[sflag:s4] =	ssyncset.s32 $0xFFFFF086  }
0x25: {  	[simem:s6], [sflag:s4] =	dma.local [hbm:s3], $0xF7A  }
0x26: {  	[smem:$0x3F9E] =	sst s1;
	(tag) =	ssettag s2;
	_ =	strace s9  }
0x27: {  	s1 =	sld [smem:$0x3FAE]  }
0x28: {  	s2 =	sld [smem:$0x3FAF]  }
0x29: {  	s4 =	sld [smem:$0x3FB1]  }
0x2a: {  	p0 =	seq.s32 s5, $0x0;
	s5 =	sld [smem:$0x3FB2]  }
0x2b: {  	s6 =	sld [smem:$0x3FB3]  }
0x2c: {  	s7 =	sld [smem:$0x3FB4]  }
0x2d: {  	s3 =	simm.s32 $0x108;
	s8 =	sld [smem:$0x3FB5]  }
0x2e: {  	s3 =	simm.s32 @!p0 $0x1082;
	s9 =	sld [smem:$0x3FB6]  }
0x2f: {  	lr =	sadd.s32 s0, s3;
	s0 =	sld [smem:$0x3FAD]  }
0x30: {  	s3 =	sld [smem:$0x3FB0]  }
0x31: {  	[smem:$0x3FB9] =	sst s10  }
0x32: {  	s10 =	sld [smem:$0x3FB7];
	_ =	sdelay $0x3  }
0x33: {  	p0 =	seq.s32 s10, $0x1;
	s10 =	sld [smem:$0x3FB9];
	_ =	sdelay $0x3  }
0x34: {  	[smem:$0x3FB9] =	sst s10  }
0x35: {  	s10 =	sld [smem:$0x3FB8];
	_ =	sdelay $0x3  }
0x36: {  	p1 =	seq.s32 s10, $0x1;
	s10 =	sld [smem:$0x3FB9];
	_ =	sdelay $0x3  }
0x37: {  	[smem:$0x3FB9] =	sst s10  }
0x38: {  	s10 =	sld [smem:$0x3FBA]  }
0x39: {  	_ = 	snop;
	(pc) =	sbr.ind lr, $3  }
0x3a: {  	_ = 	snop  }
0x3b: {  	_ = 	snop  }
0x3c: {  	p2 =	seq.s32 s10, $0x1;
	s10 =	sld [smem:$0x3FB9]  }
0x3d: {  	_ =	shalt  }
0x3e: {  	_ =	shalt  }
0x3f: {  	_ =	shalt  }
0x40: {  	_ =	shalt  }
0x41: {  	_ =	shalt  }
0x42: {  	_ =	shalt  }
0x43: {  	_ =	shalt  }
0x44: {  	_ =	shalt  }
0x45: {  	_ =	shalt  }
0x46: {  	_ =	shalt  }
0x47: {  	_ =	shalt  }
0x48: {  	_ =	shalt  }
0x49: {  	_ =	shalt  }
0x4a: {  	_ =	shalt  }
0x4b: {  	_ =	shalt  }
0x4c: {  	_ =	shalt  }
0x4d: {  	_ =	shalt  }
0x4e: {  	_ =	shalt  }
0x4f: {  	_ =	shalt  }
0x50: {  	_ =	shalt  }
0x51: {  	_ =	shalt  }
0x52: {  	_ =	shalt  }
0x53: {  	_ =	shalt  }
0x54: {  	_ =	shalt  }
0x55: {  	_ =	shalt  }
0x56: {  	_ =	shalt  }
0x57: {  	_ =	shalt  }
0x58: {  	_ =	shalt  }
0x59: {  	_ =	shalt  }
0x5a: {  	_ =	shalt  }
0x5b: {  	_ =	shalt  }
0x5c: {  	_ =	shalt  }
0x5d: {  	_ =	shalt  }
0x5e: {  	_ =	shalt  }
0x5f: {  	_ =	shalt  }
0x60: {  	_ =	shalt  }
0x61: {  	_ =	shalt  }
0x62: {  	_ =	shalt  }
0x63: {  	_ =	shalt  }
0x64: {  	_ =	shalt  }
0x65: {  	_ =	shalt  }
0x66: {  	_ =	shalt  }
0x67: {  	_ =	shalt  }
0x68: {  	_ =	shalt  }
0x69: {  	_ =	shalt  }
0x6a: {  	_ =	shalt  }
0x6b: {  	_ =	shalt  }
0x6c: {  	_ =	shalt  }
0x6d: {  	_ =	shalt  }
0x6e: {  	_ =	shalt  }
0x6f: {  	_ =	shalt  }
0x70: {  	_ =	shalt  }
0x71: {  	_ =	shalt  }
0x72: {  	_ =	shalt  }
0x73: {  	_ =	shalt  }
0x74: {  	_ =	shalt  }
0x75: {  	_ =	shalt  }
0x76: {  	_ =	shalt  }
0x77: {  	_ =	shalt  }
0x78: {  	_ =	shalt  }
0x79: {  	_ =	shalt  }
0x7a: {  	_ =	shalt  }
0x7b: {  	_ =	shalt  }
0x7c: {  	_ =	shalt  }
0x7d: {  	_ =	shalt  }
0x7e: {  	_ =	shalt  }
0x7f: {  	_ =	shalt  }
0x80: {  	_ =	shalt  }
0x81: {  	_ =	shalt  }
0x82: {  	_ =	shalt  }
0x83: {  	_ =	shalt  }
0x84: {  	_ =	shalt  }
0x85: {  	_ =	shalt  }
0x86: {  	_ =	shalt  }
0x87: {  	_ =	shalt  }
.Lfunc_end0:
.L_simem_size_0:
called_computation.5_lowered:
.L_overlay_start_0:
0x88: {  	s2 =	sld [smem:$0x3FD9]  }
0x89: {  	s3 =	sld [smem:$0x3FFE];
	_ =	sdelay $0x1  }
0x8a: {  	s1 =	srdreg.scid  }
0x8b: {  	s0 =	sand.u32 $0x1, s1  }
0x8c: {  	s17 =	sshll.u32 s0, $0xA;
	s2 =	sadd.s32 s3, s2  }
0x8d: {  	s2 =	sadd.s32 s2, s17  }
0x8e: {  	[smem:$0x3FC5] =	sst s2  }
0x8f: {  	_ = 	snop  }
0x90: {  	s2 =	sld [smem:$0x3FD0];
	(tm) =	ssettm $0x1  }
0x91: {  	s18 =	sld [smem:$0x3FFB];
	_ =	sdelay $0x3  }
0x92: {  	_ =	strace s18  }
0x93: {  	s3 =	sld [smem:$0x3FFC];
	_ =	sdelay $0x3  }
0x94: {  	_ =	strace s3  }
0x95: {  	s3 =	sld [smem:$0x3FFD];
	_ =	sdelay $0x3  }
0x96: {  	_ =	strace s3  }
0x97: {  	_ =	strace $0x8FFFFFFF  }
0x98: {  	s19 =	sld [smem:$0x3FDB];
	_ =	sdelay $0x1  }
0x99: {  	s4 =	simm.s32 $_scs_section_size  }
0x9a: {  	s5 =	simm.s32 $_size__tile_overlayer_lowered;
	s6 =	simm.s32 $_tile_overlayer_lowered  }
0x9b: {  	s22 =	simm.s32 $0x1BFF;
	s21 =	sshll.u32 s6, $0x1;
	s3 =	sadd.s32 s4, s19  }
0x9c: {  	s7 =	simm.s32 $0x0;
	s20 =	sshll.u32 s5, $0x1;
	s5 =	sadd.s32 s21, s3  }
0x9d: {  	[timem:s7], [sflag:s22] =	dma.local [hbm:s5], s20  }
0x9e: {  	_ =	swait.ge [sflag:s22], s20  }
0x9f: {  	s4 =	ssub.s32 $0x0, s20;
	[sflag:s22] =	ssyncset.done $0x0  }
0xa0: {  	[sflag:s22] =	ssyncadd.s32 s4;
	_ =	sdelay $0x1  }
0xa1: {  	s23 =	simm.s32 $0x1B8B  }
0xa2: {  	_ =	swait.ge [sflag:s23], $0x1  }
0xa3: {  	[sflag:s23] =	ssyncset.done $0x0  }
0xa4: {  	s25 =	simm.s32 $0x1B8E;
	s24 =	sld [smem:$0x3FFE];
	[sflag:s23] =	ssyncadd.s32 $0xFFFFFFFF  }
0xa5: {  	s26 =	simm.s32 $execute0_lowered;
	[smem:$0x3FD2] =	sst s25  }
0xa6: {  	s5 =	sshll.u32 s26, $0x1;
	_ =	strace $0x8000004F;
	[dreg:$0x1] =	wrdreg $0xFFFFFFFF  }
0xa7: {  	s28 =	simm.s32 $_size_execute0_lowered;
	s3 =	sadd.s32 s3, s5;
	[dreg:$0x0] =	wrdreg $0x0  }
0xa8: {  	s5 =	sshll.u32 s28, $0x1;
	[dreg:$0x2] =	wrdreg s3  }
0xa9: {  	[dreg:$0x3] =	wrdreg s5  }
0xaa: {  	[dreg:$0x4] =	wrdreg $0xC0  }
0xab: {  	_ =	task [dreg:s7], $0x5FFFF  }
0xac: {  	[dreg:$0x1] =	wrdreg $0xFFFFFFFF  }
0xad: {  	[dreg:$0x0] =	wrdreg $0x60  }
0xae: {  	[dreg:$0x2] =	wrdreg s2  }
0xaf: {  	[dreg:$0x3] =	wrdreg s24  }
0xb0: {  	[dreg:$0x4] =	wrdreg $0x0  }
0xb1: {  	[dreg:$0x5] =	wrdreg $0x9  }
0xb2: {  	_ =	task.clear_ibuf [dreg:s7], $0x6FFFF;
	_ =	strace $0x9000004F  }
0xb3: {  	s29 =	simm.s32 $0x9;
	_ =	strace $0x80000051  }
0xb4: {  	_ =	swait.ge [sflag:s29], $0x1  }
0xb5: {  	[sflag:s29] =	ssyncadd.s32 $0xFFFFFFFF  }
0xb6: {  	_ =	strace $0x90000051  }
0xb7: {  	_ =	sfence  }
0xb8: {  	s30 =	sld [smem:$0x0];
	_ =	sdelay $0x2  }
0xb9: {  	s31 =	sshll.u32 s1, $0xD;
	s1 =	sshrl.u32 s1, $0x2  }
0xba: {  	s3 =	sand.u32 $0x4000, s31;
	s1 =	sadd.s32 s1, s30  }
0xbb: {  	s0 =	sor.u32 s3, s0;
	s1 =	sshll.u32 s1, $0x11  }
0xbc: {  	s0 =	sor.u32 s1, s0  }
0xbd: {  	s0 =	sadd.s32 $0x8F2B, s0  }
0xbe: {  	[sflag:s0] =	ssyncadd.remote.s32 $0x1  }
0xbf: {  	_ =	sfence.sel $0xFFFF  }
0xc0: {  	[dreg:$0x0] =	wrdreg $0xFFFFFFFF;
	(pc) =	sbr.abs _section_cstart, $3  }
0xc1: {  	[dreg:$0x1] =	wrdreg $0xFFFFFFFF  }
0xc2: {  	_ =	task.clear_ibuf [dreg:s7], $0x2FFFF;
	_ =	strace $0x9FFFFFFF  }
0xc3: {  	(tm) =	ssettm $0x7FFFFFFF  }
tec
execute0_lowered:
.L_overlay_start_1:
0x0: {  	(tag) =	ssettag $0x1  }
0x1: {  	s0 =	rddreg [dreg:$0x0]  }
0x2: {  	s2 =	rddreg [dreg:$0x1]  }
0x3: {  	s1 =	rddreg [dreg:$0x2]  }
0x4: {  	s7 =	simm.s32 $0x0;
	s23 =	srdreg.scid;
	s6 =	stileid.u32  }
0x5: {  	s16 =	simm.s32 $0x1;
	s17 =	simm.s32 $0x12000;
	s20 =	simm.s32 $0x16800  }
0x6: {  	s15 =	simm.s32 $0x1A400;
	s19 =	simm.s32 $0x1A800;
	s30 =	simm.s32 $0x1AC00  }
0x7: {  	s11 =	simm.s32 $0x1B800;
	s18 =	simm.s32 $0x1BC00;
	s13 =	simm.s32 $0x1C000  }
0x8: {  	s14 =	simm.s32 $0x1C400;
	s28 =	simm.s32 $0x1C800;
	s21 =	simm.s32 $0x1D400  }
0x9: {  	s22 =	simm.s32 $0x1D800;
	[smem:$0x7FF] =	sst s7;
	s3 =	sadd.s32 $0x2000, s2  }
0xa: {  	s5 =	sadd.s32 $0x6F74000, s2;
	s4 =	sadd.s32 $0x6F98000, s2;
	s8 =	smul.u32 $0x12000, s6  }
0xb: {  	s9 =	smul.u32 $0x2400, s6;
	_ =	strace $0x80000050;
	[dreg:$0x5] =	wrdreg s3  }
0xc: {  	s2 =	sadd.s32 $0x362000, s2;
	s29 =	smul.u32 $0x48, s6;
	[dreg:$0x6] =	wrdreg s4  }
0xd: {  	s31 =	sshll.u32 s6, $0x6;
	s6 =	simm.s32 $0x1D000;
	[dreg:$0x8] =	wrdreg s2  }
0xe: {  	s3 =	sand.u32 $0x1, s23;
	s4 =	simm.s32 $0x1B400;
	[dreg:$0x7] =	wrdreg s8  }
0xf: {  	s23 =	simm.s32 $0x1DC00;
	s24 =	ssub.s32 $0x2, s3;
	[dreg:$0xb] =	wrdreg s29  }
0x10: {  	s3 =	smul.u32 $0x6, s3;
	[dreg:$0x9] =	wrdreg s9;
	s0 =	sadd.s32 s0, s9  }
0x11: {  	s26 =	sadd.s32 s8, s1;
	s8 =	sor.u32 $0x1C01, s31;
	[dreg:$0xc] =	wrdreg s0  }
0x12: {  	s9 =	simm.s32 $0x1CC00;
	s25 =	sshrl.u32 s24, $0x1;
	[dreg:$0xe] =	wrdreg s8  }
0x13: {  	v1 =	vlaneseq.u32;
	s10 =	sshrl.u32 s26, $0x3;
	s2 =	ssub.s32 s24, s25;
	[dreg:$0xa] =	wrdreg s3  }
0x14: {  	v0 =	vshrl.u32 v1, $0x3;
	s26 =	simm.s32 $0x80;
	[dreg:$0xf] =	wrdreg s10;
	s2 =	smax.u32 s2, $0x1  }
0x15: {  	v1 =	vand.u32 $0x7, v1;
	v2 =	vor.u32 $0x300, v0;
	v3 =	vmul.u32 $0x8, v0;
	s0 =	simm.s32 $0x1B000;
	s25 =	simm.s32 $0x18000;
	[dreg:$0xd] =	wrdreg s2  }
.LBB2_1:
0x16: {  	[dreg:$0x4] =	wrdreg s7;
	s3 =	simm.s32 $0x0  }
.LBB2_2:
0x17: {  	s2 =	sand.u32 $0x1, s3;
	s12 =	sshrl.u32 s3, $0x1;
	s7 =	rddreg [dreg:$0xa]  }
0x18: {  	[dreg:$0x10] =	wrdreg s3;
	s3 =	sadd.s32 s7, s12;
	s24 =	smul.u32 $0xD80000, s2  }
0x19: {  	s3 =	smul.u32 $0x120000, s3;
	_ =	sdelay $0x1  }
0x1a: {  	s12 =	rddreg [dreg:$0x7];
	s3 =	sadd.s32 s24, s3  }
0x1b: {  	s7 =	sadd.s32 s12, s3  }
0x1c: {  	s24 =	rddreg [dreg:$0x5];
	s12 =	sshrl.u32 s7, $0x3  }
0x1d: {  	[dreg:$0x11] =	wrdreg s12;
	s7 =	sadd.s32 s24, s12  }
0x1e: {  	[spmem:s10], [sflag:s8] =	dma.local [hbm:s7], $0x2400  }
0x1f: {  	_ =	swait.ge [sflag:s16], $0x2400  }
0x20: {  	[sflag:s16] =	ssyncset.done $0x0  }
0x21: {  	[sflag:s16] =	ssyncadd.s32 $0xFFFFDC00  }
0x22: {  	[bflag:$0x0] =	sbarrier.arrive $0xFFFF  }
0x23: {  	s12 =	smul.u32 $0x24000, s2;
	s24 =	rddreg [dreg:$0x9]  }
0x24: {  	s2 =	smul.u32 $0x480, s2;
	s10 =	sshrl.u32 s3, $0x3;
	s8 =	rddreg [dreg:$0xb]  }
0x25: {  	s3 =	simm.s32 $0x0;
	s24 =	sadd.s32 s12, s24;
	s12 =	rddreg [dreg:$0xc]  }
0x26: {  	s29 =	sadd.s32 s8, s2;
	s2 =	simm.s32 $0x0;
	s31 =	sadd.s32 s10, s12  }
.LBB2_3:
0x27: {  	s7 =	smul.u32 $0x600, s2;
	_ =	sdelay $0x1  }
0x28: {  	s8 =	sadd.s32 s7, s31;
	s7 =	sadd.s32 s24, s7  }
0x29: {  	[tilespmem:s17], [sflag:$0x1] =	stream.linear.gather [hbm4b:s8+s3], $0x3000, $0x38;
	[tilespmem:$0x1E000] =	vst v63  }
0x2a: {  	s12 =	simm.s32 $0x48000;
	s7 =	sshrl.u32 s7, $0x3;
	_ =	swait.ge [sflag:s16], $0x3000  }
0x2b: {  	s8 =	smul.u32 $0xC, s2;
	[sflag:s16] =	ssyncset.done $0x0;
	s10 =	rddreg [dreg:$0x6]  }
0x2c: {  	[sflag:s16] =	ssyncadd.s32 $0xFFFFD000;
	s7 =	sadd.s32 s10, s7;
	s10 =	simm.s32 $0x600  }
0x2d: {  	[tilespmem:s20], [sflag:$0x1] =	stream.strided.gather [hbm4b:s7+s10], $0x1800, s12, s10, $0x38;
	[tilespmem:$0x1E000] =	vst v63  }
0x2e: {  	s8 =	sadd.s32 s8, s29;
	_ =	swait.ge [sflag:s16], $0x1800  }
0x2f: {  	s7 =	sshll.u32 s8, $0x4;
	[sflag:s16] =	ssyncset.done $0x0  }
0x30: {  	s12 =	simm.s32 $0x15000;
	s10 =	sadd.s32 s5, s7;
	[sflag:s16] =	ssyncadd.s32 $0xFFFFE800  }
0x31: {  	[tilespmem:s12], [sflag:$0x1] =	stream.linear.gather [hbm4b:s10+s3], $0x600, $0x38;
	[tilespmem:$0x1E000] =	vst v63  }
0x32: {  	s7 =	sand.u32 $0x1FFFFFF0, s7;
	_ =	swait.ge [sflag:s16], $0x600  }
0x33: {  	s7 =	sadd.s32 s5, s7;
	[sflag:s16] =	ssyncset.done $0x0  }
0x34: {  	s10 =	sadd.s32 $0x9000, s7;
	s12 =	simm.s32 $0x15600;
	[sflag:s16] =	ssyncadd.s32 $0xFFFFFA00  }
0x35: {  	[tilespmem:s12], [sflag:$0x1] =	stream.linear.gather [hbm4b:s10+s3], $0x600, $0x38;
	[tilespmem:$0x1E000] =	vst v63  }
0x36: {  	_ =	swait.ge [sflag:s16], $0x600  }
0x37: {  	[sflag:s16] =	ssyncset.done $0x0  }
0x38: {  	s10 =	sadd.s32 $0x12000, s7;
	s12 =	simm.s32 $0x15C00;
	[sflag:s16] =	ssyncadd.s32 $0xFFFFFA00  }
0x39: {  	[tilespmem:s12], [sflag:$0x1] =	stream.linear.gather [hbm4b:s10+s3], $0x600, $0x38;
	[tilespmem:$0x1E000] =	vst v63  }
0x3a: {  	_ =	swait.ge [sflag:s16], $0x600  }
0x3b: {  	v4 =	vor.u32 s3, v0;
	[sflag:s16] =	ssyncset.done $0x0  }
0x3c: {  	v5 =	vshll.u32 v4, $0x3;
	s7 =	sadd.s32 $0x1B000, s7;
	s10 =	simm.s32 $0x16200;
	[sflag:s16] =	ssyncadd.s32 $0xFFFFFA00  }
0x3d: {  	v6 =	vor.u32 v1, v5;
	[tilespmem:s10], [sflag:$0x1] =	stream.linear.gather [hbm4b:s7+s3], $0x600, $0x38;
	[tilespmem:$0x1E000] =	vst v63  }
0x3e: {  	_ =	swait.ge [sflag:s16], $0x600  }
0x3f: {  	[sflag:s16] =	ssyncset.done $0x0  }
0x40: {  	v7 =	vmov s3;
	[sflag:s16] =	ssyncadd.s32 $0xFFFFFA00  }
0x41: {  	v8 =	vshll.u32 v7, $0x3;
	v4 =	vld.idx.msk [tilespmem:v4+s20+$0x0], $0xffff  }
0x42: {  	v8 =	vand.u32 $0x1C00, v8;
	v5 =	vand.u32 $0x3F8, v5;
	v9 =	vld.idx.msk [tilespmem:v6+s17+$0x0], $0xffff  }
0x43: {  	v5 =	vor.u32 v8, v5;
	v6 =	vand.u32 $0x3FF, v7  }
0x44: {  	v7 =	vor.u32 v1, v5;
	v6 =	vor.u32 v0, v6  }
0x45: {  	v5 =	vadd.s32 $0x600, v6;
	_ =	sdelay $0x1  }
0x46: {  	v4 =	vmul.f32 v4, v9;
	_ =	sdelay $0x1  }
0x47: {  	[tilespmem:v7+s25+$0x0] =	vst.idx.msk $0xffff, v4  }
0x48: {  	v4 =	vld.idx.msk [tilespmem:v5+s20+$0x0], $0xffff;
	_ =	sdelay $0x1  }
0x49: {  	v5 =	vadd.s32 $0x1800, v7  }
0x4a: {  	v8 =	vor.u32 $0xC00, v6;
	_ =	sdelay $0x1  }
0x4b: {  	v4 =	vmul.f32 v4, v9;
	_ =	sdelay $0x1  }
0x4c: {  	[tilespmem:v5+s25+$0x0] =	vst.idx.msk $0xffff, v4  }
0x4d: {  	v4 =	vld.idx.msk [tilespmem:v8+s20+$0x0], $0xffff;
	_ =	sdelay $0x1  }
0x4e: {  	v5 =	vadd.s32 $0x3000, v7  }
0x4f: {  	v6 =	vadd.s32 $0x1200, v6;
	_ =	sdelay $0x1  }
0x50: {  	v4 =	vmul.f32 v4, v9;
	_ =	sdelay $0x1  }
0x51: {  	[tilespmem:v5+s25+$0x0] =	vst.idx.msk $0xffff, v4  }
0x52: {  	v10 =	vld.idx.msk [tilespmem:v6+s20+$0x0], $0xffff  }
0x53: {  	s12 =	simm.s32 $0x2  }
0x54: {  	v4 =	vmov s12;
	v5 =	vor.u32 s12, v0;
	v6 =	vadd.s32 $0x4800, v7  }
0x55: {  	v8 =	vshll.u32 v5, $0x3;
	v11 =	vshll.u32 v4, $0x3;
	v4 =	vand.u32 $0x3FF, v4  }
0x56: {  	v7 =	vor.u32 v1, v8;
	v11 =	vand.u32 $0x1C00, v11;
	v8 =	vand.u32 $0x3F8, v8  }
0x57: {  	s7 =	simm.s32 $0x4;
	v4 =	vor.u32 v0, v4;
	v8 =	vor.u32 v11, v8;
	v9 =	vmul.f32 v10, v9  }
.LBB2_4:
0x58: {  	_ = 	snop  }
0x59: {  	p0 =	sne.s32 s7, $0x2FE;
	s8 =	smov.u32 s7;
	s7 =	sadd.s32 $0x2, s7;
	[tilespmem:v6+s25+$0x0] =	vst.idx.msk $0xffff, v9  }
0x5a: {  	v5 =	vld.idx.msk [tilespmem:v5+s20+$0x0], $0xffff  }
0x5b: {  	v9 =	vld.idx.msk [tilespmem:v7+s17+$0x0], $0xffff;
	_ =	sdelay $0x2  }
0x5c: {  	v6 =	vor.u32 v1, v8  }
0x5d: {  	v7 =	vadd.s32 $0x600, v4;
	_ =	sdelay $0x1  }
0x5e: {  	v5 =	vmul.f32 v5, v9;
	_ =	sdelay $0x1  }
0x5f: {  	[tilespmem:v6+s25+$0x0] =	vst.idx.msk $0xffff, v5  }
0x60: {  	v5 =	vld.idx.msk [tilespmem:v7+s20+$0x0], $0xffff;
	_ =	sdelay $0x2  }
0x61: {  	v7 =	vadd.s32 $0x1800, v6  }
0x62: {  	v8 =	vor.u32 $0xC00, v4;
	_ =	sdelay $0x1  }
0x63: {  	v5 =	vmul.f32 v5, v9;
	_ =	sdelay $0x1  }
0x64: {  	[tilespmem:v7+s25+$0x0] =	vst.idx.msk $0xffff, v5  }
0x65: {  	v5 =	vld.idx.msk [tilespmem:v8+s20+$0x0], $0xffff;
	_ =	sdelay $0x2  }
0x66: {  	v7 =	vadd.s32 $0x3000, v6  }
0x67: {  	v4 =	vadd.s32 $0x1200, v4;
	_ =	sdelay $0x1  }
0x68: {  	v5 =	vmul.f32 v5, v9;
	_ =	sdelay $0x1  }
0x69: {  	[tilespmem:v7+s25+$0x0] =	vst.idx.msk $0xffff, v5  }
0x6a: {  	v10 =	vld.idx.msk [tilespmem:v4+s20+$0x0], $0xffff;
	_ =	sdelay $0x1  }
.Ltmp0:
0x6b: {  	(pc) =	sbr.rel @p0 .LBB2_4-.Ltmp0, $4  }
0x6c: {  	v6 =	vadd.s32 $0x4800, v6;
	v5 =	vor.u32 s8, v0;
	v4 =	vmov s8  }
0x6d: {  	v8 =	vshll.u32 v5, $0x3;
	v11 =	vshll.u32 v4, $0x3;
	v4 =	vand.u32 $0x3FF, v4  }
0x6e: {  	v7 =	vor.u32 v1, v8;
	v8 =	vand.u32 $0x3F8, v8;
	v11 =	vand.u32 $0x1C00, v11  }
0x6f: {  	v4 =	vor.u32 v0, v4;
	v8 =	vor.u32 v11, v8;
	v9 =	vmul.f32 v10, v9  }
0x70: {  	_ =	sdelay $0x3  }
0x71: {  	[tilespmem:v6+s25+$0x0] =	vst.idx.msk $0xffff, v9  }
0x72: {  	v5 =	vld.idx.msk [tilespmem:v5+s20+$0x0], $0xffff  }
0x73: {  	v6 =	vld.idx.msk [tilespmem:v7+s17+$0x0], $0xffff;
	_ =	sdelay $0x1  }
0x74: {  	v7 =	vor.u32 v1, v8  }
0x75: {  	v8 =	vadd.s32 $0x600, v4;
	_ =	sdelay $0x1  }
0x76: {  	v5 =	vmul.f32 v5, v6;
	_ =	sdelay $0x1  }
0x77: {  	[tilespmem:v7+s25+$0x0] =	vst.idx.msk $0xffff, v5  }
0x78: {  	v5 =	vld.idx.msk [tilespmem:v8+s20+$0x0], $0xffff;
	_ =	sdelay $0x1  }
0x79: {  	v8 =	vadd.s32 $0x1800, v7  }
0x7a: {  	v9 =	vor.u32 $0xC00, v4;
	_ =	sdelay $0x1  }
0x7b: {  	v5 =	vmul.f32 v5, v6;
	_ =	sdelay $0x1  }
0x7c: {  	[tilespmem:v8+s25+$0x0] =	vst.idx.msk $0xffff, v5  }
0x7d: {  	v5 =	vld.idx.msk [tilespmem:v9+s20+$0x0], $0xffff;
	_ =	sdelay $0x1  }
0x7e: {  	v8 =	vadd.s32 $0x3000, v7  }
0x7f: {  	v4 =	vadd.s32 $0x1200, v4;
	_ =	sdelay $0x1  }
0x80: {  	v5 =	vmul.f32 v5, v6;
	_ =	sdelay $0x1  }
0x81: {  	[tilespmem:v8+s25+$0x0] =	vst.idx.msk $0xffff, v5  }
0x82: {  	v4 =	vld.idx.msk [tilespmem:v4+s20+$0x0], $0xffff;
	_ =	sdelay $0x1  }
0x83: {  	v5 =	vadd.s32 $0x4800, v7;
	_ =	sdelay $0x2  }
0x84: {  	v4 =	vmul.f32 v4, v6;
	_ =	sdelay $0x1  }
0x85: {  	s7 =	simm.s32 $0x15000;
	[tilespmem:v5+s25+$0x0] =	vst.idx.msk $0xffff, v4  }
0x86: {  	[spmem:s1] =	stream.indirect.scatter.add.f32 [tilespmem:s25], [sflag:$0x1], $0x8, s7, s26, $0xb8;
	[tilespmem:$0x1E000] =	vst v63  }
0x87: {  	_ =	swait.ge [sflag:s16], $0x400  }
0x88: {  	[sflag:s16] =	ssyncset.done $0x0  }
0x89: {  	s12 =	simm.s32 $0x15080;
	s10 =	simm.s32 $0x18400;
	[sflag:s16] =	ssyncadd.s32 $0xFFFFFC00  }
0x8a: {  	[spmem:s1] =	stream.indirect.scatter.add.f32 [tilespmem:s10], [sflag:$0x1], $0x8, s12, s26, $0xb8;
	[tilespmem:$0x1E000] =	vst v63  }
0x8b: {  	_ =	swait.ge [sflag:s16], $0x400  }
0x8c: {  	[sflag:s16] =	ssyncset.done $0x0  }
0x8d: {  	s8 =	simm.s32 $0x15100;
	s12 =	simm.s32 $0x18800;
	[sflag:s16] =	ssyncadd.s32 $0xFFFFFC00  }
0x8e: {  	[spmem:s1] =	stream.indirect.scatter.add.f32 [tilespmem:s12], [sflag:$0x1], $0x8, s8, s26, $0xb8;
	[tilespmem:$0x1E000] =	vst v63  }
0x8f: {  	_ =	swait.ge [sflag:s16], $0x400  }
0x90: {  	[sflag:s16] =	ssyncset.done $0x0  }
0x91: {  	s7 =	simm.s32 $0x15180;
	s8 =	simm.s32 $0x18C00;
	[sflag:s16] =	ssyncadd.s32 $0xFFFFFC00  }
0x92: {  	[spmem:s1] =	stream.indirect.scatter.add.f32 [tilespmem:s8], [sflag:$0x1], $0x8, s7, s26, $0xb8;
	[tilespmem:$0x1E000] =	vst v63  }
0x93: {  	_ =	swait.ge [sflag:s16], $0x400  }
0x94: {  	[sflag:s16] =	ssyncset.done $0x0  }
0x95: {  	s7 =	simm.s32 $0x15200;
	s8 =	simm.s32 $0x19000;
	[sflag:s16] =	ssyncadd.s32 $0xFFFFFC00  }
0x96: {  	[spmem:s1] =	stream.indirect.scatter.add.f32 [tilespmem:s8], [sflag:$0x1], $0x8, s7, s26, $0xb8;
	[tilespmem:$0x1E000] =	vst v63  }
0x97: {  	_ =	swait.ge [sflag:s16], $0x400  }
0x98: {  	[sflag:s16] =	ssyncset.done $0x0  }
0x99: {  	s7 =	simm.s32 $0x15280;
	s8 =	simm.s32 $0x19400;
	[sflag:s16] =	ssyncadd.s32 $0xFFFFFC00  }
0x9a: {  	[spmem:s1] =	stream.indirect.scatter.add.f32 [tilespmem:s8], [sflag:$0x1], $0x8, s7, s26, $0xb8;
	[tilespmem:$0x1E000] =	vst v63  }
0x9b: {  	_ =	swait.ge [sflag:s16], $0x400  }
0x9c: {  	[sflag:s16] =	ssyncset.done $0x0  }
0x9d: {  	s7 =	simm.s32 $0x15600;
	s8 =	simm.s32 $0x19800;
	[sflag:s16] =	ssyncadd.s32 $0xFFFFFC00  }
0x9e: {  	[spmem:s1] =	stream.indirect.scatter.add.f32 [tilespmem:s8], [sflag:$0x1], $0x8, s7, s26, $0xb8;
	[tilespmem:$0x1E000] =	vst v63  }
0x9f: {  	_ =	swait.ge [sflag:s16], $0x400  }
0xa0: {  	[sflag:s16] =	ssyncset.done $0x0  }
0xa1: {  	s7 =	simm.s32 $0x15680;
	s8 =	simm.s32 $0x19C00;
	[sflag:s16] =	ssyncadd.s32 $0xFFFFFC00  }
0xa2: {  	[spmem:s1] =	stream.indirect.scatter.add.f32 [tilespmem:s8], [sflag:$0x1], $0x8, s7, s26, $0xb8;
	[tilespmem:$0x1E000] =	vst v63  }
0xa3: {  	_ =	swait.ge [sflag:s16], $0x400  }
0xa4: {  	[sflag:s16] =	ssyncset.done $0x0  }
0xa5: {  	s7 =	simm.s32 $0x15700;
	s8 =	simm.s32 $0x1A000;
	[sflag:s16] =	ssyncadd.s32 $0xFFFFFC00  }
0xa6: {  	[spmem:s1] =	stream.indirect.scatter.add.f32 [tilespmem:s8], [sflag:$0x1], $0x8, s7, s26, $0xb8;
	[tilespmem:$0x1E000] =	vst v63  }
0xa7: {  	_ =	swait.ge [sflag:s16], $0x400  }
0xa8: {  	[sflag:s16] =	ssyncset.done $0x0  }
0xa9: {  	s8 =	simm.s32 $0x15780;
	[sflag:s16] =	ssyncadd.s32 $0xFFFFFC00  }
0xaa: {  	[spmem:s1] =	stream.indirect.scatter.add.f32 [tilespmem:s15], [sflag:$0x1], $0x8, s8, s26, $0xb8;
	[tilespmem:$0x1E000] =	vst v63  }
0xab: {  	_ =	swait.ge [sflag:s16], $0x400  }
0xac: {  	[sflag:s16] =	ssyncset.done $0x0  }
0xad: {  	s8 =	simm.s32 $0x15800;
	[sflag:s16] =	ssyncadd.s32 $0xFFFFFC00  }
0xae: {  	[spmem:s1] =	stream.indirect.scatter.add.f32 [tilespmem:s19], [sflag:$0x1], $0x8, s8, s26, $0xb8;
	[tilespmem:$0x1E000] =	vst v63  }
0xaf: {  	_ =	swait.ge [sflag:s16], $0x400  }
0xb0: {  	[sflag:s16] =	ssyncset.done $0x0  }
0xb1: {  	s8 =	simm.s32 $0x15880;
	[sflag:s16] =	ssyncadd.s32 $0xFFFFFC00  }
0xb2: {  	[spmem:s1] =	stream.indirect.scatter.add.f32 [tilespmem:s30], [sflag:$0x1], $0x8, s8, s26, $0xb8;
	[tilespmem:$0x1E000] =	vst v63  }
0xb3: {  	_ =	swait.ge [sflag:s16], $0x400  }
0xb4: {  	[sflag:s16] =	ssyncset.done $0x0  }
0xb5: {  	s8 =	simm.s32 $0x15C00;
	[sflag:s16] =	ssyncadd.s32 $0xFFFFFC00  }
0xb6: {  	[spmem:s1] =	stream.indirect.scatter.add.f32 [tilespmem:s0], [sflag:$0x1], $0x8, s8, s26, $0xb8;
	[tilespmem:$0x1E000] =	vst v63  }
0xb7: {  	_ =	swait.ge [sflag:s16], $0x400  }
0xb8: {  	[sflag:s16] =	ssyncset.done $0x0  }
0xb9: {  	s8 =	simm.s32 $0x15C80;
	[sflag:s16] =	ssyncadd.s32 $0xFFFFFC00  }
0xba: {  	[spmem:s1] =	stream.indirect.scatter.add.f32 [tilespmem:s4], [sflag:$0x1], $0x8, s8, s26, $0xb8;
	[tilespmem:$0x1E000] =	vst v63  }
0xbb: {  	_ =	swait.ge [sflag:s16], $0x400  }
0xbc: {  	[sflag:s16] =	ssyncset.done $0x0  }
0xbd: {  	s8 =	simm.s32 $0x15D00;
	[sflag:s16] =	ssyncadd.s32 $0xFFFFFC00  }
0xbe: {  	[spmem:s1] =	stream.indirect.scatter.add.f32 [tilespmem:s11], [sflag:$0x1], $0x8, s8, s26, $0xb8;
	[tilespmem:$0x1E000] =	vst v63  }
0xbf: {  	_ =	swait.ge [sflag:s16], $0x400  }
0xc0: {  	[sflag:s16] =	ssyncset.done $0x0  }
0xc1: {  	s8 =	simm.s32 $0x15D80;
	[sflag:s16] =	ssyncadd.s32 $0xFFFFFC00  }
0xc2: {  	[spmem:s1] =	stream.indirect.scatter.add.f32 [tilespmem:s18], [sflag:$0x1], $0x8, s8, s26, $0xb8;
	[tilespmem:$0x1E000] =	vst v63  }
0xc3: {  	_ =	swait.ge [sflag:s16], $0x400  }
0xc4: {  	[sflag:s16] =	ssyncset.done $0x0  }
0xc5: {  	s8 =	simm.s32 $0x15E00;
	[sflag:s16] =	ssyncadd.s32 $0xFFFFFC00  }
0xc6: {  	[spmem:s1] =	stream.indirect.scatter.add.f32 [tilespmem:s13], [sflag:$0x1], $0x8, s8, s26, $0xb8;
	[tilespmem:$0x1E000] =	vst v63  }
0xc7: {  	_ =	swait.ge [sflag:s16], $0x400  }
0xc8: {  	[sflag:s16] =	ssyncset.done $0x0  }
0xc9: {  	s8 =	simm.s32 $0x15E80;
	[sflag:s16] =	ssyncadd.s32 $0xFFFFFC00  }
0xca: {  	[spmem:s1] =	stream.indirect.scatter.add.f32 [tilespmem:s14], [sflag:$0x1], $0x8, s8, s26, $0xb8;
	[tilespmem:$0x1E000] =	vst v63  }
0xcb: {  	_ =	swait.ge [sflag:s16], $0x400  }
0xcc: {  	[sflag:s16] =	ssyncset.done $0x0  }
0xcd: {  	s8 =	simm.s32 $0x16200;
	[sflag:s16] =	ssyncadd.s32 $0xFFFFFC00  }
0xce: {  	[spmem:s1] =	stream.indirect.scatter.add.f32 [tilespmem:s28], [sflag:$0x1], $0x8, s8, s26, $0xb8;
	[tilespmem:$0x1E000] =	vst v63  }
0xcf: {  	_ =	swait.ge [sflag:s16], $0x400  }
0xd0: {  	[sflag:s16] =	ssyncset.done $0x0  }
0xd1: {  	s8 =	simm.s32 $0x16280;
	[sflag:s16] =	ssyncadd.s32 $0xFFFFFC00  }
0xd2: {  	[spmem:s1] =	stream.indirect.scatter.add.f32 [tilespmem:s9], [sflag:$0x1], $0x8, s8, s26, $0xb8;
	[tilespmem:$0x1E000] =	vst v63  }
0xd3: {  	_ =	swait.ge [sflag:s16], $0x400  }
0xd4: {  	[sflag:s16] =	ssyncset.done $0x0  }
0xd5: {  	s8 =	simm.s32 $0x16300;
	[sflag:s16] =	ssyncadd.s32 $0xFFFFFC00  }
0xd6: {  	[spmem:s1] =	stream.indirect.scatter.add.f32 [tilespmem:s6], [sflag:$0x1], $0x8, s8, s26, $0xb8;
	[tilespmem:$0x1E000] =	vst v63  }
0xd7: {  	_ =	swait.ge [sflag:s16], $0x400  }
0xd8: {  	[sflag:s16] =	ssyncset.done $0x0  }
0xd9: {  	s8 =	simm.s32 $0x16380;
	[sflag:s16] =	ssyncadd.s32 $0xFFFFFC00  }
0xda: {  	[spmem:s1] =	stream.indirect.scatter.add.f32 [tilespmem:s21], [sflag:$0x1], $0x8, s8, s26, $0xb8;
	[tilespmem:$0x1E000] =	vst v63  }
0xdb: {  	_ =	swait.ge [sflag:s16], $0x400  }
0xdc: {  	[sflag:s16] =	ssyncset.done $0x0  }
0xdd: {  	s8 =	simm.s32 $0x16400;
	[sflag:s16] =	ssyncadd.s32 $0xFFFFFC00  }
0xde: {  	[spmem:s1] =	stream.indirect.scatter.add.f32 [tilespmem:s22], [sflag:$0x1], $0x8, s8, s26, $0xb8;
	[tilespmem:$0x1E000] =	vst v63  }
0xdf: {  	s7 =	simm.s32 $0x0;
	_ =	swait.ge [sflag:s16], $0x400  }
0xe0: {  	v4 =	vadd.s32 s7, v2;
	[sflag:s16] =	ssyncset.done $0x0  }
0xe1: {  	v5 =	vshll.u32 v4, $0x3;
	s8 =	simm.s32 $0x16480;
	[sflag:s16] =	ssyncadd.s32 $0xFFFFFC00  }
0xe2: {  	v5 =	vor.u32 v1, v5;
	[spmem:s1] =	stream.indirect.scatter.add.f32 [tilespmem:s23], [sflag:$0x1], $0x8, s8, s26, $0xb8;
	[tilespmem:$0x1E000] =	vst v63  }
0xe3: {  	_ =	swait.ge [sflag:s16], $0x400  }
0xe4: {  	v6 =	vmov s7;
	[sflag:s16] =	ssyncset.done $0x0  }
0xe5: {  	v6 =	vshll.u32 v6, $0x3;
	[sflag:s16] =	ssyncadd.s32 $0xFFFFFC00  }
0xe6: {  	v8 =	vor.u32 v3, v6;
	v7 =	vld.idx.msk [tilespmem:v4+s20+$0x0], $0xffff  }
0xe7: {  	v9 =	vld.idx.msk [tilespmem:v5+s17+$0x0], $0xffff;
	v5 =	vand.u32 $0x1C00, v6;
	v6 =	vand.u32 $0x3F8, v8  }
0xe8: {  	v5 =	vor.u32 v5, v6  }
0xe9: {  	v4 =	vand.u32 $0x7FF, v4;
	v6 =	vor.u32 v1, v5  }
0xea: {  	v5 =	vadd.s32 $0x600, v4;
	_ =	sdelay $0x1  }
0xeb: {  	v7 =	vmul.f32 v7, v9;
	_ =	sdelay $0x1  }
0xec: {  	[tilespmem:v6+s25+$0x0] =	vst.idx.msk $0xffff, v7  }
0xed: {  	v5 =	vld.idx.msk [tilespmem:v5+s20+$0x0], $0xffff;
	_ =	sdelay $0x1  }
0xee: {  	v7 =	vadd.s32 $0x1800, v6  }
0xef: {  	v8 =	vadd.s32 $0xC00, v4;
	_ =	sdelay $0x1  }
0xf0: {  	v5 =	vmul.f32 v5, v9;
	_ =	sdelay $0x1  }
0xf1: {  	[tilespmem:v7+s25+$0x0] =	vst.idx.msk $0xffff, v5  }
0xf2: {  	v5 =	vld.idx.msk [tilespmem:v8+s20+$0x0], $0xffff;
	_ =	sdelay $0x1  }
0xf3: {  	v7 =	vadd.s32 $0x3000, v6  }
0xf4: {  	v4 =	vadd.s32 $0x1200, v4;
	_ =	sdelay $0x1  }
0xf5: {  	v5 =	vmul.f32 v5, v9;
	_ =	sdelay $0x1  }
0xf6: {  	[tilespmem:v7+s25+$0x0] =	vst.idx.msk $0xffff, v5  }
0xf7: {  	v8 =	vld.idx.msk [tilespmem:v4+s20+$0x0], $0xffff  }
0xf8: {  	s7 =	simm.s32 $0x2  }
0xf9: {  	v5 =	vadd.s32 s7, v2;
	v7 =	vadd.s32 $0x4800, v6  }
0xfa: {  	v6 =	vshll.u32 v5, $0x3  }
0xfb: {  	v6 =	vor.u32 v1, v6  }
0xfc: {  	s8 =	simm.s32 $0x4;
	v4 =	vand.u32 $0x7FF, v5;
	v8 =	vmul.f32 v8, v9  }
.LBB2_6:
0xfd: {  	_ = 	snop  }
0xfe: {  	p0 =	sne.s32 s8, $0x2FE;
	v9 =	vmov s7;
	s7 =	smov.u32 s8;
	s8 =	sadd.s32 $0x2, s8;
	[tilespmem:v7+s25+$0x0] =	vst.idx.msk $0xffff, v8  }
0xff: {  	v7 =	vshll.u32 v9, $0x3;
	v5 =	vld.idx.msk [tilespmem:v5+s20+$0x0], $0xffff  }
0x100: {  	v8 =	vld.idx.msk [tilespmem:v6+s17+$0x0], $0xffff;
	v6 =	vor.u32 v3, v7  }
0x101: {  	v7 =	vand.u32 $0x1C00, v7;
	v6 =	vand.u32 $0x3F8, v6  }
0x102: {  	v6 =	vor.u32 v7, v6  }
0x103: {  	v6 =	vor.u32 v1, v6  }
0x104: {  	v7 =	vadd.s32 $0x600, v4;
	_ =	sdelay $0x1  }
0x105: {  	v5 =	vmul.f32 v5, v8;
	_ =	sdelay $0x1  }
0x106: {  	[tilespmem:v6+s25+$0x0] =	vst.idx.msk $0xffff, v5  }
0x107: {  	v5 =	vld.idx.msk [tilespmem:v7+s20+$0x0], $0xffff;
	_ =	sdelay $0x2  }
0x108: {  	v7 =	vadd.s32 $0x1800, v6  }
0x109: {  	v9 =	vadd.s32 $0xC00, v4;
	_ =	sdelay $0x1  }
0x10a: {  	v5 =	vmul.f32 v5, v8;
	_ =	sdelay $0x1  }
0x10b: {  	[tilespmem:v7+s25+$0x0] =	vst.idx.msk $0xffff, v5  }
0x10c: {  	v5 =	vld.idx.msk [tilespmem:v9+s20+$0x0], $0xffff;
	_ =	sdelay $0x2  }
0x10d: {  	v7 =	vadd.s32 $0x3000, v6  }
0x10e: {  	v4 =	vadd.s32 $0x1200, v4;
	_ =	sdelay $0x1  }
0x10f: {  	v5 =	vmul.f32 v5, v8;
	_ =	sdelay $0x1  }
0x110: {  	[tilespmem:v7+s25+$0x0] =	vst.idx.msk $0xffff, v5  }
0x111: {  	v9 =	vld.idx.msk [tilespmem:v4+s20+$0x0], $0xffff;
	_ =	sdelay $0x1  }
.Ltmp1:
0x112: {  	(pc) =	sbr.rel @p0 .LBB2_6-.Ltmp1, $4  }
0x113: {  	v5 =	vadd.s32 s7, v2;
	v7 =	vadd.s32 $0x4800, v6  }
0x114: {  	v6 =	vshll.u32 v5, $0x3;
	v4 =	vand.u32 $0x7FF, v5  }
0x115: {  	v6 =	vor.u32 v1, v6  }
0x116: {  	v8 =	vmul.f32 v9, v8  }
0x117: {  	_ =	sdelay $0x2  }
0x118: {  	v9 =	vmov s7  }
0x119: {  	[tilespmem:v7+s25+$0x0] =	vst.idx.msk $0xffff, v8;
	v58 =	vshll.u32 v9, $0x3  }
0x11a: {  	v5 =	vld.idx.msk [tilespmem:v5+s20+$0x0], $0xffff;
	v59 =	vor.u32 v3, v58  }
0x11b: {  	v6 =	vld.idx.msk [tilespmem:v6+s17+$0x0], $0xffff;
	v7 =	vand.u32 $0x1C00, v58;
	v8 =	vand.u32 $0x3F8, v59  }
0x11c: {  	v7 =	vor.u32 v7, v8  }
0x11d: {  	v7 =	vor.u32 v1, v7  }
0x11e: {  	v60 =	vadd.s32 $0x600, v4;
	_ =	sdelay $0x1  }
0x11f: {  	v5 =	vmul.f32 v5, v6;
	_ =	sdelay $0x1  }
0x120: {  	[tilespmem:v7+s25+$0x0] =	vst.idx.msk $0xffff, v5  }
0x121: {  	v5 =	vld.idx.msk [tilespmem:v60+s20+$0x0], $0xffff;
	_ =	sdelay $0x1  }
0x122: {  	v61 =	vadd.s32 $0x1800, v7  }
0x123: {  	v62 =	vadd.s32 $0xC00, v4;
	_ =	sdelay $0x1  }
0x124: {  	v5 =	vmul.f32 v5, v6;
	_ =	sdelay $0x1  }
0x125: {  	[tilespmem:v61+s25+$0x0] =	vst.idx.msk $0xffff, v5  }
0x126: {  	v5 =	vld.idx.msk [tilespmem:v62+s20+$0x0], $0xffff;
	_ =	sdelay $0x1  }
0x127: {  	v63 =	vadd.s32 $0x3000, v7  }
0x128: {  	v4 =	vadd.s32 $0x1200, v4;
	_ =	sdelay $0x1  }
0x129: {  	v5 =	vmul.f32 v5, v6;
	_ =	sdelay $0x1  }
0x12a: {  	[tilespmem:v63+s25+$0x0] =	vst.idx.msk $0xffff, v5  }
0x12b: {  	v4 =	vld.idx.msk [tilespmem:v4+s20+$0x0], $0xffff;
	_ =	sdelay $0x1  }
0x12c: {  	v5 =	vadd.s32 $0x4800, v7;
	_ =	sdelay $0x2  }
0x12d: {  	v4 =	vmul.f32 v4, v6;
	_ =	sdelay $0x1  }
0x12e: {  	s8 =	simm.s32 $0x15300;
	[tilespmem:v5+s25+$0x0] =	vst.idx.msk $0xffff, v4  }
0x12f: {  	[spmem:s1] =	stream.indirect.scatter.add.f32 [tilespmem:s25], [sflag:$0x1], $0x8, s8, s26, $0xb8;
	[tilespmem:$0x1E000] =	vst v63  }
0x130: {  	_ =	swait.ge [sflag:s16], $0x400  }
0x131: {  	[sflag:s16] =	ssyncset.done $0x0  }
0x132: {  	s8 =	simm.s32 $0x15380;
	[sflag:s16] =	ssyncadd.s32 $0xFFFFFC00  }
0x133: {  	[spmem:s1] =	stream.indirect.scatter.add.f32 [tilespmem:s10], [sflag:$0x1], $0x8, s8, s26, $0xb8;
	[tilespmem:$0x1E000] =	vst v63  }
0x134: {  	_ =	swait.ge [sflag:s16], $0x400  }
0x135: {  	[sflag:s16] =	ssyncset.done $0x0  }
0x136: {  	s10 =	simm.s32 $0x15400;
	[sflag:s16] =	ssyncadd.s32 $0xFFFFFC00  }
0x137: {  	[spmem:s1] =	stream.indirect.scatter.add.f32 [tilespmem:s12], [sflag:$0x1], $0x8, s10, s26, $0xb8;
	[tilespmem:$0x1E000] =	vst v63  }
0x138: {  	_ =	swait.ge [sflag:s16], $0x400  }
0x139: {  	[sflag:s16] =	ssyncset.done $0x0  }
0x13a: {  	s8 =	simm.s32 $0x15480;
	s12 =	simm.s32 $0x18C00;
	[sflag:s16] =	ssyncadd.s32 $0xFFFFFC00  }
0x13b: {  	[spmem:s1] =	stream.indirect.scatter.add.f32 [tilespmem:s12], [sflag:$0x1], $0x8, s8, s26, $0xb8;
	[tilespmem:$0x1E000] =	vst v63  }
0x13c: {  	_ =	swait.ge [sflag:s16], $0x400  }
0x13d: {  	[sflag:s16] =	ssyncset.done $0x0  }
0x13e: {  	s10 =	simm.s32 $0x19000;
	s12 =	simm.s32 $0x15500;
	[sflag:s16] =	ssyncadd.s32 $0xFFFFFC00  }
0x13f: {  	[spmem:s1] =	stream.indirect.scatter.add.f32 [tilespmem:s10], [sflag:$0x1], $0x8, s12, s26, $0xb8;
	[tilespmem:$0x1E000] =	vst v63  }
0x140: {  	_ =	swait.ge [sflag:s16], $0x400  }
0x141: {  	[sflag:s16] =	ssyncset.done $0x0  }
0x142: {  	s10 =	simm.s32 $0x19400;
	s12 =	simm.s32 $0x15580;
	[sflag:s16] =	ssyncadd.s32 $0xFFFFFC00  }
0x143: {  	[spmem:s1] =	stream.indirect.scatter.add.f32 [tilespmem:s10], [sflag:$0x1], $0x8, s12, s26, $0xb8;
	[tilespmem:$0x1E000] =	vst v63  }
0x144: {  	_ =	swait.ge [sflag:s16], $0x400  }
0x145: {  	[sflag:s16] =	ssyncset.done $0x0  }
0x146: {  	s10 =	simm.s32 $0x19800;
	s12 =	simm.s32 $0x15900;
	[sflag:s16] =	ssyncadd.s32 $0xFFFFFC00  }
0x147: {  	[spmem:s1] =	stream.indirect.scatter.add.f32 [tilespmem:s10], [sflag:$0x1], $0x8, s12, s26, $0xb8;
	[tilespmem:$0x1E000] =	vst v63  }
0x148: {  	_ =	swait.ge [sflag:s16], $0x400  }
0x149: {  	[sflag:s16] =	ssyncset.done $0x0  }
0x14a: {  	s10 =	simm.s32 $0x19C00;
	s12 =	simm.s32 $0x15980;
	[sflag:s16] =	ssyncadd.s32 $0xFFFFFC00  }
0x14b: {  	[spmem:s1] =	stream.indirect.scatter.add.f32 [tilespmem:s10], [sflag:$0x1], $0x8, s12, s26, $0xb8;
	[tilespmem:$0x1E000] =	vst v63  }
0x14c: {  	_ =	swait.ge [sflag:s16], $0x400  }
0x14d: {  	[sflag:s16] =	ssyncset.done $0x0  }
0x14e: {  	s10 =	simm.s32 $0x1A000;
	s12 =	simm.s32 $0x15A00;
	[sflag:s16] =	ssyncadd.s32 $0xFFFFFC00  }
0x14f: {  	[spmem:s1] =	stream.indirect.scatter.add.f32 [tilespmem:s10], [sflag:$0x1], $0x8, s12, s26, $0xb8;
	[tilespmem:$0x1E000] =	vst v63  }
0x150: {  	_ =	swait.ge [sflag:s16], $0x400  }
0x151: {  	[sflag:s16] =	ssyncset.done $0x0  }
0x152: {  	s8 =	simm.s32 $0x15A80;
	[sflag:s16] =	ssyncadd.s32 $0xFFFFFC00  }
0x153: {  	[spmem:s1] =	stream.indirect.scatter.add.f32 [tilespmem:s15], [sflag:$0x1], $0x8, s8, s26, $0xb8;
	[tilespmem:$0x1E000] =	vst v63  }
0x154: {  	_ =	swait.ge [sflag:s16], $0x400  }
0x155: {  	[sflag:s16] =	ssyncset.done $0x0  }
0x156: {  	s10 =	simm.s32 $0x15B00;
	[sflag:s16] =	ssyncadd.s32 $0xFFFFFC00  }
0x157: {  	[spmem:s1] =	stream.indirect.scatter.add.f32 [tilespmem:s19], [sflag:$0x1], $0x8, s10, s26, $0xb8;
	[tilespmem:$0x1E000] =	vst v63  }
0x158: {  	_ =	swait.ge [sflag:s16], $0x400  }
0x159: {  	[sflag:s16] =	ssyncset.done $0x0  }
0x15a: {  	s12 =	simm.s32 $0x15B80;
	[sflag:s16] =	ssyncadd.s32 $0xFFFFFC00  }
0x15b: {  	[spmem:s1] =	stream.indirect.scatter.add.f32 [tilespmem:s30], [sflag:$0x1], $0x8, s12, s26, $0xb8;
	[tilespmem:$0x1E000] =	vst v63  }
0x15c: {  	_ =	swait.ge [sflag:s16], $0x400  }
0x15d: {  	[sflag:s16] =	ssyncset.done $0x0  }
0x15e: {  	s8 =	simm.s32 $0x15F00;
	[sflag:s16] =	ssyncadd.s32 $0xFFFFFC00  }
0x15f: {  	[spmem:s1] =	stream.indirect.scatter.add.f32 [tilespmem:s0], [sflag:$0x1], $0x8, s8, s26, $0xb8;
	[tilespmem:$0x1E000] =	vst v63  }
0x160: {  	_ =	swait.ge [sflag:s16], $0x400  }
0x161: {  	[sflag:s16] =	ssyncset.done $0x0  }
0x162: {  	s10 =	simm.s32 $0x15F80;
	[sflag:s16] =	ssyncadd.s32 $0xFFFFFC00  }
0x163: {  	[spmem:s1] =	stream.indirect.scatter.add.f32 [tilespmem:s4], [sflag:$0x1], $0x8, s10, s26, $0xb8;
	[tilespmem:$0x1E000] =	vst v63  }
0x164: {  	_ =	swait.ge [sflag:s16], $0x400  }
0x165: {  	[sflag:s16] =	ssyncset.done $0x0  }
0x166: {  	s12 =	simm.s32 $0x16000;
	[sflag:s16] =	ssyncadd.s32 $0xFFFFFC00  }
0x167: {  	[spmem:s1] =	stream.indirect.scatter.add.f32 [tilespmem:s11], [sflag:$0x1], $0x8, s12, s26, $0xb8;
	[tilespmem:$0x1E000] =	vst v63  }
0x168: {  	_ =	swait.ge [sflag:s16], $0x400  }
0x169: {  	[sflag:s16] =	ssyncset.done $0x0  }
0x16a: {  	s8 =	simm.s32 $0x16080;
	[sflag:s16] =	ssyncadd.s32 $0xFFFFFC00  }
0x16b: {  	[spmem:s1] =	stream.indirect.scatter.add.f32 [tilespmem:s18], [sflag:$0x1], $0x8, s8, s26, $0xb8;
	[tilespmem:$0x1E000] =	vst v63  }
0x16c: {  	_ =	swait.ge [sflag:s16], $0x400  }
0x16d: {  	[sflag:s16] =	ssyncset.done $0x0  }
0x16e: {  	s10 =	simm.s32 $0x16100;
	[sflag:s16] =	ssyncadd.s32 $0xFFFFFC00  }
0x16f: {  	[spmem:s1] =	stream.indirect.scatter.add.f32 [tilespmem:s13], [sflag:$0x1], $0x8, s10, s26, $0xb8;
	[tilespmem:$0x1E000] =	vst v63  }
0x170: {  	_ =	swait.ge [sflag:s16], $0x400  }
0x171: {  	[sflag:s16] =	ssyncset.done $0x0  }
0x172: {  	s12 =	simm.s32 $0x16180;
	[sflag:s16] =	ssyncadd.s32 $0xFFFFFC00  }
0x173: {  	[spmem:s1] =	stream.indirect.scatter.add.f32 [tilespmem:s14], [sflag:$0x1], $0x8, s12, s26, $0xb8;
	[tilespmem:$0x1E000] =	vst v63  }
0x174: {  	_ =	swait.ge [sflag:s16], $0x400  }
0x175: {  	[sflag:s16] =	ssyncset.done $0x0  }
0x176: {  	s8 =	simm.s32 $0x16500;
	[sflag:s16] =	ssyncadd.s32 $0xFFFFFC00  }
0x177: {  	[spmem:s1] =	stream.indirect.scatter.add.f32 [tilespmem:s28], [sflag:$0x1], $0x8, s8, s26, $0xb8;
	[tilespmem:$0x1E000] =	vst v63  }
0x178: {  	_ =	swait.ge [sflag:s16], $0x400  }
0x179: {  	[sflag:s16] =	ssyncset.done $0x0  }
0x17a: {  	s10 =	simm.s32 $0x16580;
	[sflag:s16] =	ssyncadd.s32 $0xFFFFFC00  }
0x17b: {  	[spmem:s1] =	stream.indirect.scatter.add.f32 [tilespmem:s9], [sflag:$0x1], $0x8, s10, s26, $0xb8;
	[tilespmem:$0x1E000] =	vst v63  }
0x17c: {  	_ =	swait.ge [sflag:s16], $0x400  }
0x17d: {  	[sflag:s16] =	ssyncset.done $0x0  }
0x17e: {  	s12 =	simm.s32 $0x16600;
	[sflag:s16] =	ssyncadd.s32 $0xFFFFFC00  }
0x17f: {  	[spmem:s1] =	stream.indirect.scatter.add.f32 [tilespmem:s6], [sflag:$0x1], $0x8, s12, s26, $0xb8;
	[tilespmem:$0x1E000] =	vst v63  }
0x180: {  	_ =	swait.ge [sflag:s16], $0x400  }
0x181: {  	[sflag:s16] =	ssyncset.done $0x0  }
0x182: {  	s8 =	simm.s32 $0x16680;
	[sflag:s16] =	ssyncadd.s32 $0xFFFFFC00  }
0x183: {  	[spmem:s1] =	stream.indirect.scatter.add.f32 [tilespmem:s21], [sflag:$0x1], $0x8, s8, s26, $0xb8;
	[tilespmem:$0x1E000] =	vst v63  }
0x184: {  	_ =	swait.ge [sflag:s16], $0x400  }
0x185: {  	[sflag:s16] =	ssyncset.done $0x0  }
0x186: {  	s10 =	simm.s32 $0x16700;
	[sflag:s16] =	ssyncadd.s32 $0xFFFFFC00  }
0x187: {  	[spmem:s1] =	stream.indirect.scatter.add.f32 [tilespmem:s22], [sflag:$0x1], $0x8, s10, s26, $0xb8;
	[tilespmem:$0x1E000] =	vst v63  }
0x188: {  	s2 =	sadd.s32 $0x1, s2;
	_ =	swait.ge [sflag:s16], $0x400  }
0x189: {  	p0 =	sne.s32 s2, $0x6;
	[sflag:s16] =	ssyncset.done $0x0  }
.Ltmp2:
0x18a: {  	s12 =	simm.s32 $0x16780;
	[sflag:s16] =	ssyncadd.s32 $0xFFFFFC00;
	(pc) =	sbr.rel @p0 .LBB2_3-.Ltmp2, $4  }
0x18b: {  	[spmem:s1] =	stream.indirect.scatter.add.f32 [tilespmem:s23], [sflag:$0x1], $0x8, s12, s26, $0xb8;
	[tilespmem:$0x1E000] =	vst v63  }
0x18c: {  	_ =	swait.ge [sflag:s16], $0x400  }
0x18d: {  	[sflag:s16] =	ssyncset.done $0x0  }
0x18e: {  	[sflag:s16] =	ssyncadd.s32 $0xFFFFFC00  }
0x18f: {  	[bflag:$0x0] =	sbarrier.arrive $0xFFFF  }
0x190: {  	s2 =	rddreg [dreg:$0x8]  }
0x191: {  	s3 =	rddreg [dreg:$0x11]  }
0x192: {  	s8 =	rddreg [dreg:$0xe]  }
0x193: {  	s10 =	rddreg [dreg:$0xf];
	s2 =	sadd.s32 s2, s3  }
0x194: {  	[hbm:s2], [sflag:s8] =	dma.local [spmem:s10], $0x2400  }
0x195: {  	_ =	swait.ge [sflag:s16], $0x2400  }
0x196: {  	s31 =	rddreg [dreg:$0x10]  }
0x197: {  	s3 =	sadd.s32 $0x1, s31  }
0x198: {  	p0 =	sne.s32 s3, $0xC  }
.Ltmp3:
0x199: {  	_ = 	snop;
	(pc) =	sbr.rel @p0 .LBB2_2-.Ltmp3, $3  }
0x19a: {  	[sflag:s16] =	ssyncset.done $0x0  }
0x19b: {  	[sflag:s16] =	ssyncadd.s32 $0xFFFFDC00  }
0x19c: {  	[bflag:$0x0] =	sbarrier.arrive $0xFFFF;
	_ =	sdelay $0x1  }
0x19d: {  	s7 =	rddreg [dreg:$0x4]  }
0x19e: {  	s2 =	rddreg [dreg:$0xd];
	s7 =	sadd.s32 $0x1, s7  }
0x19f: {  	p0 =	sne.s32 s7, s2  }
.Ltmp4:
0x1a0: {  	_ = 	snop;
	(pc) =	sbr.rel @p0 .LBB2_1-.Ltmp4, $1  }
0x1a1: {  	_ =	sdelay $0x3  }
0x1a2: {  	_ =	sfence.sel $0x180000  }
0x1a3: {  	[bflag:$0x0] =	sbarrier.arrive $0xFFFF  }
0x1a4: {  	_ =	strace $0x90000050  }
0x1a5: {  	s0 =	stileid.u32;
	[bflag:$0x2] =	sbarrier.arrive $0xFFFF  }
0x1a6: {  	p0 =	sne.s32 s0, $0x0;
	s0 =	rddreg [dreg:$0x3]  }
0x1a7: {  	s0 =	sadd.s32 @!p0 $0x100000, s0  }
0x1a8: {  	[sflag:s0] =	ssyncadd.tile.s32 @!p0 $0x1;
	_ =	shalt  }
.Lfunc_end2:
_tile_overlayer_lowered:
.L_overlay_start_2:
0x1a9: {  	(tag) =	ssettag $0x2  }
0x1aa: {  	s0 =	rddreg [dreg:$0x0];
	s2 =	stileid.u32  }
0x1ab: {  	s1 =	rddreg [dreg:$0x1];
	p0 =	sne.s32 s2, $0x0  }
0x1ac: {  	s3 =	rddreg [dreg:$0x2];
	[bflag:$0x3] =	sbarrier.arrive $0xFFFF;
	s2 =	simm.s32 @!p0 $0x1C01  }
0x1ad: {  	[timem:s3], [sflag:s2] =	dma.local @!p0 [hbm:s0], s1  }
0x1ae: {  	s0 =	simm.s32 @!p0 $0x1  }
0x1af: {  	_ =	swait.ge @!p0 [sflag:s0], s1  }
0x1b0: {  	s1 =	ssub.s32 @!p0 $0x0, s1;
	[sflag:s0] =	ssyncset.done @!p0 $0x0  }
0x1b1: {  	[sflag:s0] =	ssyncadd.s32 @!p0 s1  }
0x1b2: {  	[bflag:$0x3] =	sbarrier.arrive $0xFFFF  }
0x1b3: {  	_ =	shalt  }

// kernel: sparse-core-data-format-call.1.cloned.1.call-start
scs
called_computation.1_lowered:
.L_overlay_start_0:
0x0: {  	s1 =	sld [smem:$0x3FD9]  }
0x1: {  	s2 =	sld [smem:$0x3FFE];
	_ =	sdelay $0x1  }
0x2: {  	s3 =	srdreg.scid  }
0x3: {  	s0 =	sand.u32 $0x1, s3  }
0x4: {  	s17 =	sshll.u32 s0, $0xA;
	s1 =	sadd.s32 s2, s1  }
0x5: {  	s1 =	sadd.s32 s1, s17  }
0x6: {  	[smem:$0x3FC5] =	sst s1  }
0x7: {  	_ = 	snop  }
0x8: {  	(tm) =	ssettm $0x1  }
0x9: {  	s18 =	sld [smem:$0x3FFB];
	_ =	sdelay $0x3  }
0xa: {  	_ =	strace s18  }
0xb: {  	s1 =	sld [smem:$0x3FFC];
	_ =	sdelay $0x3  }
0xc: {  	_ =	strace s1  }
0xd: {  	s1 =	sld [smem:$0x3FFD];
	_ =	sdelay $0x3  }
0xe: {  	_ =	strace s1  }
0xf: {  	_ =	strace $0x8FFFFFFF  }
0x10: {  	s19 =	sld [smem:$0x3FDB];
	_ =	sdelay $0x1  }
0x11: {  	s20 =	simm.s32 $_scs_section_size  }
0x12: {  	s4 =	simm.s32 $_size__tile_overlayer_lowered;
	s5 =	simm.s32 $_tile_overlayer_lowered  }
0x13: {  	s23 =	simm.s32 $0x1BFF;
	s22 =	sshll.u32 s5, $0x1;
	s1 =	sadd.s32 s20, s19  }
0x14: {  	s6 =	simm.s32 $0x0;
	s21 =	sshll.u32 s4, $0x1;
	s4 =	sadd.s32 s22, s1  }
0x15: {  	[timem:s6], [sflag:s23] =	dma.local [hbm:s4], s21  }
0x16: {  	_ =	swait.ge [sflag:s23], s21  }
0x17: {  	s2 =	ssub.s32 $0x0, s21;
	[sflag:s23] =	ssyncset.done $0x0  }
0x18: {  	[sflag:s23] =	ssyncadd.s32 s2;
	_ =	sdelay $0x1  }
0x19: {  	s24 =	simm.s32 $0x1B8B  }
0x1a: {  	_ =	swait.ge [sflag:s24], $0x1  }
0x1b: {  	[sflag:s24] =	ssyncset.done $0x0  }
0x1c: {  	s26 =	simm.s32 $0x1B8E;
	s25 =	sld [smem:$0x3FFE];
	[sflag:s24] =	ssyncadd.s32 $0xFFFFFFFF  }
0x1d: {  	s27 =	simm.s32 $execute0_lowered;
	[smem:$0x3FD2] =	sst s26  }
0x1e: {  	s4 =	sshll.u32 s27, $0x1;
	_ =	strace $0x80000052;
	[dreg:$0x1] =	wrdreg $0xFFFFFFFF  }
0x1f: {  	s28 =	simm.s32 $_size_execute0_lowered;
	s1 =	sadd.s32 s1, s4;
	[dreg:$0x0] =	wrdreg $0x0  }
0x20: {  	s4 =	sshll.u32 s28, $0x1;
	[dreg:$0x2] =	wrdreg s1  }
0x21: {  	[dreg:$0x3] =	wrdreg s4  }
0x22: {  	[dreg:$0x4] =	wrdreg $0xC0  }
0x23: {  	_ =	task [dreg:s6], $0x5FFFF  }
0x24: {  	[dreg:$0x1] =	wrdreg $0xFFFFFFFF  }
0x25: {  	[dreg:$0x0] =	wrdreg $0x60  }
0x26: {  	[dreg:$0x2] =	wrdreg s25  }
0x27: {  	[dreg:$0x3] =	wrdreg $0x9  }
0x28: {  	_ =	task.clear_ibuf [dreg:s6], $0x4FFFF;
	_ =	strace $0x90000052  }
0x29: {  	s29 =	simm.s32 $0x9;
	_ =	strace $0x80000054  }
0x2a: {  	_ =	swait.ge [sflag:s29], $0x1  }
0x2b: {  	[sflag:s29] =	ssyncadd.s32 $0xFFFFFFFF  }
0x2c: {  	_ =	strace $0x90000054  }
0x2d: {  	_ =	sfence  }
0x2e: {  	s30 =	sld [smem:$0x0];
	_ =	sdelay $0x2  }
0x2f: {  	s31 =	sshll.u32 s3, $0xD;
	s3 =	sshrl.u32 s3, $0x2  }
0x30: {  	s2 =	sand.u32 $0x4000, s31;
	s1 =	sadd.s32 s3, s30  }
0x31: {  	s0 =	sor.u32 s2, s0;
	s1 =	sshll.u32 s1, $0x11  }
0x32: {  	s0 =	sor.u32 s1, s0  }
0x33: {  	s0 =	sadd.s32 $0x8F2B, s0  }
0x34: {  	[sflag:s0] =	ssyncadd.remote.s32 $0x1  }
0x35: {  	_ =	sfence.sel $0xFFFF  }
0x36: {  	[dreg:$0x0] =	wrdreg $0xFFFFFFFF;
	(pc) =	sbr.abs _section_cstart, $3  }
0x37: {  	[dreg:$0x1] =	wrdreg $0xFFFFFFFF  }
0x38: {  	_ =	task.clear_ibuf [dreg:s6], $0x2FFFF;
	_ =	strace $0x9FFFFFFF  }
0x39: {  	(tm) =	ssettm $0x7FFFFFFF  }
tec
execute0_lowered:
.L_overlay_start_1:
0x0: {  	(tag) =	ssettag $0x1  }
0x1: {  	s2 =	stileid.u32;
	s0 =	srdreg.scid  }
0x2: {  	s1 =	sshll.u32 s2, $0x6;
	s0 =	sshll.u32 s0, $0xA  }
0x3: {  	s3 =	rddreg [dreg:$0x0];
	s0 =	sor.u32 s1, s0  }
0x4: {  	_ =	strace $0x80000053;
	s30 =	simm.s32 $0x1;
	s1 =	sand.u32 $0x780, s0  }
0x5: {  	s31 =	simm.s32 $0x2;
	s2 =	sand.u32 $0x1, s2;
	s0 =	ssub.s32 $0x24000, s1  }
0x6: {  	s19 =	simm.s32 $0x0;
	s4 =	ssub.s32 $0x2, s2;
	s5 =	sand.u32 $0x780, s0  }
0x7: {  	s6 =	sshrl.u32 s4, $0x1;
	p0 =	sne.s32 s5, $0x0;
	s5 =	simm.s32 $0x1  }
0x8: {  	s4 =	sand.u32 $0x1, s4;
	s0 =	sshrl.u32 s0, $0xB;
	s5 =	simm.s32 @!p0 $0x0  }
0x9: {  	s17 =	simm.s32 $0x0;
	s4 =	sadd.s32 s4, s6;
	s0 =	sadd.s32 s5, s0  }
0xa: {  	s18 =	simm.s32 $0x0;
	s14 =	simm.s32 $0x0;
	s0 =	smul.u32 s0, s4  }
.Ltmp0:
0xb: {  	s16 =	simm.s32 $0x0;
	s29 =	sadd.s32 $0x2000, s3;
	(pc) =	sbr.rel .LBB1_1-.Ltmp0, $4  }
0xc: {  	[sflag:s30] =	ssyncpa.u1 $0x0;
	s8 =	sadd.s32 $0x902000, s3;
	s9 =	sadd.s32 $0xB42000, s3  }
0xd: {  	s10 =	sadd.s32 $0xD82000, s3;
	[dreg:$0x2] =	wrdreg s29;
	s7 =	smul.u32 $0x3, s0  }
0xe: {  	[sflag:s31] =	ssyncpa.u1 $0x0;
	s15 =	smov.u32 s2;
	s13 =	smov.u32 s1  }
0xf: {  	p0 =	por $0x0, $0x0;
	s4 =	sadd.s32 $0x6C2000, s3;
	s11 =	sadd.s32 $0x1, s7  }
.LBB1_7:
0x10: {  	s0 =	sadd.s32 $0x800, s13  }
0x11: {  	s3 =	sadd.s32 $0x4, s14;
	s5 =	smov.u32 s14;
	p2 =	sgt.s32 s0, $0x23FFF  }
0x12: {  	s5 =	smov.u32 @p2 s3  }
0x13: {  	s6 =	sadd.s32 $0x2, s15;
	s12 =	smov.u32 s15;
	p3 =	sgt.s32 s5, $0xB  }
0x14: {  	s12 =	smov.u32 @p3 s6  }
0x15: {  	s0 =	smov.u32 @p2 s1;
	p2 =	sgt.s32 s12, $0x1  }
0x16: {  	p1 =	slt.u32 s16, $0x2;
	s12 =	smov.u32 @p2 s2;
	p2 =	sne.s32 s16, s11  }
.Ltmp1:
0x17: {  	s3 =	simm.s32 @!p1 $0x2;
	(pc) =	sbr.rel @!p2 .LBB1_8-.Ltmp1, $4  }
0x18: {  	s19 =	smov.u32 s13;
	s17 =	smov.u32 s14;
	_ =	swait.ge @!p1 [sflag:s3], $0x1000  }
0x19: {  	s18 =	smov.u32 s15;
	p0 =	por !p0, !p0;
	[sflag:s3] =	ssyncset.done @!p1 $0x0  }
0x1a: {  	s13 =	smov.u32 s0;
	s5 =	simm.s32 @p3 $0x0;
	[sflag:s3] =	ssyncadd.s32 @!p1 $0xFFFFF000  }
0x1b: {  	s14 =	smov.u32 s5;
	s16 =	sadd.s32 $0x1, s16;
	s15 =	smov.u32 s12  }
.LBB1_1:
0x1c: {  	p1 =	sge.u32 s16, s7  }
0x1d: {  	s0 =	sand.u32 @!p1 $0x1FFFFFF, s13  }
0x1e: {  	s3 =	smulhi.u32 @!p1 $0xE38E39, s0;
	_ =	sdelay $0x1  }
0x1f: {  	s5 =	smul.u32 @!p1 $0x1B00000, s15;
	s3 =	sshrl.u32 @!p1 s3, $0x9  }
0x20: {  	s3 =	smul.u32 @!p1 $0x24000, s3  }
0x21: {  	s6 =	sxor.u32 @!p1 $0xFFFFFFFF, s16;
	s12 =	smul.u32 @!p1 $0x240000, s14  }
0x22: {  	s20 =	simm.s32 @!p1 $0x8;
	s0 =	ssub.s32 @!p1 s0, s3;
	s3 =	sadd.s32 @!p1 s4, s5  }
0x23: {  	s6 =	sshll.u32 @!p1 s6, $0xC;
	s0 =	sshll.u32 @!p1 s0, $0x4;
	s3 =	sadd.s32 @!p1 s12, s3  }
0x24: {  	s21 =	simm.s32 @!p1 $0x80;
	s6 =	sand.u32 @!p1 $0x1000, s6;
	s3 =	sadd.s32 @!p1 s0, s3  }
0x25: {  	[tilespmem:s6], [sflag:$0x1] =	stream.strided.gather @!p1 [hbm4b:s3+s20], $0x400, s21, s20, $0x38;
	[tilespmem:$0x4040] =	vst v63  }
0x26: {  	s3 =	sadd.s32 @!p1 s5, s8  }
0x27: {  	s3 =	sadd.s32 @!p1 s12, s3  }
0x28: {  	s22 =	sor.u32 @!p1 $0x400, s6;
	s3 =	sadd.s32 @!p1 s0, s3  }
0x29: {  	[tilespmem:s22], [sflag:$0x1] =	stream.strided.gather @!p1 [hbm4b:s3+s20], $0x400, s21, s20, $0x38;
	[tilespmem:$0x4040] =	vst v63  }
0x2a: {  	s3 =	sadd.s32 @!p1 s5, s9  }
0x2b: {  	s3 =	sadd.s32 @!p1 s12, s3  }
0x2c: {  	s22 =	sor.u32 @!p1 $0x800, s6;
	s3 =	sadd.s32 @!p1 s0, s3  }
0x2d: {  	[tilespmem:s22], [sflag:$0x1] =	stream.strided.gather @!p1 [hbm4b:s3+s20], $0x400, s21, s20, $0x38;
	[tilespmem:$0x4040] =	vst v63  }
0x2e: {  	s3 =	sadd.s32 @!p1 s5, s10  }
0x2f: {  	s3 =	sadd.s32 @!p1 s12, s3  }
0x30: {  	s31 =	sadd.s32 $0xFFFFFFFF, s16;
	s0 =	sadd.s32 @!p1 s0, s3;
	s3 =	sor.u32 @!p1 $0xC00, s6  }
0x31: {  	[tilespmem:s3], [sflag:$0x1] =	stream.strided.gather @!p1 [hbm4b:s0+s20], $0x400, s21, s20, $0x38;
	[tilespmem:$0x4040] =	vst v63  }
0x32: {  	p1 =	sge.u32 s31, s7  }
.Ltmp2:
0x33: {  	_ = 	snop;
	(pc) =	sbr.rel @p1 .LBB1_7-.Ltmp2, $1  }
0x34: {  	_ =	sdelay $0x3  }
0x35: {  	s0 =	simm.s32 $0x1;
	s5 =	sand.u32 $0x1, s16  }
0x36: {  	s30 =	simm.s32 $0x1;
	s0 =	simm.s32 @!p0 $0x0;
	s5 =	smul.u32 $0x4080, s5  }
0x37: {  	_ =	swait.ge [sflag:s30], $0x1000;
	s3 =	smul.u32 $0x4080, s0  }
0x38: {  	s23 =	simm.s32 $0x0;
	s0 =	sshll.u32 s0, $0xC;
	[sflag:s30] =	ssyncset.done $0x0  }
0x39: {  	s22 =	sor.u32 $0x20, s0;
	s31 =	sshrl.u32 s5, $0x2;
	s3 =	sshrl.u32 s3, $0x2  }
0x3a: {  	[sflag:s30] =	ssyncadd.s32 $0xFFFFF000;
	s20 =	sor.u32 $0x2000, s31;
	s12 =	sor.u32 $0x2007, s3  }
.LBB1_3:
0x3b: {  	v0 =	vld.msk [tilespmem:s22+$0xFFFFFFE0], $0xff;
	_ =	sdelay $0x4  }
0x3c: {  	[tilespmem:s12+$0xFFFFFFF9 ss:$0x81] =	vst.msk $0xff, v0  }
0x3d: {  	v0 =	vld.msk [tilespmem:s22+$0xFFFFFFE8], $0xff  }
0x3e: {  	s25 =	sadd.s32 $0x40, s22  }
0x3f: {  	v1 =	vld.msk [tilespmem:s25+$0xFFFFFFE0], $0xff;
	_ =	sdelay $0x2  }
0x40: {  	[tilespmem:s12+$0xFFFFFFFA ss:$0x81] =	vst.msk $0xff, v0  }
0x41: {  	s24 =	sadd.s32 $0x8, s12;
	v0 =	vld.msk [tilespmem:s22+$0xFFFFFFF0], $0xff  }
0x42: {  	[tilespmem:s24+$0xFFFFFFF9 ss:$0x81] =	vst.msk $0xff, v1  }
0x43: {  	v1 =	vld.msk [tilespmem:s25+$0xFFFFFFE8], $0xff  }
0x44: {  	s27 =	sadd.s32 $0x40, s25  }
0x45: {  	v2 =	vld.msk [tilespmem:s27+$0xFFFFFFE0], $0xff  }
0x46: {  	[tilespmem:s12+$0xFFFFFFFB ss:$0x81] =	vst.msk $0xff, v0  }
0x47: {  	v0 =	vld.msk [tilespmem:s22+$0xFFFFFFF8], $0xff  }
0x48: {  	[tilespmem:s24+$0xFFFFFFFA ss:$0x81] =	vst.msk $0xff, v1  }
0x49: {  	s26 =	sadd.s32 $0x8, s24;
	v1 =	vld.msk [tilespmem:s25+$0xFFFFFFF0], $0xff  }
0x4a: {  	[tilespmem:s26+$0xFFFFFFF9 ss:$0x81] =	vst.msk $0xff, v2  }
0x4b: {  	s29 =	sadd.s32 $0x40, s27;
	v2 =	vld.msk [tilespmem:s27+$0xFFFFFFE8], $0xff  }
0x4c: {  	[tilespmem:s12+$0xFFFFFFFC ss:$0x81] =	vst.msk $0xff, v0;
	v0 =	vld.msk [tilespmem:s29+$0xFFFFFFE0], $0xff  }
0x4d: {  	v3 =	vld.msk [tilespmem:s22+$0x0], $0xff  }
0x4e: {  	[tilespmem:s24+$0xFFFFFFFB ss:$0x81] =	vst.msk $0xff, v1  }
0x4f: {  	v1 =	vld.msk [tilespmem:s25+$0xFFFFFFF8], $0xff  }
0x50: {  	s28 =	sadd.s32 $0x8, s26;
	[tilespmem:s26+$0xFFFFFFFA ss:$0x81] =	vst.msk $0xff, v2  }
0x51: {  	v2 =	vld.msk [tilespmem:s27+$0xFFFFFFF0], $0xff;
	[tilespmem:s28+$0xFFFFFFF9 ss:$0x81] =	vst.msk $0xff, v0  }
0x52: {  	v0 =	vld.msk [tilespmem:s29+$0xFFFFFFE8], $0xff;
	[tilespmem:s12+$0xFFFFFFFD ss:$0x81] =	vst.msk $0xff, v3  }
0x53: {  	s30 =	sadd.s32 $0x40, s29;
	v3 =	vld.msk [tilespmem:s22+$0x8], $0xff  }
0x54: {  	[tilespmem:s24+$0xFFFFFFFC ss:$0x81] =	vst.msk $0xff, v1;
	v1 =	vld.msk [tilespmem:s30+$0xFFFFFFE0], $0xff  }
0x55: {  	v4 =	vld.msk [tilespmem:s25+$0x0], $0xff  }
0x56: {  	[tilespmem:s26+$0xFFFFFFFB ss:$0x81] =	vst.msk $0xff, v2  }
0x57: {  	v2 =	vld.msk [tilespmem:s27+$0xFFFFFFF8], $0xff;
	[tilespmem:s28+$0xFFFFFFFA ss:$0x81] =	vst.msk $0xff, v0  }
0x58: {  	s31 =	sadd.s32 $0x8, s28;
	v0 =	vld.msk [tilespmem:s29+$0xFFFFFFF0], $0xff;
	[tilespmem:s12+$0xFFFFFFFE ss:$0x81] =	vst.msk $0xff, v3  }
0x59: {  	[tilespmem:s31+$0xFFFFFFF9 ss:$0x81] =	vst.msk $0xff, v1;
	v1 =	vld.msk [tilespmem:s22+$0x10], $0xff  }
0x5a: {  	[tilespmem:s24+$0xFFFFFFFD ss:$0x81] =	vst.msk $0xff, v4;
	v3 =	vld.msk [tilespmem:s30+$0xFFFFFFE8], $0xff  }
0x5b: {  	s3 =	sadd.s32 $0x40, s30;
	v4 =	vld.msk [tilespmem:s25+$0x8], $0xff  }
0x5c: {  	[tilespmem:s26+$0xFFFFFFFC ss:$0x81] =	vst.msk $0xff, v2;
	v2 =	vld.msk [tilespmem:s3+$0xFFFFFFE0], $0xff  }
0x5d: {  	v5 =	vld.msk [tilespmem:s27+$0x0], $0xff;
	[tilespmem:s28+$0xFFFFFFFB ss:$0x81] =	vst.msk $0xff, v0  }
0x5e: {  	v6 =	vld.msk [tilespmem:s29+$0xFFFFFFF8], $0xff;
	[tilespmem:s12+$0xFFFFFFFF ss:$0x81] =	vst.msk $0xff, v1  }
0x5f: {  	[tilespmem:s31+$0xFFFFFFFA ss:$0x81] =	vst.msk $0xff, v3;
	v0 =	vld.msk [tilespmem:s22+$0x18], $0xff  }
0x60: {  	s0 =	sadd.s32 $0x8, s31;
	[tilespmem:s24+$0xFFFFFFFE ss:$0x81] =	vst.msk $0xff, v4;
	v3 =	vld.msk [tilespmem:s30+$0xFFFFFFF0], $0xff  }
0x61: {  	[tilespmem:s0+$0xFFFFFFF9 ss:$0x81] =	vst.msk $0xff, v2;
	v1 =	vld.msk [tilespmem:s25+$0x10], $0xff  }
0x62: {  	[tilespmem:s26+$0xFFFFFFFD ss:$0x81] =	vst.msk $0xff, v5;
	v4 =	vld.msk [tilespmem:s3+$0xFFFFFFE8], $0xff  }
0x63: {  	s5 =	simm.s32 $0x28;
	s21 =	smov.u32 s12;
	s6 =	sadd.s32 $0x40, s3;
	v2 =	vld.msk [tilespmem:s27+$0x8], $0xff;
	[tilespmem:s28+$0xFFFFFFFC ss:$0x81] =	vst.msk $0xff, v6  }
.LBB1_4:
0x64: {  	v5 =	vld.msk [tilespmem:s6+$0xFFFFFFE0], $0xff;
	[tilespmem:s21+$0x0 ss:$0x81] =	vst.msk $0xff, v0;
	s21 =	smov.u32 s24;
	s24 =	smov.u32 s26;
	s26 =	smov.u32 s28  }
0x65: {  	s5 =	sadd.s32 $0x8, s5;
	s28 =	smov.u32 s31;
	[tilespmem:s31+$0xFFFFFFFB ss:$0x81] =	vst.msk $0xff, v3;
	v6 =	vld.msk [tilespmem:s29+$0x0], $0xff;
	s31 =	smov.u32 s0  }
0x66: {  	p1 =	slt.u32 s5, $0x78;
	v7 =	vld.msk [tilespmem:s30+$0xFFFFFFF8], $0xff;
	[tilespmem:s21+$0xFFFFFFFF ss:$0x81] =	vst.msk $0xff, v1  }
.Ltmp3:
0x67: {  	[tilespmem:s0+$0xFFFFFFFA ss:$0x81] =	vst.msk $0xff, v4;
	v0 =	vld.msk [tilespmem:s25+$0x18], $0xff;
	s25 =	smov.u32 s27;
	s27 =	smov.u32 s29;
	(pc) =	sbr.rel @p1 .LBB1_4-.Ltmp3, $4  }
0x68: {  	s0 =	sadd.s32 $0x8, s0;
	s29 =	smov.u32 s30;
	s30 =	smov.u32 s3;
	v3 =	vld.msk [tilespmem:s3+$0xFFFFFFF0], $0xff;
	[tilespmem:s24+$0xFFFFFFFE ss:$0x81] =	vst.msk $0xff, v2  }
0x69: {  	s3 =	smov.u32 s6;
	[tilespmem:s0+$0xFFFFFFF9 ss:$0x81] =	vst.msk $0xff, v5;
	v1 =	vld.msk [tilespmem:s25+$0x10], $0xff  }
0x6a: {  	v4 =	vld.msk [tilespmem:s6+$0xFFFFFFE8], $0xff;
	[tilespmem:s26+$0xFFFFFFFD ss:$0x81] =	vst.msk $0xff, v6  }
0x6b: {  	s6 =	sadd.s32 $0x40, s6;
	[tilespmem:s28+$0xFFFFFFFC ss:$0x81] =	vst.msk $0xff, v7;
	v2 =	vld.msk [tilespmem:s27+$0x8], $0xff  }
0x6c: {  	_ =	sdelay $0x2  }
0x6d: {  	[tilespmem:s0+$0xFFFFFFFA ss:$0x81] =	vst.msk $0xff, v4  }
0x6e: {  	v4 =	vld.msk [tilespmem:s3+$0xFFFFFFF0], $0xff;
	_ =	sdelay $0x3  }
0x6f: {  	[tilespmem:s31+$0xFFFFFFFB ss:$0x81] =	vst.msk $0xff, v3  }
0x70: {  	v3 =	vld.msk [tilespmem:s30+$0xFFFFFFF8], $0xff;
	[tilespmem:s0+$0xFFFFFFFB ss:$0x81] =	vst.msk $0xff, v4  }
0x71: {  	v4 =	vld.msk [tilespmem:s3+$0xFFFFFFF8], $0xff;
	_ =	sdelay $0x3  }
0x72: {  	v5 =	vld.msk [tilespmem:s29+$0x0], $0xff;
	[tilespmem:s31+$0xFFFFFFFC ss:$0x81] =	vst.msk $0xff, v3  }
0x73: {  	v3 =	vld.msk [tilespmem:s30+$0x0], $0xff;
	[tilespmem:s0+$0xFFFFFFFC ss:$0x81] =	vst.msk $0xff, v4  }
0x74: {  	v4 =	vld.msk [tilespmem:s3+$0x0], $0xff;
	_ =	sdelay $0x2  }
0x75: {  	[tilespmem:s28+$0xFFFFFFFD ss:$0x81] =	vst.msk $0xff, v5  }
0x76: {  	v5 =	vld.msk [tilespmem:s29+$0x8], $0xff;
	[tilespmem:s31+$0xFFFFFFFD ss:$0x81] =	vst.msk $0xff, v3  }
0x77: {  	v3 =	vld.msk [tilespmem:s30+$0x8], $0xff;
	[tilespmem:s0+$0xFFFFFFFD ss:$0x81] =	vst.msk $0xff, v4  }
0x78: {  	v4 =	vld.msk [tilespmem:s3+$0x8], $0xff;
	_ =	sdelay $0x1  }
0x79: {  	[tilespmem:s26+$0xFFFFFFFE ss:$0x81] =	vst.msk $0xff, v2  }
0x7a: {  	v2 =	vld.msk [tilespmem:s27+$0x10], $0xff;
	[tilespmem:s28+$0xFFFFFFFE ss:$0x81] =	vst.msk $0xff, v5  }
0x7b: {  	v5 =	vld.msk [tilespmem:s29+$0x10], $0xff;
	[tilespmem:s31+$0xFFFFFFFE ss:$0x81] =	vst.msk $0xff, v3  }
0x7c: {  	v3 =	vld.msk [tilespmem:s30+$0x10], $0xff;
	[tilespmem:s0+$0xFFFFFFFE ss:$0x81] =	vst.msk $0xff, v4  }
0x7d: {  	v4 =	vld.msk [tilespmem:s3+$0x10], $0xff  }
0x7e: {  	[tilespmem:s24+$0xFFFFFFFF ss:$0x81] =	vst.msk $0xff, v1  }
0x7f: {  	v1 =	vld.msk [tilespmem:s25+$0x18], $0xff;
	[tilespmem:s26+$0xFFFFFFFF ss:$0x81] =	vst.msk $0xff, v2  }
0x80: {  	v2 =	vld.msk [tilespmem:s27+$0x18], $0xff;
	[tilespmem:s28+$0xFFFFFFFF ss:$0x81] =	vst.msk $0xff, v5  }
0x81: {  	v61 =	vld.msk [tilespmem:s29+$0x18], $0xff;
	[tilespmem:s31+$0xFFFFFFFF ss:$0x81] =	vst.msk $0xff, v3  }
0x82: {  	s23 =	sadd.s32 $0x1, s23;
	v62 =	vld.msk [tilespmem:s30+$0x18], $0xff;
	[tilespmem:s0+$0xFFFFFFFF ss:$0x81] =	vst.msk $0xff, v4  }
0x83: {  	[tilespmem:s21+$0x0 ss:$0x81] =	vst.msk $0xff, v0;
	p1 =	sne.s32 s23, $0x4;
	v63 =	vld.msk [tilespmem:s3+$0x18], $0xff  }
.Ltmp4:
0x84: {  	[tilespmem:s24+$0x0 ss:$0x81] =	vst.msk $0xff, v1;
	(pc) =	sbr.rel @p1 .LBB1_3-.Ltmp4, $4  }
0x85: {  	[tilespmem:s26+$0x0 ss:$0x81] =	vst.msk $0xff, v2  }
0x86: {  	[tilespmem:s28+$0x0 ss:$0x81] =	vst.msk $0xff, v61  }
0x87: {  	[tilespmem:s31+$0x0 ss:$0x81] =	vst.msk $0xff, v62  }
0x88: {  	s12 =	sadd.s32 $0x408, s12;
	s22 =	sadd.s32 $0x400, s22;
	[tilespmem:s0+$0x0 ss:$0x81] =	vst.msk $0xff, v63  }
0x89: {  	s0 =	sshll.u32 s19, $0x3  }
0x8a: {  	s3 =	sand.u32 $0x7F, s19;
	s5 =	sand.u32 $0xFFFFFC00, s0  }
0x8b: {  	s0 =	smulhi.u32 $0x38E38E39, s0;
	s3 =	sor.u32 s3, s5  }
0x8c: {  	s5 =	smulhi.u32 $0x38E38E39, s3  }
0x8d: {  	s6 =	smul.u32 $0x1B0000, s18  }
0x8e: {  	s12 =	smul.u32 $0x24000, s17;
	s0 =	sshrl.u32 s0, $0xF;
	s5 =	sshrl.u32 s5, $0xF  }
0x8f: {  	s0 =	sand.u32 $0x7, s0;
	s5 =	smul.u32 $0x24000, s5  }
0x90: {  	s27 =	rddreg [dreg:$0x2];
	s0 =	smul.u32 $0x4800, s0  }
.Ltmp5:
0x91: {  	s3 =	ssub.s32 s3, s5;
	s5 =	sadd.s32 s27, s6;
	(pc) =	sbr.rel .LBB1_7-.Ltmp5, $4  }
0x92: {  	s5 =	sadd.s32 s12, s5;
	s28 =	sand.u32 $0x7, s3  }
0x93: {  	s3 =	sshrl.u32 s3, $0x3;
	s0 =	sadd.s32 s0, s5;
	s29 =	sshll.u32 s28, $0x12  }
0x94: {  	s31 =	simm.s32 $0x120000;
	s0 =	sadd.s32 s3, s0;
	s30 =	sor.u32 $0x400, s29  }
0x95: {  	[hbm4b:s0+s30] =	stream.strided.scatter [tilespmem:s20], [sflag:$0x2], $0x1000, s31, s30, $0x20;
	[tilespmem:$0x4040] =	vst v63  }
.LBB1_8:
0x96: {  	_ =	sfence.sel $0x180000  }
0x97: {  	s0 =	simm.s32 $0x1;
	[bflag:$0x0] =	sbarrier.arrive $0xFFFF  }
0x98: {  	s30 =	simm.s32 $0x2;
	[sflag:s0] =	ssyncpa.u1 $0x1  }
0x99: {  	[sflag:s30] =	ssyncpa.u1 $0x1  }
0x9a: {  	_ =	strace $0x90000053  }
0x9b: {  	s31 =	stileid.u32;
	[bflag:$0x2] =	sbarrier.arrive $0xFFFF  }
0x9c: {  	p0 =	sne.s32 s31, $0x0;
	s0 =	rddreg [dreg:$0x1]  }
0x9d: {  	s0 =	sadd.s32 @!p0 $0x100000, s0  }
0x9e: {  	[sflag:s0] =	ssyncadd.tile.s32 @!p0 $0x1;
	_ =	shalt  }
.Lfunc_end1:
_tile_overlayer_lowered:
.L_overlay_start_2:
0x9f: {  	(tag) =	ssettag $0x2  }
0xa0: {  	s0 =	rddreg [dreg:$0x0];
	s2 =	stileid.u32  }
0xa1: {  	s1 =	rddreg [dreg:$0x1];
	p0 =	sne.s32 s2, $0x0  }
0xa2: {  	s3 =	rddreg [dreg:$0x2];
	[bflag:$0x3] =	sbarrier.arrive $0xFFFF;
	s2 =	simm.s32 @!p0 $0x1C01  }
0xa3: {  	[timem:s3], [sflag:s2] =	dma.local @!p0 [hbm:s0], s1  }
0xa4: {  	s0 =	simm.s32 @!p0 $0x1  }
0xa5: {  	_ =	swait.ge @!p0 [sflag:s0], s1  }
0xa6: {  	s1 =	ssub.s32 @!p0 $0x0, s1;
	[sflag:s0] =	ssyncset.done @!p0 $0x0  }
0xa7: {  	[sflag:s0] =	ssyncadd.s32 @!p0 s1  }
0xa8: {  	[bflag:$0x3] =	sbarrier.arrive $0xFFFF  }
0xa9: {  	_ =	shalt  }

// kernel: sparse-core-data-format-call.2.cloned.1.call-start
scs
called_computation.2_lowered:
.L_overlay_start_0:
0x0: {  	s2 =	sld [smem:$0x3FD9]  }
0x1: {  	s3 =	sld [smem:$0x3FFE];
	_ =	sdelay $0x1  }
0x2: {  	s1 =	srdreg.scid  }
0x3: {  	s0 =	sand.u32 $0x1, s1  }
0x4: {  	s18 =	sshll.u32 s0, $0xA;
	s2 =	sadd.s32 s3, s2  }
0x5: {  	s2 =	sadd.s32 s2, s18  }
0x6: {  	[smem:$0x3FC5] =	sst s2  }
0x7: {  	_ = 	snop  }
0x8: {  	(tm) =	ssettm $0x1  }
0x9: {  	s19 =	sld [smem:$0x3FFB];
	_ =	sdelay $0x3  }
0xa: {  	_ =	strace s19  }
0xb: {  	s2 =	sld [smem:$0x3FFC];
	_ =	sdelay $0x3  }
0xc: {  	_ =	strace s2  }
0xd: {  	s2 =	sld [smem:$0x3FFD];
	_ =	sdelay $0x3  }
0xe: {  	_ =	strace s2  }
0xf: {  	_ =	strace $0x8FFFFFFF  }
0x10: {  	s20 =	sld [smem:$0x3FDB];
	_ =	sdelay $0x1  }
0x11: {  	s21 =	simm.s32 $_scs_section_size  }
0x12: {  	s4 =	simm.s32 $_size__tile_overlayer_lowered;
	s5 =	simm.s32 $_tile_overlayer_lowered  }
0x13: {  	s6 =	simm.s32 $0x1BFF;
	s22 =	sshll.u32 s5, $0x1;
	s3 =	sadd.s32 s21, s20  }
0x14: {  	s23 =	simm.s32 $0x0;
	s4 =	sshll.u32 s4, $0x1;
	s5 =	sadd.s32 s22, s3  }
0x15: {  	[timem:s23], [sflag:s6] =	dma.local [hbm:s5], s4  }
0x16: {  	_ =	swait.ge [sflag:s6], s4  }
0x17: {  	s4 =	ssub.s32 $0x0, s4;
	[sflag:s6] =	ssyncset.done $0x0  }
0x18: {  	[sflag:s6] =	ssyncadd.s32 s4;
	_ =	sdelay $0x1  }
0x19: {  	s24 =	simm.s32 $0x1B8B  }
0x1a: {  	_ =	swait.ge [sflag:s24], $0x1  }
0x1b: {  	[sflag:s24] =	ssyncset.done $0x0  }
0x1c: {  	[sflag:s24] =	ssyncadd.s32 $0xFFFFFFFF  }
0x1d: {  	s4 =	sld [smem:$0x0]  }
0x1e: {  	s5 =	sand.u32 $0xFFFFFFFE, s1  }
0x1f: {  	p0 =	sne.s32 s1, s5  }
0x20: {  	s5 =	sshll.u32 @p0 s5, $0xE  }
0x21: {  	s5 =	sadd.s32 @p0 $0x11B8D, s5;
	s6 =	sshll.u32 @p0 s4, $0x11  }
0x22: {  	s5 =	sor.u32 @p0 s6, s5  }
0x23: {  	[sflag:s5] =	ssyncadd.remote.s32 @p0 $0x1;
	_ =	sdelay $0x1  }
0x24: {  	s5 =	simm.s32 @p0 $0x1B8D  }
0x25: {  	_ =	swait.eq @p0 [sflag:s5], $0x1  }
0x26: {  	[sflag:s5] =	ssyncadd.s32 @p0 $0xFFFFFFFF  }
0x27: {  	s6 =	sshll.u32 @!p0 s1, $0xE  }
0x28: {  	s6 =	sor.u32 @!p0 $0x4000, s6;
	s5 =	simm.s32 @!p0 $0x1B8D  }
0x29: {  	s4 =	sshll.u32 @!p0 s4, $0x11;
	s6 =	sadd.s32 @!p0 $0x11B8D, s6;
	_ =	swait.eq @!p0 [sflag:s5], $0x1  }
0x2a: {  	s4 =	sor.u32 @!p0 s4, s6;
	[sflag:s5] =	ssyncadd.s32 @!p0 $0xFFFFFFFF  }
0x2b: {  	s26 =	simm.s32 $0x1B8E;
	s25 =	sld [smem:$0x3FFE];
	[sflag:s4] =	ssyncadd.remote.s32 @!p0 $0x1  }
0x2c: {  	s27 =	simm.s32 $execute0_lowered;
	[smem:$0x3FD2] =	sst s26  }
0x2d: {  	s5 =	sshll.u32 s27, $0x1;
	_ =	strace $0x80000049;
	[dreg:$0x1] =	wrdreg $0xFFFFFFFF  }
0x2e: {  	s28 =	simm.s32 $_size_execute0_lowered;
	s3 =	sadd.s32 s3, s5;
	[dreg:$0x0] =	wrdreg $0x0  }
0x2f: {  	s5 =	sshll.u32 s28, $0x1;
	[dreg:$0x2] =	wrdreg s3  }
0x30: {  	[dreg:$0x3] =	wrdreg s5  }
0x31: {  	[dreg:$0x4] =	wrdreg $0xC0  }
0x32: {  	_ =	task [dreg:s23], $0x5FFFF  }
0x33: {  	[dreg:$0x1] =	wrdreg $0xFFFFFFFF  }
0x34: {  	[dreg:$0x0] =	wrdreg $0x60  }
0x35: {  	[dreg:$0x2] =	wrdreg s25  }
0x36: {  	[dreg:$0x3] =	wrdreg $0x9  }
0x37: {  	_ =	task.clear_ibuf [dreg:s23], $0x4FFFF;
	_ =	strace $0x90000049  }
0x38: {  	s29 =	simm.s32 $0x9;
	_ =	strace $0x8000004B  }
0x39: {  	_ =	swait.ge [sflag:s29], $0x1  }
0x3a: {  	[sflag:s29] =	ssyncadd.s32 $0xFFFFFFFF  }
0x3b: {  	_ =	strace $0x9000004B  }
0x3c: {  	_ =	sfence  }
0x3d: {  	s30 =	sld [smem:$0x0];
	_ =	sdelay $0x2  }
0x3e: {  	s31 =	sshll.u32 s1, $0xD;
	s1 =	sshrl.u32 s1, $0x2  }
0x3f: {  	s4 =	sand.u32 $0x4000, s31;
	s1 =	sadd.s32 s1, s30  }
0x40: {  	s0 =	sor.u32 s4, s0;
	s1 =	sshll.u32 s1, $0x11  }
0x41: {  	s0 =	sor.u32 s1, s0  }
0x42: {  	s0 =	sadd.s32 $0x8F2B, s0  }
0x43: {  	[sflag:s0] =	ssyncadd.remote.s32 $0x1  }
0x44: {  	_ =	sfence.sel $0xFFFF  }
0x45: {  	[dreg:$0x0] =	wrdreg $0xFFFFFFFF;
	(pc) =	sbr.abs _section_cstart, $3  }
0x46: {  	[dreg:$0x1] =	wrdreg $0xFFFFFFFF  }
0x47: {  	_ =	task.clear_ibuf [dreg:s23], $0x2FFFF;
	_ =	strace $0x9FFFFFFF  }
0x48: {  	(tm) =	ssettm $0x7FFFFFFF  }
0x49: {  	_ =	shalt  }
tec
execute0_lowered:
.L_overlay_start_1:
0x0: {  	(tag) =	ssettag $0x1  }
0x1: {  	s0 =	srdreg.scid  }
0x2: {  	s1 =	sshll.u32 s0, $0x4  }
0x3: {  	s0 =	stileid.u32;
	s1 =	sand.u32 $0x10, s1  }
0x4: {  	s1 =	sor.u32 s0, s1  }
0x5: {  	s7 =	rddreg [dreg:$0x0];
	s1 =	sshrl.u32 s1, $0x1  }
0x6: {  	s8 =	simm.s32 $0x2;
	s18 =	simm.s32 $0x0;
	s3 =	ssub.s32 $0xC, s1  }
0x7: {  	s9 =	simm.s32 $0x80;
	s2 =	sand.u32 $0x1, s0;
	p0 =	sgt.s32 s3, $0x0  }
0x8: {  	s15 =	simm.s32 $0x0;
	s4 =	ssub.s32 $0x2, s2;
	s3 =	simm.s32 @!p0 $0x0  }
0x9: {  	s5 =	sshrl.u32 s4, $0x1;
	s4 =	sand.u32 $0x1, s4;
	s3 =	sadd.s32 $0xF, s3  }
0xa: {  	s16 =	simm.s32 $0x0;
	s4 =	sadd.s32 s4, s5;
	s3 =	sshrl.u32 s3, $0x4  }
0xb: {  	s17 =	simm.s32 $0x0;
	s10 =	simm.s32 $0x0;
	s5 =	smul.u32 s3, s4  }
.Ltmp0:
0xc: {  	s11 =	simm.s32 $0x0;
	s14 =	simm.s32 $0x0;
	(pc) =	sbr.rel .LBB1_1-.Ltmp0, $4  }
0xd: {  	s6 =	sadd.s32 $0x3602000, s7;
	s7 =	sadd.s32 $0x3962000, s7;
	s3 =	rddreg [dreg:$0x1]  }
0xe: {  	_ =	strace $0x8000004A;
	s4 =	simm.s32 $0x1;
	s5 =	smul.u32 $0x48, s5  }
0xf: {  	s13 =	smov.u32 s2;
	s12 =	smov.u32 s1;
	[sflag:s4] =	ssyncpa.u1 $0x0  }
0x10: {  	p0 =	por $0x0, $0x0;
	[sflag:s8] =	ssyncpa.u1 $0x0;
	s8 =	sor.u32 $0x1, s5  }
.LBB1_7:
0x11: {  	s19 =	sadd.s32 $0x800, s10  }
0x12: {  	s15 =	sadd.s32 $0x8, s11;
	s20 =	smov.u32 s11;
	p2 =	sgt.s32 s19, $0x23FFF  }
0x13: {  	s20 =	smov.u32 @p2 s15  }
0x14: {  	s21 =	smov.u32 s12;
	s15 =	sadd.s32 $0x10, s12;
	p3 =	sgt.s32 s20, $0x7  }
0x15: {  	s21 =	smov.u32 @p3 s15  }
0x16: {  	s22 =	smov.u32 s13;
	s15 =	sadd.s32 $0x2, s13;
	p4 =	sgt.s32 s21, $0xB  }
0x17: {  	p1 =	slt.u32 s14, $0x2;
	s22 =	smov.u32 @p4 s15  }
0x18: {  	s18 =	smov.u32 s10;
	s19 =	simm.s32 @p2 $0x0;
	p2 =	sgt.s32 s22, $0x1  }
0x19: {  	s23 =	simm.s32 @!p1 $0x2;
	s22 =	smov.u32 @p2 s2;
	p2 =	sne.s32 s14, s8  }
.Ltmp1:
0x1a: {  	s16 =	smov.u32 s12;
	_ =	swait.ge @!p1 [sflag:s23], $0x4000;
	(pc) =	sbr.rel @!p2 .LBB1_8-.Ltmp1, $4  }
0x1b: {  	s17 =	smov.u32 s13;
	p0 =	por !p0, !p0;
	[sflag:s23] =	ssyncset.done @!p1 $0x0  }
0x1c: {  	s10 =	smov.u32 s19;
	s20 =	simm.s32 @p3 $0x0;
	[sflag:s23] =	ssyncadd.s32 @!p1 $0xFFFFC000  }
0x1d: {  	s21 =	smov.u32 @p4 s1;
	s15 =	smov.u32 s11;
	s11 =	smov.u32 s20  }
0x1e: {  	s12 =	smov.u32 s21;
	s14 =	sadd.s32 $0x1, s14;
	s13 =	smov.u32 s22  }
.LBB1_1:
0x1f: {  	p1 =	sge.u32 s14, s5  }
0x20: {  	s19 =	sshrl.u32 @!p1 s11, $0x3  }
0x21: {  	s20 =	sshll.u32 @!p1 s10, $0x3;
	s21 =	sshll.u32 @!p1 s11, $0x7;
	s19 =	smul.u32 @!p1 $0x120000, s19  }
0x22: {  	s22 =	sand.u32 @!p1 $0x7F, s10;
	s20 =	sand.u32 @!p1 $0xFFFFFC00, s20;
	s21 =	sand.u32 @!p1 $0x380, s21  }
0x23: {  	s19 =	sadd.s32 @!p1 s19, s20;
	s20 =	sor.u32 @!p1 s22, s21  }
0x24: {  	s20 =	sor.u32 @!p1 s19, s20;
	s19 =	smulhi.u32 @!p1 $0x38E38E39, s19  }
0x25: {  	s21 =	smulhi.u32 @!p1 $0x38E38E39, s20  }
0x26: {  	s23 =	smul.u32 @!p1 $0x24000, s12  }
0x27: {  	s22 =	smul.u32 @!p1 $0x1B0000, s13;
	s19 =	sshrl.u32 @!p1 s19, $0xF;
	s21 =	sshrl.u32 @!p1 s21, $0xF  }
0x28: {  	s19 =	sand.u32 @!p1 $0x7, s19;
	s21 =	smul.u32 @!p1 $0x24000, s21  }
0x29: {  	s31 =	sadd.s32 $0xFFFFFFFF, s14;
	s22 =	sadd.s32 @!p1 s6, s22;
	s19 =	smul.u32 @!p1 $0x4800, s19  }
0x2a: {  	s24 =	sxor.u32 @!p1 $0xFFFFFFFF, s14;
	s20 =	ssub.s32 @!p1 s20, s21;
	s21 =	sadd.s32 @!p1 s23, s22  }
0x2b: {  	s22 =	sshll.u32 @!p1 s24, $0xE;
	s23 =	sshrl.u32 @!p1 s20, $0x3;
	s19 =	sadd.s32 @!p1 s19, s21  }
0x2c: {  	s21 =	sand.u32 @!p1 $0x4000, s22;
	s20 =	sand.u32 @!p1 $0x7, s20;
	s19 =	sadd.s32 @!p1 s23, s19  }
0x2d: {  	[tilespmem:s21], [sflag:$0x1] =	stream.linear.gather @!p1 [hbm4b:s19+s20], $0x4000, $0x38;
	[tilespmem:$0x11000] =	vst v63  }
0x2e: {  	p1 =	sge.u32 s31, s5  }
.Ltmp2:
0x2f: {  	_ = 	snop;
	(pc) =	sbr.rel @p1 .LBB1_7-.Ltmp2, $1  }
0x30: {  	_ =	sdelay $0x3  }
0x31: {  	s19 =	simm.s32 $0x1;
	s21 =	sand.u32 $0x1, s14  }
0x32: {  	_ =	swait.ge [sflag:s4], $0x4000;
	s19 =	simm.s32 @!p0 $0x0;
	s22 =	smul.u32 $0x12000, s21  }
0x33: {  	[sflag:s4] =	ssyncset.done $0x0;
	s20 =	smul.u32 $0x12000, s19  }
0x34: {  	s19 =	sshll.u32 s19, $0xE;
	[sflag:s4] =	ssyncadd.s32 $0xFFFFC000  }
0x35: {  	s21 =	sor.u32 $0x800, s19;
	s31 =	sshrl.u32 s22, $0x2;
	s20 =	sshrl.u32 s20, $0x2  }
0x36: {  	s22 =	simm.s32 $0x0;
	s19 =	sor.u32 $0x8000, s31;
	s20 =	sadd.s32 $0x9170, s20  }
.LBB1_3:
0x37: {  	v0 =	vld [tilespmem:s21+$0x470]  }
0x38: {  	v1 =	vld [tilespmem:s21+$0xFFFFF810]  }
0x39: {  	v2 =	vld [tilespmem:s21+$0xFFFFF820]  }
0x3a: {  	v3 =	vld [tilespmem:s21+$0xFFFFF830]  }
0x3b: {  	v4 =	vld [tilespmem:s21+$0xFFFFF840]  }
0x3c: {  	v5 =	vld [tilespmem:s21+$0xFFFFF850];
	[tilespmem:s20+$0x0 ss:$0x9] =	vst.msk $0xffff, v0  }
0x3d: {  	[tilespmem:s20+$0xFFFFEF20 ss:$0x9] =	vst.msk $0xffff, v1;
	v0 =	vld [tilespmem:s21+$0xFFFFF860]  }
0x3e: {  	[tilespmem:s20+$0xFFFFEFB0 ss:$0x9] =	vst.msk $0xffff, v2;
	v1 =	vld [tilespmem:s21+$0xFFFFF870]  }
0x3f: {  	[tilespmem:s20+$0xFFFFF040 ss:$0x9] =	vst.msk $0xffff, v3;
	v2 =	vld [tilespmem:s21+$0xFFFFFC00]  }
0x40: {  	[tilespmem:s20+$0xFFFFF0D0 ss:$0x9] =	vst.msk $0xffff, v4;
	v3 =	vld [tilespmem:s21+$0xFFFFFC10]  }
0x41: {  	[tilespmem:s20+$0xFFFFF160 ss:$0x9] =	vst.msk $0xffff, v5;
	v4 =	vld [tilespmem:s21+$0xFFFFFC20]  }
0x42: {  	v5 =	vld [tilespmem:s21+$0x420];
	[tilespmem:s20+$0xFFFFF1F0 ss:$0x9] =	vst.msk $0xffff, v0  }
0x43: {  	v0 =	vld [tilespmem:s21+$0xFFFFFC30];
	[tilespmem:s20+$0xFFFFF280 ss:$0x9] =	vst.msk $0xffff, v1  }
0x44: {  	v1 =	vld [tilespmem:s21+$0xFFFFFC40];
	[tilespmem:s20+$0xFFFFF310 ss:$0x9] =	vst.msk $0xffff, v2  }
0x45: {  	[tilespmem:s20+$0xFFFFF3A0 ss:$0x9] =	vst.msk $0xffff, v3;
	v3 =	vld [tilespmem:s21+$0xFFFFFC60]  }
0x46: {  	[tilespmem:s20+$0xFFFFF430 ss:$0x9] =	vst.msk $0xffff, v4;
	v4 =	vld [tilespmem:s21+$0xFFFFFC70]  }
0x47: {  	v2 =	vld [tilespmem:s21+$0xFFFFFC50];
	[tilespmem:s20+$0xFFFFFD30 ss:$0x9] =	vst.msk $0xffff, v5  }
0x48: {  	[tilespmem:s20+$0xFFFFF4C0 ss:$0x9] =	vst.msk $0xffff, v0;
	v0 =	vld [tilespmem:s21+$0x0]  }
0x49: {  	[tilespmem:s20+$0xFFFFF550 ss:$0x9] =	vst.msk $0xffff, v1;
	v1 =	vld [tilespmem:s21+$0x10]  }
0x4a: {  	[tilespmem:s20+$0xFFFFF670 ss:$0x9] =	vst.msk $0xffff, v3;
	v3 =	vld [tilespmem:s21+$0x30]  }
0x4b: {  	[tilespmem:s20+$0xFFFFF700 ss:$0x9] =	vst.msk $0xffff, v4;
	v4 =	vld [tilespmem:s21+$0x40]  }
0x4c: {  	[tilespmem:s20+$0xFFFFF5E0 ss:$0x9] =	vst.msk $0xffff, v2;
	v2 =	vld [tilespmem:s21+$0x20]  }
0x4d: {  	[tilespmem:s20+$0xFFFFF790 ss:$0x9] =	vst.msk $0xffff, v0;
	v0 =	vld [tilespmem:s21+$0x50]  }
0x4e: {  	[tilespmem:s20+$0xFFFFF820 ss:$0x9] =	vst.msk $0xffff, v1;
	v1 =	vld [tilespmem:s21+$0x60]  }
0x4f: {  	[tilespmem:s20+$0xFFFFF940 ss:$0x9] =	vst.msk $0xffff, v3;
	v3 =	vld [tilespmem:s21+$0x400]  }
0x50: {  	[tilespmem:s20+$0xFFFFF9D0 ss:$0x9] =	vst.msk $0xffff, v4;
	v4 =	vld [tilespmem:s21+$0x410]  }
0x51: {  	[tilespmem:s20+$0xFFFFF8B0 ss:$0x9] =	vst.msk $0xffff, v2;
	v2 =	vld [tilespmem:s21+$0x70]  }
0x52: {  	[tilespmem:s20+$0xFFFFFA60 ss:$0x9] =	vst.msk $0xffff, v0;
	v0 =	vld [tilespmem:s21+$0x430]  }
0x53: {  	[tilespmem:s20+$0xFFFFFAF0 ss:$0x9] =	vst.msk $0xffff, v1;
	v1 =	vld [tilespmem:s21+$0x440]  }
0x54: {  	[tilespmem:s20+$0xFFFFFC10 ss:$0x9] =	vst.msk $0xffff, v3;
	v3 =	vld [tilespmem:s21+$0x450]  }
0x55: {  	[tilespmem:s20+$0xFFFFFCA0 ss:$0x9] =	vst.msk $0xffff, v4;
	v4 =	vld [tilespmem:s21+$0x460]  }
0x56: {  	s24 =	simm.s32 $0x0;
	s25 =	sadd.s32 $0x1000, s21;
	s23 =	smov.u32 s20;
	[tilespmem:s20+$0xFFFFFB80 ss:$0x9] =	vst.msk $0xffff, v2;
	v2 =	vld [tilespmem:s21+$0xFFFFF800]  }
.LBB1_4:
0x57: {  	v5 =	vld [tilespmem:s25+$0x470];
	s24 =	sadd.s32 $0x200, s24;
	[tilespmem:s23+$0xFFFFFDC0 ss:$0x9] =	vst.msk $0xffff, v0  }
0x58: {  	v0 =	vld [tilespmem:s25+$0xFFFFF810];
	p1 =	slt.u32 s24, $0x600;
	[tilespmem:s23+$0xFFFFFE50 ss:$0x9] =	vst.msk $0xffff, v1  }
0x59: {  	v1 =	vld [tilespmem:s25+$0xFFFFF820];
	[tilespmem:s23+$0xFFFFFEE0 ss:$0x9] =	vst.msk $0xffff, v3  }
0x5a: {  	v3 =	vld [tilespmem:s25+$0xFFFFF830];
	[tilespmem:s23+$0xFFFFFF70 ss:$0x9] =	vst.msk $0xffff, v4  }
0x5b: {  	v4 =	vld [tilespmem:s25+$0xFFFFF840];
	[tilespmem:s23+$0xFFFFEE90 ss:$0x9] =	vst.msk $0xffff, v2;
	s23 =	sadd.s32 $0x1200, s23  }
0x5c: {  	v2 =	vld [tilespmem:s25+$0xFFFFF850];
	[tilespmem:s23+$0x0 ss:$0x9] =	vst.msk $0xffff, v5  }
0x5d: {  	[tilespmem:s23+$0xFFFFEF20 ss:$0x9] =	vst.msk $0xffff, v0;
	v0 =	vld [tilespmem:s25+$0xFFFFF860]  }
0x5e: {  	[tilespmem:s23+$0xFFFFEFB0 ss:$0x9] =	vst.msk $0xffff, v1;
	v1 =	vld [tilespmem:s25+$0xFFFFF870]  }
0x5f: {  	[tilespmem:s23+$0xFFFFF040 ss:$0x9] =	vst.msk $0xffff, v3;
	v3 =	vld [tilespmem:s25+$0xFFFFFC00]  }
0x60: {  	[tilespmem:s23+$0xFFFFF0D0 ss:$0x9] =	vst.msk $0xffff, v4;
	v4 =	vld [tilespmem:s25+$0xFFFFFC10]  }
0x61: {  	[tilespmem:s23+$0xFFFFF160 ss:$0x9] =	vst.msk $0xffff, v2;
	v2 =	vld [tilespmem:s25+$0xFFFFFC20]  }
0x62: {  	[tilespmem:s23+$0xFFFFF1F0 ss:$0x9] =	vst.msk $0xffff, v0;
	v0 =	vld [tilespmem:s25+$0xFFFFFC30]  }
0x63: {  	[tilespmem:s23+$0xFFFFF280 ss:$0x9] =	vst.msk $0xffff, v1;
	v1 =	vld [tilespmem:s25+$0xFFFFFC40]  }
0x64: {  	[tilespmem:s23+$0xFFFFF310 ss:$0x9] =	vst.msk $0xffff, v3;
	v3 =	vld [tilespmem:s25+$0xFFFFFC50]  }
0x65: {  	[tilespmem:s23+$0xFFFFF3A0 ss:$0x9] =	vst.msk $0xffff, v4;
	v4 =	vld [tilespmem:s25+$0xFFFFFC60]  }
0x66: {  	[tilespmem:s23+$0xFFFFF430 ss:$0x9] =	vst.msk $0xffff, v2;
	v2 =	vld [tilespmem:s25+$0xFFFFFC70]  }
0x67: {  	[tilespmem:s23+$0xFFFFF4C0 ss:$0x9] =	vst.msk $0xffff, v0;
	v0 =	vld [tilespmem:s25+$0x0]  }
0x68: {  	[tilespmem:s23+$0xFFFFF550 ss:$0x9] =	vst.msk $0xffff, v1;
	v1 =	vld [tilespmem:s25+$0x10]  }
0x69: {  	[tilespmem:s23+$0xFFFFF5E0 ss:$0x9] =	vst.msk $0xffff, v3;
	v3 =	vld [tilespmem:s25+$0x20]  }
0x6a: {  	[tilespmem:s23+$0xFFFFF670 ss:$0x9] =	vst.msk $0xffff, v4;
	v4 =	vld [tilespmem:s25+$0x30]  }
0x6b: {  	[tilespmem:s23+$0xFFFFF700 ss:$0x9] =	vst.msk $0xffff, v2;
	v2 =	vld [tilespmem:s25+$0x40]  }
0x6c: {  	[tilespmem:s23+$0xFFFFF790 ss:$0x9] =	vst.msk $0xffff, v0;
	v0 =	vld [tilespmem:s25+$0x50]  }
0x6d: {  	[tilespmem:s23+$0xFFFFF820 ss:$0x9] =	vst.msk $0xffff, v1;
	v1 =	vld [tilespmem:s25+$0x60]  }
0x6e: {  	[tilespmem:s23+$0xFFFFF8B0 ss:$0x9] =	vst.msk $0xffff, v3;
	v3 =	vld [tilespmem:s25+$0x70]  }
0x6f: {  	[tilespmem:s23+$0xFFFFF940 ss:$0x9] =	vst.msk $0xffff, v4;
	v4 =	vld [tilespmem:s25+$0x400]  }
0x70: {  	[tilespmem:s23+$0xFFFFF9D0 ss:$0x9] =	vst.msk $0xffff, v2;
	v2 =	vld [tilespmem:s25+$0x410]  }
0x71: {  	[tilespmem:s23+$0xFFFFFA60 ss:$0x9] =	vst.msk $0xffff, v0;
	v5 =	vld [tilespmem:s25+$0x420]  }
.Ltmp3:
0x72: {  	[tilespmem:s23+$0xFFFFFAF0 ss:$0x9] =	vst.msk $0xffff, v1;
	v0 =	vld [tilespmem:s25+$0x430];
	(pc) =	sbr.rel @p1 .LBB1_4-.Ltmp3, $4  }
0x73: {  	[tilespmem:s23+$0xFFFFFB80 ss:$0x9] =	vst.msk $0xffff, v3;
	v1 =	vld [tilespmem:s25+$0x440]  }
0x74: {  	[tilespmem:s23+$0xFFFFFC10 ss:$0x9] =	vst.msk $0xffff, v4;
	v3 =	vld [tilespmem:s25+$0x450]  }
0x75: {  	[tilespmem:s23+$0xFFFFFCA0 ss:$0x9] =	vst.msk $0xffff, v2;
	v4 =	vld [tilespmem:s25+$0x460]  }
0x76: {  	v2 =	vld [tilespmem:s25+$0xFFFFF800];
	[tilespmem:s23+$0xFFFFFD30 ss:$0x9] =	vst.msk $0xffff, v5;
	s25 =	sadd.s32 $0x1000, s25  }
0x77: {  	s22 =	sadd.s32 $0x1, s22  }
0x78: {  	p1 =	sne.s32 s22, $0x8  }
.Ltmp4:
0x79: {  	[tilespmem:s23+$0xFFFFFDC0 ss:$0x9] =	vst.msk $0xffff, v0;
	(pc) =	sbr.rel @p1 .LBB1_3-.Ltmp4, $4  }
0x7a: {  	[tilespmem:s23+$0xFFFFFE50 ss:$0x9] =	vst.msk $0xffff, v1  }
0x7b: {  	[tilespmem:s23+$0xFFFFFEE0 ss:$0x9] =	vst.msk $0xffff, v3  }
0x7c: {  	[tilespmem:s23+$0xFFFFFF70 ss:$0x9] =	vst.msk $0xffff, v4  }
0x7d: {  	s20 =	sadd.s32 $0x1, s20;
	s21 =	sadd.s32 $0x80, s21;
	[tilespmem:s23+$0xFFFFEE90 ss:$0x9] =	vst.msk $0xffff, v2  }
0x7e: {  	s18 =	sshll.u32 s18, $0x7;
	s20 =	sshll.u32 s15, $0x3  }
0x7f: {  	s21 =	sand.u32 $0xFFFFFC00, s18;
	s20 =	sand.u32 $0xFFFFFC00, s20  }
0x80: {  	s18 =	sand.u32 $0x380, s18;
	s20 =	sadd.s32 s20, s21  }
0x81: {  	s18 =	sor.u32 s18, s20  }
0x82: {  	s18 =	sshrl.u32 s18, $0x7  }
0x83: {  	s28 =	smulhi.u32 $0xE38E39, s18  }
0x84: {  	s17 =	smul.u32 $0x1B00000, s17  }
0x85: {  	s16 =	smul.u32 $0x240000, s16;
	s20 =	sshrl.u32 s28, $0x9  }
0x86: {  	s29 =	sshrl.u32 s15, $0x3;
	s20 =	smul.u32 $0x24000, s20  }
.Ltmp5:
0x87: {  	s30 =	sand.u32 $0x7, s15;
	s17 =	sadd.s32 s7, s17;
	(pc) =	sbr.rel .LBB1_7-.Ltmp5, $4  }
0x88: {  	s16 =	sadd.s32 s16, s17;
	s18 =	ssub.s32 s18, s20;
	s20 =	sand.u32 $0xF, s29  }
0x89: {  	s15 =	sshll.u32 s30, $0x12;
	s31 =	sshll.u32 s18, $0x4;
	s16 =	sadd.s32 s20, s16  }
0x8a: {  	s15 =	sor.u32 $0x8, s15;
	s16 =	sadd.s32 s31, s16  }
0x8b: {  	[hbm4b:s16+s15] =	stream.strided.scatter [tilespmem:s19], [sflag:$0x2], $0x4000, s9, s15, $0x0;
	[tilespmem:$0x11000] =	vst v63  }
.LBB1_8:
0x8c: {  	_ =	sfence.sel $0x180000  }
0x8d: {  	s1 =	simm.s32 $0x1;
	[bflag:$0x0] =	sbarrier.arrive $0xFFFF  }
0x8e: {  	s31 =	simm.s32 $0x2;
	[sflag:s1] =	ssyncpa.u1 $0x1  }
0x8f: {  	[sflag:s31] =	ssyncpa.u1 $0x1  }
0x90: {  	p0 =	sne.s32 s0, $0x0;
	_ =	strace $0x9000004A  }
0x91: {  	s0 =	sadd.s32 @!p0 $0x100000, s3;
	[bflag:$0x2] =	sbarrier.arrive $0xFFFF  }
0x92: {  	[sflag:s0] =	ssyncadd.tile.s32 @!p0 $0x1;
	_ =	shalt  }
.Lfunc_end1:
_tile_overlayer_lowered:
.L_overlay_start_2:
0x93: {  	(tag) =	ssettag $0x2  }
0x94: {  	s0 =	rddreg [dreg:$0x0];
	s2 =	stileid.u32  }
0x95: {  	s1 =	rddreg [dreg:$0x1];
	p0 =	sne.s32 s2, $0x0  }
0x96: {  	s3 =	rddreg [dreg:$0x2];
	[bflag:$0x3] =	sbarrier.arrive $0xFFFF;
	s2 =	simm.s32 @!p0 $0x1C01  }
0x97: {  	[timem:s3], [sflag:s2] =	dma.local @!p0 [hbm:s0], s1  }
0x98: {  	s0 =	simm.s32 @!p0 $0x1  }
0x99: {  	_ =	swait.ge @!p0 [sflag:s0], s1  }
0x9a: {  	s1 =	ssub.s32 @!p0 $0x0, s1;
	[sflag:s0] =	ssyncset.done @!p0 $0x0  }
0x9b: {  	[sflag:s0] =	ssyncadd.s32 @!p0 s1  }
0x9c: {  	[bflag:$0x3] =	sbarrier.arrive $0xFFFF  }
0x9d: {  	_ =	shalt  }

// kernel: sparse-core-data-format-call.3.cloned.1.call-start
scs
called_computation.3_lowered:
.L_overlay_start_0:
0x0: {  	s2 =	sld [smem:$0x3FD9]  }
0x1: {  	s3 =	sld [smem:$0x3FFE];
	_ =	sdelay $0x1  }
0x2: {  	s1 =	srdreg.scid  }
0x3: {  	s0 =	sand.u32 $0x1, s1  }
0x4: {  	s18 =	sshll.u32 s0, $0xA;
	s2 =	sadd.s32 s3, s2  }
0x5: {  	s2 =	sadd.s32 s2, s18  }
0x6: {  	[smem:$0x3FC5] =	sst s2  }
0x7: {  	_ = 	snop  }
0x8: {  	s2 =	sld [smem:$0x3FD0];
	(tm) =	ssettm $0x1  }
0x9: {  	s19 =	sld [smem:$0x3FFB];
	_ =	sdelay $0x3  }
0xa: {  	_ =	strace s19  }
0xb: {  	s3 =	sld [smem:$0x3FFC];
	_ =	sdelay $0x3  }
0xc: {  	_ =	strace s3  }
0xd: {  	s3 =	sld [smem:$0x3FFD];
	_ =	sdelay $0x3  }
0xe: {  	_ =	strace s3  }
0xf: {  	_ =	strace $0x8FFFFFFF  }
0x10: {  	s20 =	sld [smem:$0x3FDB];
	_ =	sdelay $0x1  }
0x11: {  	s4 =	simm.s32 $_scs_section_size  }
0x12: {  	s5 =	simm.s32 $_size__tile_overlayer_lowered;
	s6 =	simm.s32 $_tile_overlayer_lowered  }
0x13: {  	s23 =	simm.s32 $0x1BFF;
	s22 =	sshll.u32 s6, $0x1;
	s3 =	sadd.s32 s4, s20  }
0x14: {  	s7 =	simm.s32 $0x0;
	s21 =	sshll.u32 s5, $0x1;
	s5 =	sadd.s32 s22, s3  }
0x15: {  	[timem:s7], [sflag:s23] =	dma.local [hbm:s5], s21  }
0x16: {  	_ =	swait.ge [sflag:s23], s21  }
0x17: {  	s4 =	ssub.s32 $0x0, s21;
	[sflag:s23] =	ssyncset.done $0x0  }
0x18: {  	[sflag:s23] =	ssyncadd.s32 s4;
	_ =	sdelay $0x1  }
0x19: {  	s24 =	simm.s32 $0x1B8B  }
0x1a: {  	_ =	swait.ge [sflag:s24], $0x1  }
0x1b: {  	[sflag:s24] =	ssyncset.done $0x0  }
0x1c: {  	s26 =	simm.s32 $0x1B8E;
	s25 =	sld [smem:$0x3FFE];
	[sflag:s24] =	ssyncadd.s32 $0xFFFFFFFF  }
0x1d: {  	s27 =	simm.s32 $execute0_lowered;
	[smem:$0x3FD2] =	sst s26  }
0x1e: {  	s5 =	sshll.u32 s27, $0x1;
	_ =	strace $0x80000046;
	[dreg:$0x1] =	wrdreg $0xFFFFFFFF  }
0x1f: {  	s28 =	simm.s32 $_size_execute0_lowered;
	s3 =	sadd.s32 s3, s5;
	[dreg:$0x0] =	wrdreg $0x0  }
0x20: {  	s5 =	sshll.u32 s28, $0x1;
	[dreg:$0x2] =	wrdreg s3  }
0x21: {  	[dreg:$0x3] =	wrdreg s5  }
0x22: {  	[dreg:$0x4] =	wrdreg $0xC0  }
0x23: {  	_ =	task [dreg:s7], $0x5FFFF  }
0x24: {  	[dreg:$0x1] =	wrdreg $0xFFFFFFFF  }
0x25: {  	[dreg:$0x0] =	wrdreg $0x60  }
0x26: {  	[dreg:$0x2] =	wrdreg s2  }
0x27: {  	[dreg:$0x3] =	wrdreg s25  }
0x28: {  	[dreg:$0x4] =	wrdreg $0xA  }
0x29: {  	_ =	task.clear_ibuf [dreg:s7], $0x5FFFF;
	_ =	strace $0x90000046  }
0x2a: {  	s29 =	simm.s32 $0xA;
	_ =	strace $0x80000048  }
0x2b: {  	_ =	swait.ge [sflag:s29], $0x1  }
0x2c: {  	[sflag:s29] =	ssyncadd.s32 $0xFFFFFFFF  }
0x2d: {  	_ =	strace $0x90000048  }
0x2e: {  	_ =	sfence  }
0x2f: {  	s30 =	sld [smem:$0x0];
	_ =	sdelay $0x2  }
0x30: {  	s31 =	sshll.u32 s1, $0xD;
	s1 =	sshrl.u32 s1, $0x2  }
0x31: {  	s3 =	sand.u32 $0x4000, s31;
	s1 =	sadd.s32 s1, s30  }
0x32: {  	s0 =	sor.u32 s3, s0;
	s1 =	sshll.u32 s1, $0x11  }
0x33: {  	s0 =	sor.u32 s1, s0  }
0x34: {  	s0 =	sadd.s32 $0x8F2B, s0  }
0x35: {  	[sflag:s0] =	ssyncadd.remote.s32 $0x1  }
0x36: {  	_ =	sfence.sel $0xFFFF  }
0x37: {  	[dreg:$0x0] =	wrdreg $0xFFFFFFFF;
	(pc) =	sbr.abs _section_cstart, $3  }
0x38: {  	[dreg:$0x1] =	wrdreg $0xFFFFFFFF  }
0x39: {  	_ =	task.clear_ibuf [dreg:s7], $0x2FFFF;
	_ =	strace $0x9FFFFFFF  }
0x3a: {  	(tm) =	ssettm $0x7FFFFFFF  }
0x3b: {  	_ =	shalt  }
tec
execute0_lowered:
.L_overlay_start_1:
0x0: {  	(tag) =	ssettag $0x1  }
0x1: {  	s0 =	srdreg.scid  }
0x2: {  	s1 =	sshll.u32 s0, $0x4  }
0x3: {  	s0 =	stileid.u32;
	s1 =	sand.u32 $0x10, s1  }
0x4: {  	s1 =	sor.u32 s0, s1  }
0x5: {  	s7 =	rddreg [dreg:$0x1];
	s1 =	sshrl.u32 s1, $0x1  }
0x6: {  	s8 =	simm.s32 $0x2;
	s18 =	simm.s32 $0x0;
	s3 =	ssub.s32 $0xC, s1  }
0x7: {  	s9 =	simm.s32 $0x80;
	s2 =	sand.u32 $0x1, s0;
	p0 =	sgt.s32 s3, $0x0  }
0x8: {  	s15 =	simm.s32 $0x0;
	s4 =	ssub.s32 $0x2, s2;
	s3 =	simm.s32 @!p0 $0x0  }
0x9: {  	s5 =	sshrl.u32 s4, $0x1;
	s6 =	sand.u32 $0x1, s4;
	s3 =	sadd.s32 $0xF, s3  }
0xa: {  	s16 =	simm.s32 $0x0;
	s5 =	sadd.s32 s6, s5;
	s3 =	sshrl.u32 s3, $0x4  }
0xb: {  	s17 =	simm.s32 $0x0;
	s10 =	simm.s32 $0x0;
	s6 =	smul.u32 s3, s5  }
.Ltmp0:
0xc: {  	s11 =	simm.s32 $0x0;
	s4 =	rddreg [dreg:$0x0];
	(pc) =	sbr.rel .LBB1_1-.Ltmp0, $4  }
0xd: {  	s14 =	simm.s32 $0x0;
	s7 =	sadd.s32 $0x2000, s7;
	s3 =	rddreg [dreg:$0x2]  }
0xe: {  	_ =	strace $0x80000047;
	s5 =	simm.s32 $0x1;
	s6 =	smul.u32 $0x48, s6  }
0xf: {  	s13 =	smov.u32 s2;
	s12 =	smov.u32 s1;
	[sflag:s5] =	ssyncpa.u1 $0x0  }
0x10: {  	p0 =	por $0x0, $0x0;
	[sflag:s8] =	ssyncpa.u1 $0x0;
	s8 =	sor.u32 $0x1, s6  }
.LBB1_7:
0x11: {  	s19 =	sadd.s32 $0x800, s10  }
0x12: {  	s15 =	sadd.s32 $0x8, s11;
	s20 =	smov.u32 s11;
	p2 =	sgt.s32 s19, $0x23FFF  }
0x13: {  	s20 =	smov.u32 @p2 s15  }
0x14: {  	s21 =	smov.u32 s12;
	s15 =	sadd.s32 $0x10, s12;
	p3 =	sgt.s32 s20, $0x7  }
0x15: {  	s21 =	smov.u32 @p3 s15  }
0x16: {  	s22 =	smov.u32 s13;
	s15 =	sadd.s32 $0x2, s13;
	p4 =	sgt.s32 s21, $0xB  }
0x17: {  	p1 =	slt.u32 s14, $0x2;
	s22 =	smov.u32 @p4 s15  }
0x18: {  	s18 =	smov.u32 s10;
	s19 =	simm.s32 @p2 $0x0;
	p2 =	sgt.s32 s22, $0x1  }
0x19: {  	s23 =	simm.s32 @!p1 $0x2;
	s22 =	smov.u32 @p2 s2;
	p2 =	sne.s32 s14, s8  }
.Ltmp1:
0x1a: {  	s16 =	smov.u32 s12;
	_ =	swait.ge @!p1 [sflag:s23], $0x4000;
	(pc) =	sbr.rel @!p2 .LBB1_8-.Ltmp1, $4  }
0x1b: {  	s17 =	smov.u32 s13;
	p0 =	por !p0, !p0;
	[sflag:s23] =	ssyncset.done @!p1 $0x0  }
0x1c: {  	s10 =	smov.u32 s19;
	s20 =	simm.s32 @p3 $0x0;
	[sflag:s23] =	ssyncadd.s32 @!p1 $0xFFFFC000  }
0x1d: {  	s21 =	smov.u32 @p4 s1;
	s15 =	smov.u32 s11;
	s11 =	smov.u32 s20  }
0x1e: {  	s12 =	smov.u32 s21;
	s14 =	sadd.s32 $0x1, s14;
	s13 =	smov.u32 s22  }
.LBB1_1:
0x1f: {  	p1 =	sge.u32 s14, s6  }
0x20: {  	s19 =	sshrl.u32 @!p1 s11, $0x3  }
0x21: {  	s20 =	sshll.u32 @!p1 s10, $0x3;
	s21 =	sshll.u32 @!p1 s11, $0x7;
	s19 =	smul.u32 @!p1 $0x120000, s19  }
0x22: {  	s22 =	sand.u32 @!p1 $0x7F, s10;
	s20 =	sand.u32 @!p1 $0xFFFFFC00, s20;
	s21 =	sand.u32 @!p1 $0x380, s21  }
0x23: {  	s19 =	sadd.s32 @!p1 s19, s20;
	s20 =	sor.u32 @!p1 s22, s21  }
0x24: {  	s20 =	sor.u32 @!p1 s19, s20;
	s19 =	smulhi.u32 @!p1 $0x38E38E39, s19  }
0x25: {  	s21 =	smulhi.u32 @!p1 $0x38E38E39, s20  }
0x26: {  	s23 =	smul.u32 @!p1 $0x24000, s12  }
0x27: {  	s22 =	smul.u32 @!p1 $0x1B0000, s13;
	s19 =	sshrl.u32 @!p1 s19, $0xF;
	s21 =	sshrl.u32 @!p1 s21, $0xF  }
0x28: {  	s19 =	sand.u32 @!p1 $0x7, s19;
	s21 =	smul.u32 @!p1 $0x24000, s21  }
0x29: {  	s31 =	sadd.s32 $0xFFFFFFFF, s14;
	s22 =	sadd.s32 @!p1 s4, s22;
	s19 =	smul.u32 @!p1 $0x4800, s19  }
0x2a: {  	s24 =	sxor.u32 @!p1 $0xFFFFFFFF, s14;
	s20 =	ssub.s32 @!p1 s20, s21;
	s21 =	sadd.s32 @!p1 s23, s22  }
0x2b: {  	s22 =	sshll.u32 @!p1 s24, $0xE;
	s23 =	sshrl.u32 @!p1 s20, $0x3;
	s19 =	sadd.s32 @!p1 s19, s21  }
0x2c: {  	s21 =	sand.u32 @!p1 $0x4000, s22;
	s20 =	sand.u32 @!p1 $0x7, s20;
	s19 =	sadd.s32 @!p1 s23, s19  }
0x2d: {  	[tilespmem:s21], [sflag:$0x1] =	stream.linear.gather @!p1 [hbm4b:s19+s20], $0x4000, $0x38;
	[tilespmem:$0x11000] =	vst v63  }
0x2e: {  	p1 =	sge.u32 s31, s6  }
.Ltmp2:
0x2f: {  	_ = 	snop;
	(pc) =	sbr.rel @p1 .LBB1_7-.Ltmp2, $1  }
0x30: {  	_ =	sdelay $0x3  }
0x31: {  	s19 =	simm.s32 $0x1;
	s21 =	sand.u32 $0x1, s14  }
0x32: {  	_ =	swait.ge [sflag:s5], $0x4000;
	s19 =	simm.s32 @!p0 $0x0;
	s22 =	smul.u32 $0x12000, s21  }
0x33: {  	[sflag:s5] =	ssyncset.done $0x0;
	s20 =	smul.u32 $0x12000, s19  }
0x34: {  	s19 =	sshll.u32 s19, $0xE;
	[sflag:s5] =	ssyncadd.s32 $0xFFFFC000  }
0x35: {  	s21 =	sor.u32 $0x800, s19;
	s31 =	sshrl.u32 s22, $0x2;
	s20 =	sshrl.u32 s20, $0x2  }
0x36: {  	s22 =	simm.s32 $0x0;
	s19 =	sor.u32 $0x8000, s31;
	s20 =	sadd.s32 $0x9170, s20  }
.LBB1_3:
0x37: {  	v0 =	vld [tilespmem:s21+$0x470]  }
0x38: {  	v1 =	vld [tilespmem:s21+$0xFFFFF810]  }
0x39: {  	v2 =	vld [tilespmem:s21+$0xFFFFF820]  }
0x3a: {  	v3 =	vld [tilespmem:s21+$0xFFFFF830]  }
0x3b: {  	v4 =	vld [tilespmem:s21+$0xFFFFF840]  }
0x3c: {  	v5 =	vld [tilespmem:s21+$0xFFFFF850];
	[tilespmem:s20+$0x0 ss:$0x9] =	vst.msk $0xffff, v0  }
0x3d: {  	[tilespmem:s20+$0xFFFFEF20 ss:$0x9] =	vst.msk $0xffff, v1;
	v0 =	vld [tilespmem:s21+$0xFFFFF860]  }
0x3e: {  	[tilespmem:s20+$0xFFFFEFB0 ss:$0x9] =	vst.msk $0xffff, v2;
	v1 =	vld [tilespmem:s21+$0xFFFFF870]  }
0x3f: {  	[tilespmem:s20+$0xFFFFF040 ss:$0x9] =	vst.msk $0xffff, v3;
	v2 =	vld [tilespmem:s21+$0xFFFFFC00]  }
0x40: {  	[tilespmem:s20+$0xFFFFF0D0 ss:$0x9] =	vst.msk $0xffff, v4;
	v3 =	vld [tilespmem:s21+$0xFFFFFC10]  }
0x41: {  	[tilespmem:s20+$0xFFFFF160 ss:$0x9] =	vst.msk $0xffff, v5;
	v4 =	vld [tilespmem:s21+$0xFFFFFC20]  }
0x42: {  	v5 =	vld [tilespmem:s21+$0x420];
	[tilespmem:s20+$0xFFFFF1F0 ss:$0x9] =	vst.msk $0xffff, v0  }
0x43: {  	v0 =	vld [tilespmem:s21+$0xFFFFFC30];
	[tilespmem:s20+$0xFFFFF280 ss:$0x9] =	vst.msk $0xffff, v1  }
0x44: {  	v1 =	vld [tilespmem:s21+$0xFFFFFC40];
	[tilespmem:s20+$0xFFFFF310 ss:$0x9] =	vst.msk $0xffff, v2  }
0x45: {  	[tilespmem:s20+$0xFFFFF3A0 ss:$0x9] =	vst.msk $0xffff, v3;
	v3 =	vld [tilespmem:s21+$0xFFFFFC60]  }
0x46: {  	[tilespmem:s20+$0xFFFFF430 ss:$0x9] =	vst.msk $0xffff, v4;
	v4 =	vld [tilespmem:s21+$0xFFFFFC70]  }
0x47: {  	v2 =	vld [tilespmem:s21+$0xFFFFFC50];
	[tilespmem:s20+$0xFFFFFD30 ss:$0x9] =	vst.msk $0xffff, v5  }
0x48: {  	[tilespmem:s20+$0xFFFFF4C0 ss:$0x9] =	vst.msk $0xffff, v0;
	v0 =	vld [tilespmem:s21+$0x0]  }
0x49: {  	[tilespmem:s20+$0xFFFFF550 ss:$0x9] =	vst.msk $0xffff, v1;
	v1 =	vld [tilespmem:s21+$0x10]  }
0x4a: {  	[tilespmem:s20+$0xFFFFF670 ss:$0x9] =	vst.msk $0xffff, v3;
	v3 =	vld [tilespmem:s21+$0x30]  }
0x4b: {  	[tilespmem:s20+$0xFFFFF700 ss:$0x9] =	vst.msk $0xffff, v4;
	v4 =	vld [tilespmem:s21+$0x40]  }
0x4c: {  	[tilespmem:s20+$0xFFFFF5E0 ss:$0x9] =	vst.msk $0xffff, v2;
	v2 =	vld [tilespmem:s21+$0x20]  }
0x4d: {  	[tilespmem:s20+$0xFFFFF790 ss:$0x9] =	vst.msk $0xffff, v0;
	v0 =	vld [tilespmem:s21+$0x50]  }
0x4e: {  	[tilespmem:s20+$0xFFFFF820 ss:$0x9] =	vst.msk $0xffff, v1;
	v1 =	vld [tilespmem:s21+$0x60]  }
0x4f: {  	[tilespmem:s20+$0xFFFFF940 ss:$0x9] =	vst.msk $0xffff, v3;
	v3 =	vld [tilespmem:s21+$0x400]  }
0x50: {  	[tilespmem:s20+$0xFFFFF9D0 ss:$0x9] =	vst.msk $0xffff, v4;
	v4 =	vld [tilespmem:s21+$0x410]  }
0x51: {  	[tilespmem:s20+$0xFFFFF8B0 ss:$0x9] =	vst.msk $0xffff, v2;
	v2 =	vld [tilespmem:s21+$0x70]  }
0x52: {  	[tilespmem:s20+$0xFFFFFA60 ss:$0x9] =	vst.msk $0xffff, v0;
	v0 =	vld [tilespmem:s21+$0x430]  }
0x53: {  	[tilespmem:s20+$0xFFFFFAF0 ss:$0x9] =	vst.msk $0xffff, v1;
	v1 =	vld [tilespmem:s21+$0x440]  }
0x54: {  	[tilespmem:s20+$0xFFFFFC10 ss:$0x9] =	vst.msk $0xffff, v3;
	v3 =	vld [tilespmem:s21+$0x450]  }
0x55: {  	[tilespmem:s20+$0xFFFFFCA0 ss:$0x9] =	vst.msk $0xffff, v4;
	v4 =	vld [tilespmem:s21+$0x460]  }
0x56: {  	s24 =	simm.s32 $0x0;
	s25 =	sadd.s32 $0x1000, s21;
	s23 =	smov.u32 s20;
	[tilespmem:s20+$0xFFFFFB80 ss:$0x9] =	vst.msk $0xffff, v2;
	v2 =	vld [tilespmem:s21+$0xFFFFF800]  }
.LBB1_4:
0x57: {  	v5 =	vld [tilespmem:s25+$0x470];
	s24 =	sadd.s32 $0x200, s24;
	[tilespmem:s23+$0xFFFFFDC0 ss:$0x9] =	vst.msk $0xffff, v0  }
0x58: {  	v0 =	vld [tilespmem:s25+$0xFFFFF810];
	p1 =	slt.u32 s24, $0x600;
	[tilespmem:s23+$0xFFFFFE50 ss:$0x9] =	vst.msk $0xffff, v1  }
0x59: {  	v1 =	vld [tilespmem:s25+$0xFFFFF820];
	[tilespmem:s23+$0xFFFFFEE0 ss:$0x9] =	vst.msk $0xffff, v3  }
0x5a: {  	v3 =	vld [tilespmem:s25+$0xFFFFF830];
	[tilespmem:s23+$0xFFFFFF70 ss:$0x9] =	vst.msk $0xffff, v4  }
0x5b: {  	v4 =	vld [tilespmem:s25+$0xFFFFF840];
	[tilespmem:s23+$0xFFFFEE90 ss:$0x9] =	vst.msk $0xffff, v2;
	s23 =	sadd.s32 $0x1200, s23  }
0x5c: {  	v2 =	vld [tilespmem:s25+$0xFFFFF850];
	[tilespmem:s23+$0x0 ss:$0x9] =	vst.msk $0xffff, v5  }
0x5d: {  	[tilespmem:s23+$0xFFFFEF20 ss:$0x9] =	vst.msk $0xffff, v0;
	v0 =	vld [tilespmem:s25+$0xFFFFF860]  }
0x5e: {  	[tilespmem:s23+$0xFFFFEFB0 ss:$0x9] =	vst.msk $0xffff, v1;
	v1 =	vld [tilespmem:s25+$0xFFFFF870]  }
0x5f: {  	[tilespmem:s23+$0xFFFFF040 ss:$0x9] =	vst.msk $0xffff, v3;
	v3 =	vld [tilespmem:s25+$0xFFFFFC00]  }
0x60: {  	[tilespmem:s23+$0xFFFFF0D0 ss:$0x9] =	vst.msk $0xffff, v4;
	v4 =	vld [tilespmem:s25+$0xFFFFFC10]  }
0x61: {  	[tilespmem:s23+$0xFFFFF160 ss:$0x9] =	vst.msk $0xffff, v2;
	v2 =	vld [tilespmem:s25+$0xFFFFFC20]  }
0x62: {  	[tilespmem:s23+$0xFFFFF1F0 ss:$0x9] =	vst.msk $0xffff, v0;
	v0 =	vld [tilespmem:s25+$0xFFFFFC30]  }
0x63: {  	[tilespmem:s23+$0xFFFFF280 ss:$0x9] =	vst.msk $0xffff, v1;
	v1 =	vld [tilespmem:s25+$0xFFFFFC40]  }
0x64: {  	[tilespmem:s23+$0xFFFFF310 ss:$0x9] =	vst.msk $0xffff, v3;
	v3 =	vld [tilespmem:s25+$0xFFFFFC50]  }
0x65: {  	[tilespmem:s23+$0xFFFFF3A0 ss:$0x9] =	vst.msk $0xffff, v4;
	v4 =	vld [tilespmem:s25+$0xFFFFFC60]  }
0x66: {  	[tilespmem:s23+$0xFFFFF430 ss:$0x9] =	vst.msk $0xffff, v2;
	v2 =	vld [tilespmem:s25+$0xFFFFFC70]  }
0x67: {  	[tilespmem:s23+$0xFFFFF4C0 ss:$0x9] =	vst.msk $0xffff, v0;
	v0 =	vld [tilespmem:s25+$0x0]  }
0x68: {  	[tilespmem:s23+$0xFFFFF550 ss:$0x9] =	vst.msk $0xffff, v1;
	v1 =	vld [tilespmem:s25+$0x10]  }
0x69: {  	[tilespmem:s23+$0xFFFFF5E0 ss:$0x9] =	vst.msk $0xffff, v3;
	v3 =	vld [tilespmem:s25+$0x20]  }
0x6a: {  	[tilespmem:s23+$0xFFFFF670 ss:$0x9] =	vst.msk $0xffff, v4;
	v4 =	vld [tilespmem:s25+$0x30]  }
0x6b: {  	[tilespmem:s23+$0xFFFFF700 ss:$0x9] =	vst.msk $0xffff, v2;
	v2 =	vld [tilespmem:s25+$0x40]  }
0x6c: {  	[tilespmem:s23+$0xFFFFF790 ss:$0x9] =	vst.msk $0xffff, v0;
	v0 =	vld [tilespmem:s25+$0x50]  }
0x6d: {  	[tilespmem:s23+$0xFFFFF820 ss:$0x9] =	vst.msk $0xffff, v1;
	v1 =	vld [tilespmem:s25+$0x60]  }
0x6e: {  	[tilespmem:s23+$0xFFFFF8B0 ss:$0x9] =	vst.msk $0xffff, v3;
	v3 =	vld [tilespmem:s25+$0x70]  }
0x6f: {  	[tilespmem:s23+$0xFFFFF940 ss:$0x9] =	vst.msk $0xffff, v4;
	v4 =	vld [tilespmem:s25+$0x400]  }
0x70: {  	[tilespmem:s23+$0xFFFFF9D0 ss:$0x9] =	vst.msk $0xffff, v2;
	v2 =	vld [tilespmem:s25+$0x410]  }
0x71: {  	[tilespmem:s23+$0xFFFFFA60 ss:$0x9] =	vst.msk $0xffff, v0;
	v5 =	vld [tilespmem:s25+$0x420]  }
.Ltmp3:
0x72: {  	[tilespmem:s23+$0xFFFFFAF0 ss:$0x9] =	vst.msk $0xffff, v1;
	v0 =	vld [tilespmem:s25+$0x430];
	(pc) =	sbr.rel @p1 .LBB1_4-.Ltmp3, $4  }
0x73: {  	[tilespmem:s23+$0xFFFFFB80 ss:$0x9] =	vst.msk $0xffff, v3;
	v1 =	vld [tilespmem:s25+$0x440]  }
0x74: {  	[tilespmem:s23+$0xFFFFFC10 ss:$0x9] =	vst.msk $0xffff, v4;
	v3 =	vld [tilespmem:s25+$0x450]  }
0x75: {  	[tilespmem:s23+$0xFFFFFCA0 ss:$0x9] =	vst.msk $0xffff, v2;
	v4 =	vld [tilespmem:s25+$0x460]  }
0x76: {  	v2 =	vld [tilespmem:s25+$0xFFFFF800];
	[tilespmem:s23+$0xFFFFFD30 ss:$0x9] =	vst.msk $0xffff, v5;
	s25 =	sadd.s32 $0x1000, s25  }
0x77: {  	s22 =	sadd.s32 $0x1, s22  }
0x78: {  	p1 =	sne.s32 s22, $0x8  }
.Ltmp4:
0x79: {  	[tilespmem:s23+$0xFFFFFDC0 ss:$0x9] =	vst.msk $0xffff, v0;
	(pc) =	sbr.rel @p1 .LBB1_3-.Ltmp4, $4  }
0x7a: {  	[tilespmem:s23+$0xFFFFFE50 ss:$0x9] =	vst.msk $0xffff, v1  }
0x7b: {  	[tilespmem:s23+$0xFFFFFEE0 ss:$0x9] =	vst.msk $0xffff, v3  }
0x7c: {  	[tilespmem:s23+$0xFFFFFF70 ss:$0x9] =	vst.msk $0xffff, v4  }
0x7d: {  	s20 =	sadd.s32 $0x1, s20;
	s21 =	sadd.s32 $0x80, s21;
	[tilespmem:s23+$0xFFFFEE90 ss:$0x9] =	vst.msk $0xffff, v2  }
0x7e: {  	s18 =	sshll.u32 s18, $0x7;
	s20 =	sshll.u32 s15, $0x3  }
0x7f: {  	s21 =	sand.u32 $0xFFFFFC00, s18;
	s20 =	sand.u32 $0xFFFFFC00, s20  }
0x80: {  	s18 =	sand.u32 $0x380, s18;
	s20 =	sadd.s32 s20, s21  }
0x81: {  	s18 =	sor.u32 s18, s20  }
0x82: {  	s18 =	sshrl.u32 s18, $0x7  }
0x83: {  	s28 =	smulhi.u32 $0xE38E39, s18  }
0x84: {  	s17 =	smul.u32 $0x1B00000, s17  }
0x85: {  	s16 =	smul.u32 $0x240000, s16;
	s20 =	sshrl.u32 s28, $0x9  }
0x86: {  	s29 =	sshrl.u32 s15, $0x3;
	s20 =	smul.u32 $0x24000, s20  }
.Ltmp5:
0x87: {  	s30 =	sand.u32 $0x7, s15;
	s17 =	sadd.s32 s7, s17;
	(pc) =	sbr.rel .LBB1_7-.Ltmp5, $4  }
0x88: {  	s16 =	sadd.s32 s16, s17;
	s18 =	ssub.s32 s18, s20;
	s20 =	sand.u32 $0xF, s29  }
0x89: {  	s15 =	sshll.u32 s30, $0x12;
	s31 =	sshll.u32 s18, $0x4;
	s16 =	sadd.s32 s20, s16  }
0x8a: {  	s15 =	sor.u32 $0x8, s15;
	s16 =	sadd.s32 s31, s16  }
0x8b: {  	[hbm4b:s16+s15] =	stream.strided.scatter [tilespmem:s19], [sflag:$0x2], $0x4000, s9, s15, $0x0;
	[tilespmem:$0x11000] =	vst v63  }
.LBB1_8:
0x8c: {  	_ =	sfence.sel $0x180000  }
0x8d: {  	s1 =	simm.s32 $0x1;
	[bflag:$0x0] =	sbarrier.arrive $0xFFFF  }
0x8e: {  	s31 =	simm.s32 $0x2;
	[sflag:s1] =	ssyncpa.u1 $0x1  }
0x8f: {  	[sflag:s31] =	ssyncpa.u1 $0x1  }
0x90: {  	p0 =	sne.s32 s0, $0x0;
	_ =	strace $0x90000047  }
0x91: {  	s0 =	sadd.s32 @!p0 $0x100000, s3;
	[bflag:$0x2] =	sbarrier.arrive $0xFFFF  }
0x92: {  	[sflag:s0] =	ssyncadd.tile.s32 @!p0 $0x1;
	_ =	shalt  }
.Lfunc_end1:
_tile_overlayer_lowered:
.L_overlay_start_2:
0x93: {  	(tag) =	ssettag $0x2  }
0x94: {  	s0 =	rddreg [dreg:$0x0];
	s2 =	stileid.u32  }
0x95: {  	s1 =	rddreg [dreg:$0x1];
	p0 =	sne.s32 s2, $0x0  }
0x96: {  	s3 =	rddreg [dreg:$0x2];
	[bflag:$0x3] =	sbarrier.arrive $0xFFFF;
	s2 =	simm.s32 @!p0 $0x1C01  }
0x97: {  	[timem:s3], [sflag:s2] =	dma.local @!p0 [hbm:s0], s1  }
0x98: {  	s0 =	simm.s32 @!p0 $0x1  }
0x99: {  	_ =	swait.ge @!p0 [sflag:s0], s1  }
0x9a: {  	s1 =	ssub.s32 @!p0 $0x0, s1;
	[sflag:s0] =	ssyncset.done @!p0 $0x0  }
0x9b: {  	[sflag:s0] =	ssyncadd.s32 @!p0 s1  }
0x9c: {  	[bflag:$0x3] =	sbarrier.arrive $0xFFFF  }
0x9d: {  	_ =	shalt  }

// kernel: sparse-core-data-format-call.cloned.1.call-start
scs
called_computation_lowered:
.L_overlay_start_0:
0x0: {  	s2 =	sld [smem:$0x3FD9]  }
0x1: {  	s3 =	sld [smem:$0x3FFE];
	_ =	sdelay $0x1  }
0x2: {  	s1 =	srdreg.scid  }
0x3: {  	s0 =	sand.u32 $0x1, s1  }
0x4: {  	s18 =	sshll.u32 s0, $0xA;
	s2 =	sadd.s32 s3, s2  }
0x5: {  	s2 =	sadd.s32 s2, s18  }
0x6: {  	[smem:$0x3FC5] =	sst s2  }
0x7: {  	_ = 	snop  }
0x8: {  	s2 =	sld [smem:$0x3FD0];
	(tm) =	ssettm $0x1  }
0x9: {  	s19 =	sld [smem:$0x3FFB];
	_ =	sdelay $0x3  }
0xa: {  	_ =	strace s19  }
0xb: {  	s3 =	sld [smem:$0x3FFC];
	_ =	sdelay $0x3  }
0xc: {  	_ =	strace s3  }
0xd: {  	s3 =	sld [smem:$0x3FFD];
	_ =	sdelay $0x3  }
0xe: {  	_ =	strace s3  }
0xf: {  	_ =	strace $0x8FFFFFFF  }
0x10: {  	s20 =	sld [smem:$0x3FDB];
	_ =	sdelay $0x1  }
0x11: {  	s4 =	simm.s32 $_scs_section_size  }
0x12: {  	s5 =	simm.s32 $_size__tile_overlayer_lowered;
	s6 =	simm.s32 $_tile_overlayer_lowered  }
0x13: {  	s23 =	simm.s32 $0x1BFF;
	s22 =	sshll.u32 s6, $0x1;
	s3 =	sadd.s32 s4, s20  }
0x14: {  	s7 =	simm.s32 $0x0;
	s21 =	sshll.u32 s5, $0x1;
	s5 =	sadd.s32 s22, s3  }
0x15: {  	[timem:s7], [sflag:s23] =	dma.local [hbm:s5], s21  }
0x16: {  	_ =	swait.ge [sflag:s23], s21  }
0x17: {  	s4 =	ssub.s32 $0x0, s21;
	[sflag:s23] =	ssyncset.done $0x0  }
0x18: {  	[sflag:s23] =	ssyncadd.s32 s4;
	_ =	sdelay $0x1  }
0x19: {  	s24 =	simm.s32 $0x1B8B  }
0x1a: {  	_ =	swait.ge [sflag:s24], $0x1  }
0x1b: {  	[sflag:s24] =	ssyncset.done $0x0  }
0x1c: {  	s26 =	simm.s32 $0x1B8E;
	s25 =	sld [smem:$0x3FFE];
	[sflag:s24] =	ssyncadd.s32 $0xFFFFFFFF  }
0x1d: {  	s27 =	simm.s32 $execute0_lowered;
	[smem:$0x3FD2] =	sst s26  }
0x1e: {  	s5 =	sshll.u32 s27, $0x1;
	_ =	strace $0x80000055;
	[dreg:$0x1] =	wrdreg $0xFFFFFFFF  }
0x1f: {  	s28 =	simm.s32 $_size_execute0_lowered;
	s3 =	sadd.s32 s3, s5;
	[dreg:$0x0] =	wrdreg $0x0  }
0x20: {  	s5 =	sshll.u32 s28, $0x1;
	[dreg:$0x2] =	wrdreg s3  }
0x21: {  	[dreg:$0x3] =	wrdreg s5  }
0x22: {  	[dreg:$0x4] =	wrdreg $0xC0  }
0x23: {  	_ =	task [dreg:s7], $0x5FFFF  }
0x24: {  	[dreg:$0x1] =	wrdreg $0xFFFFFFFF  }
0x25: {  	[dreg:$0x0] =	wrdreg $0x60  }
0x26: {  	[dreg:$0x2] =	wrdreg s25  }
0x27: {  	[dreg:$0x3] =	wrdreg s2  }
0x28: {  	[dreg:$0x4] =	wrdreg $0x9  }
0x29: {  	_ =	task.clear_ibuf [dreg:s7], $0x5FFFF;
	_ =	strace $0x90000055  }
0x2a: {  	s29 =	simm.s32 $0x9;
	_ =	strace $0x80000057  }
0x2b: {  	_ =	swait.ge [sflag:s29], $0x1  }
0x2c: {  	[sflag:s29] =	ssyncadd.s32 $0xFFFFFFFF  }
0x2d: {  	_ =	strace $0x90000057  }
0x2e: {  	_ =	sfence  }
0x2f: {  	s30 =	sld [smem:$0x0];
	_ =	sdelay $0x2  }
0x30: {  	s31 =	sshll.u32 s1, $0xD;
	s1 =	sshrl.u32 s1, $0x2  }
0x31: {  	s3 =	sand.u32 $0x4000, s31;
	s1 =	sadd.s32 s1, s30  }
0x32: {  	s0 =	sor.u32 s3, s0;
	s1 =	sshll.u32 s1, $0x11  }
0x33: {  	s0 =	sor.u32 s1, s0  }
0x34: {  	s0 =	sadd.s32 $0x8F2B, s0  }
0x35: {  	[sflag:s0] =	ssyncadd.remote.s32 $0x1  }
0x36: {  	_ =	sfence.sel $0xFFFF  }
0x37: {  	[dreg:$0x0] =	wrdreg $0xFFFFFFFF;
	(pc) =	sbr.abs _section_cstart, $3  }
0x38: {  	[dreg:$0x1] =	wrdreg $0xFFFFFFFF  }
0x39: {  	_ =	task.clear_ibuf [dreg:s7], $0x2FFFF;
	_ =	strace $0x9FFFFFFF  }
0x3a: {  	(tm) =	ssettm $0x7FFFFFFF  }
0x3b: {  	_ =	shalt  }
tec
execute0_lowered:
.L_overlay_start_1:
0x0: {  	(tag) =	ssettag $0x1  }
0x1: {  	s1 =	rddreg [dreg:$0x0]  }
0x2: {  	s2 =	rddreg [dreg:$0x1]  }
0x3: {  	s0 =	rddreg [dreg:$0x2];
	s4 =	srdreg.scid  }
0x4: {  	_ =	strace $0x80000056;
	s7 =	simm.s32 $0x2;
	s15 =	simm.s32 $0x0  }
0x5: {  	p0 =	por $0x0, $0x0;
	s13 =	simm.s32 $0x0;
	s16 =	simm.s32 $0x0  }
0x6: {  	s14 =	simm.s32 $0x0;
	s9 =	simm.s32 $0x0;
	s11 =	simm.s32 $0x0  }
.Ltmp0:
0x7: {  	s3 =	sadd.s32 $0x2000, s1;
	s4 =	sshll.u32 s4, $0x4;
	(pc) =	sbr.rel .LBB1_1-.Ltmp0, $4  }
0x8: {  	s1 =	stileid.u32;
	s5 =	sand.u32 $0x10, s4;
	s4 =	simm.s32 $0x1  }
0x9: {  	s8 =	simm.s32 $0x0;
	s6 =	sor.u32 s1, s5;
	[sflag:s4] =	ssyncpa.u1 $0x0  }
0xa: {  	s5 =	sand.u32 $0x3, s1;
	s6 =	sshrl.u32 s6, $0x2;
	[sflag:s7] =	ssyncpa.u1 $0x0  }
0xb: {  	s7 =	simm.s32 $0xC00;
	s12 =	smov.u32 s5;
	s10 =	smov.u32 s6  }
.LBB1_5:
0xc: {  	s17 =	sadd.s32 $0x80, s9  }
0xd: {  	s13 =	sadd.s32 $0x8, s10;
	s18 =	smov.u32 s10;
	p2 =	sgt.s32 s17, $0x17F  }
0xe: {  	s18 =	smov.u32 @p2 s13  }
0xf: {  	s19 =	smov.u32 s11;
	s13 =	sadd.s32 $0x80, s11;
	p3 =	sgt.s32 s18, $0x7  }
0x10: {  	s19 =	smov.u32 @p3 s13  }
0x11: {  	s20 =	smov.u32 s12;
	s13 =	sadd.s32 $0x4, s12;
	p4 =	sgt.s32 s19, $0x17F  }
0x12: {  	p1 =	slt.u32 s8, $0x2;
	s20 =	smov.u32 @p4 s13  }
0x13: {  	s8 =	sadd.s32 $0x1, s8;
	s17 =	simm.s32 @p2 $0x0;
	p2 =	sgt.s32 s20, $0x17  }
0x14: {  	s15 =	smov.u32 s9;
	s20 =	smov.u32 @p2 s5;
	p2 =	sne.s32 s8, $0x38  }
.Ltmp1:
0x15: {  	s16 =	smov.u32 s11;
	s21 =	simm.s32 @!p1 $0x2;
	(pc) =	sbr.rel @!p2 .LBB1_6-.Ltmp1, $4  }
0x16: {  	s14 =	smov.u32 s12;
	p0 =	por !p0, !p0;
	_ =	swait.ge @!p1 [sflag:s21], $0x4000  }
0x17: {  	[sflag:s21] =	ssyncset.done @!p1 $0x0;
	s9 =	smov.u32 s17;
	s18 =	smov.u32 @p3 s6  }
0x18: {  	[sflag:s21] =	ssyncadd.s32 @!p1 $0xFFFFC000;
	s19 =	simm.s32 @p4 $0x0;
	s13 =	smov.u32 s10  }
0x19: {  	s10 =	smov.u32 s18;
	s11 =	smov.u32 s19;
	s12 =	smov.u32 s20  }
.LBB1_1:
0x1a: {  	p1 =	sgt.u32 s8, $0x35  }
0x1b: {  	s17 =	sshrl.u32 @!p1 s10, $0x3  }
0x1c: {  	s18 =	sshll.u32 @!p1 s9, $0x3;
	s17 =	smul.u32 @!p1 $0xC00, s17  }
0x1d: {  	s19 =	sshll.u32 @!p1 s10, $0x7;
	s18 =	sand.u32 @!p1 $0xFFFFFC00, s18  }
0x1e: {  	s17 =	sadd.s32 @!p1 s17, s18;
	s18 =	sand.u32 @!p1 $0x380, s19  }
0x1f: {  	s19 =	sand.u32 @!p1 $0x7F, s9;
	s17 =	sor.u32 @!p1 s18, s17  }
0x20: {  	s18 =	sor.u32 @!p1 s19, s17  }
0x21: {  	s19 =	smulhi.u32 @!p1 $0xAAAAAAAB, s18  }
0x22: {  	s17 =	smulhi.u32 @!p1 $0xAAAAAAAB, s17  }
0x23: {  	s21 =	smul.u32 @!p1 $0x24000, s12;
	s19 =	sshrl.u32 @!p1 s19, $0x8  }
0x24: {  	s20 =	sxor.u32 @!p1 $0xFFFFFFFF, s8;
	s17 =	sshrl.u32 @!p1 s17, $0x8;
	s19 =	smul.u32 @!p1 $0x180, s19  }
0x25: {  	s22 =	smul.u32 @!p1 $0x180, s11;
	s20 =	sshll.u32 @!p1 s20, $0xE;
	s17 =	sand.u32 @!p1 $0x7, s17  }
0x26: {  	s17 =	smul.u32 @!p1 $0x30, s17;
	s18 =	ssub.s32 @!p1 s18, s19;
	s19 =	sadd.s32 @!p1 s3, s21  }
0x27: {  	s20 =	sand.u32 @!p1 $0x4000, s20;
	s19 =	sadd.s32 @!p1 s22, s19;
	s21 =	sand.u32 @!p1 $0x7, s18  }
0x28: {  	s18 =	sshrl.u32 @!p1 s18, $0x3;
	s17 =	sadd.s32 @!p1 s17, s19;
	s19 =	sshll.u32 @!p1 s21, $0x12  }
0x29: {  	s17 =	sadd.s32 @!p1 s18, s17;
	s18 =	sor.u32 @!p1 $0x80, s19;
	s19 =	simm.s32 @!p1 $0xC00  }
0x2a: {  	[tilespmem:s20], [sflag:$0x1] =	stream.strided.gather @!p1 [hbm4b:s17+s18], $0x4000, s19, s18, $0x38;
	[tilespmem:$0x10000] =	vst v63  }
0x2b: {  	p1 =	seq.s32 s8, $0x0  }
0x2c: {  	p2 =	seq.s32 @!p1 s8, $0x37  }
0x2d: {  	p1 =	por p1, p2  }
.Ltmp2:
0x2e: {  	_ = 	snop;
	(pc) =	sbr.rel @p1 .LBB1_5-.Ltmp2, $1  }
0x2f: {  	_ =	sdelay $0x3  }
0x30: {  	s17 =	simm.s32 $0x1  }
0x31: {  	s17 =	simm.s32 @!p0 $0x0  }
0x32: {  	s17 =	sshll.u32 s17, $0xE  }
0x33: {  	s18 =	sor.u32 $0x70, s17  }
0x34: {  	v1 =	vmov s18;
	_ =	sdelay $0x1  }
0x35: {  	_ =	swait.ge [sflag:s4], $0x4000  }
0x36: {  	[sflag:s4] =	ssyncset.done $0x0  }
0x37: {  	s19 =	simm.s32 $0x0;
	[sflag:s4] =	ssyncadd.s32 $0xFFFFC000  }
0x38: {  	s17 =	sor.u32 $0x8040, s17;
	v6 =	vld.idx.msk [tilespmem:v1+s19+$0x0 ss:$0x1], $0xffff  }
0x39: {  	v0 =	vmov s17;
	v8 =	vld.idx.msk [tilespmem:v1+s19+$0xFFFFFF90 ss:$0x1], $0xffff  }
0x3a: {  	v7 =	vld.idx.msk [tilespmem:v1+s19+$0xFFFFFFA0 ss:$0x1], $0xffff  }
0x3b: {  	v5 =	vld.idx.msk [tilespmem:v1+s19+$0xFFFFFFB0 ss:$0x1], $0xffff  }
0x3c: {  	v4 =	vld.idx.msk [tilespmem:v1+s19+$0xFFFFFFC0 ss:$0x1], $0xffff  }
0x3d: {  	s31 =	sshll.u32 s8, $0xE;
	v2 =	vld.idx.msk [tilespmem:v1+s19+$0xFFFFFFD0 ss:$0x1], $0xffff  }
0x3e: {  	s17 =	sand.u32 $0x4000, s31;
	v3 =	vld.idx.msk [tilespmem:v1+s19+$0xFFFFFFE0 ss:$0x1], $0xffff;
	[tilespmem:v0+s19+$0x30 ss:$0x1] =	vst.idx.msk $0xffff, v6  }
0x3f: {  	s20 =	simm.s32 $0x400;
	s18 =	simm.s32 $0x80;
	s17 =	sor.u32 $0x8000, s17;
	[tilespmem:v0+s19+$0xFFFFFFC0 ss:$0x1] =	vst.idx.msk $0xffff, v8;
	v6 =	vld.idx.msk [tilespmem:v1+s19+$0xFFFFFFF0 ss:$0x1], $0xffff  }
.LBB1_3:
0x40: {  	p1 =	sne.s32 s20, $0xFE00;
	v8 =	vld.idx.msk [tilespmem:v1+s18+$0x0 ss:$0x1], $0xffff;
	[tilespmem:v0+s19+$0xFFFFFFD0 ss:$0x1] =	vst.idx.msk $0xffff, v7  }
0x41: {  	v9 =	vld.idx.msk [tilespmem:v1+s18+$0xFFFFFF90 ss:$0x1], $0xffff;
	[tilespmem:v0+s19+$0xFFFFFFE0 ss:$0x1] =	vst.idx.msk $0xffff, v5  }
0x42: {  	v7 =	vld.idx.msk [tilespmem:v1+s18+$0xFFFFFFA0 ss:$0x1], $0xffff;
	[tilespmem:v0+s19+$0xFFFFFFF0 ss:$0x1] =	vst.idx.msk $0xffff, v4  }
.Ltmp3:
0x43: {  	v5 =	vld.idx.msk [tilespmem:v1+s18+$0xFFFFFFB0 ss:$0x1], $0xffff;
	[tilespmem:v0+s19+$0x0 ss:$0x1] =	vst.idx.msk $0xffff, v2;
	(pc) =	sbr.rel @p1 .LBB1_3-.Ltmp3, $4  }
0x44: {  	v4 =	vld.idx.msk [tilespmem:v1+s18+$0xFFFFFFC0 ss:$0x1], $0xffff;
	[tilespmem:v0+s19+$0x10 ss:$0x1] =	vst.idx.msk $0xffff, v3  }
0x45: {  	v2 =	vld.idx.msk [tilespmem:v1+s18+$0xFFFFFFD0 ss:$0x1], $0xffff;
	[tilespmem:v0+s19+$0x20 ss:$0x1] =	vst.idx.msk $0xffff, v6;
	s19 =	smov.u32 s18  }
0x46: {  	v3 =	vld.idx.msk [tilespmem:v1+s19+$0xFFFFFFE0 ss:$0x1], $0xffff;
	[tilespmem:v0+s19+$0x30 ss:$0x1] =	vst.idx.msk $0xffff, v8  }
0x47: {  	s18 =	sshra.s32 s20, $0x2;
	s20 =	sadd.s32 $0x200, s20;
	[tilespmem:v0+s19+$0xFFFFFFC0 ss:$0x1] =	vst.idx.msk $0xffff, v9;
	v6 =	vld.idx.msk [tilespmem:v1+s19+$0xFFFFFFF0 ss:$0x1], $0xffff  }
0x48: {  	s20 =	sshrl.u32 s16, $0x3  }
0x49: {  	s21 =	sshll.u32 s15, $0x3;
	s20 =	smul.u32 $0xC00, s20  }
0x4a: {  	s26 =	sshll.u32 s16, $0x7;
	s21 =	sand.u32 $0xFFFFFC00, s21  }
0x4b: {  	s16 =	sand.u32 $0x380, s26;
	s20 =	sadd.s32 s20, s21  }
0x4c: {  	[tilespmem:v0+s19+$0xFFFFFFD0 ss:$0x1] =	vst.idx.msk $0xffff, v7;
	s27 =	sand.u32 $0x7F, s15;
	s16 =	sor.u32 s16, s20  }
0x4d: {  	v56 =	vld.idx.msk [tilespmem:v1+s18+$0x0 ss:$0x1], $0xffff;
	[tilespmem:v0+s19+$0xFFFFFFE0 ss:$0x1] =	vst.idx.msk $0xffff, v5;
	s15 =	sor.u32 s27, s16;
	s16 =	smulhi.u32 $0xAAAAAAAB, s16  }
0x4e: {  	v57 =	vld.idx.msk [tilespmem:v1+s18+$0xFFFFFF90 ss:$0x1], $0xffff;
	[tilespmem:v0+s19+$0xFFFFFFF0 ss:$0x1] =	vst.idx.msk $0xffff, v4  }
0x4f: {  	v58 =	vld.idx.msk [tilespmem:v1+s18+$0xFFFFFFA0 ss:$0x1], $0xffff;
	s14 =	smul.u32 $0x24000, s14;
	[tilespmem:v0+s19+$0x0 ss:$0x1] =	vst.idx.msk $0xffff, v2;
	s16 =	sshrl.u32 s16, $0x8  }
0x50: {  	v59 =	vld.idx.msk [tilespmem:v1+s18+$0xFFFFFFB0 ss:$0x1], $0xffff;
	[tilespmem:v0+s19+$0x10 ss:$0x1] =	vst.idx.msk $0xffff, v3;
	s30 =	smulhi.u32 $0xAAAAAB, s16  }
0x51: {  	v60 =	vld.idx.msk [tilespmem:v1+s18+$0xFFFFFFC0 ss:$0x1], $0xffff;
	[tilespmem:v0+s19+$0x20 ss:$0x1] =	vst.idx.msk $0xffff, v6;
	s28 =	smulhi.u32 $0xAAAAAAAB, s15  }
0x52: {  	v61 =	vld.idx.msk [tilespmem:v1+s18+$0xFFFFFFD0 ss:$0x1], $0xffff;
	[tilespmem:v0+s18+$0x30 ss:$0x1] =	vst.idx.msk $0xffff, v56;
	s20 =	smul.u32 $0x180, s30  }
0x53: {  	v62 =	vld.idx.msk [tilespmem:v1+s18+$0xFFFFFFE0 ss:$0x1], $0xffff;
	s13 =	smul.u32 $0x4800, s13;
	[tilespmem:v0+s18+$0xFFFFFFC0 ss:$0x1] =	vst.idx.msk $0xffff, v57;
	s29 =	sshrl.u32 s28, $0x8  }
0x54: {  	v63 =	vld.idx.msk [tilespmem:v1+s18+$0xFFFFFFF0 ss:$0x1], $0xffff;
	[tilespmem:v0+s18+$0xFFFFFFD0 ss:$0x1] =	vst.idx.msk $0xffff, v58;
	s19 =	smul.u32 $0x180, s29;
	s16 =	ssub.s32 s16, s20  }
0x55: {  	[tilespmem:v0+s18+$0xFFFFFFE0 ss:$0x1] =	vst.idx.msk $0xffff, v59;
	s16 =	smul.u32 $0x30, s16  }
.Ltmp4:
0x56: {  	s14 =	sadd.s32 s2, s14;
	[tilespmem:v0+s18+$0xFFFFFFF0 ss:$0x1] =	vst.idx.msk $0xffff, v60;
	s15 =	ssub.s32 s15, s19;
	(pc) =	sbr.rel .LBB1_5-.Ltmp4, $4  }
0x57: {  	s13 =	sadd.s32 s13, s14;
	[tilespmem:v0+s18+$0x0 ss:$0x1] =	vst.idx.msk $0xffff, v61;
	s31 =	sand.u32 $0x7, s15  }
0x58: {  	[tilespmem:v0+s18+$0x10 ss:$0x1] =	vst.idx.msk $0xffff, v62;
	s15 =	sshrl.u32 s15, $0x3;
	s14 =	sshll.u32 s31, $0x12;
	s13 =	sadd.s32 s16, s13  }
0x59: {  	[tilespmem:v0+s18+$0x20 ss:$0x1] =	vst.idx.msk $0xffff, v63;
	s14 =	sor.u32 $0x400, s14;
	s13 =	sadd.s32 s15, s13  }
0x5a: {  	[hbm4b:s13+s14] =	stream.strided.scatter [tilespmem:s17], [sflag:$0x2], $0x4000, s7, s14, $0x38;
	[tilespmem:$0x10000] =	vst v63  }
.LBB1_6:
0x5b: {  	_ =	sfence.sel $0x180000  }
0x5c: {  	s2 =	simm.s32 $0x1;
	[bflag:$0x0] =	sbarrier.arrive $0xFFFF  }
0x5d: {  	s31 =	simm.s32 $0x2;
	[sflag:s2] =	ssyncpa.u1 $0x1  }
0x5e: {  	[sflag:s31] =	ssyncpa.u1 $0x1  }
0x5f: {  	p0 =	sne.s32 s1, $0x0;
	_ =	strace $0x90000056  }
0x60: {  	s0 =	sadd.s32 @!p0 $0x100000, s0;
	[bflag:$0x2] =	sbarrier.arrive $0xFFFF  }
0x61: {  	[sflag:s0] =	ssyncadd.tile.s32 @!p0 $0x1;
	_ =	shalt  }
.Lfunc_end1:
_tile_overlayer_lowered:
.L_overlay_start_2:
0x62: {  	(tag) =	ssettag $0x2  }
0x63: {  	s0 =	rddreg [dreg:$0x0];
	s2 =	stileid.u32  }
0x64: {  	s1 =	rddreg [dreg:$0x1];
	p0 =	sne.s32 s2, $0x0  }
0x65: {  	s3 =	rddreg [dreg:$0x2];
	[bflag:$0x3] =	sbarrier.arrive $0xFFFF;
	s2 =	simm.s32 @!p0 $0x1C01  }
0x66: {  	[timem:s3], [sflag:s2] =	dma.local @!p0 [hbm:s0], s1  }
0x67: {  	s0 =	simm.s32 @!p0 $0x1  }
0x68: {  	_ =	swait.ge @!p0 [sflag:s0], s1  }
0x69: {  	s1 =	ssub.s32 @!p0 $0x0, s1;
	[sflag:s0] =	ssyncset.done @!p0 $0x0  }
0x6a: {  	[sflag:s0] =	ssyncadd.s32 @!p0 s1  }
0x6b: {  	[bflag:$0x3] =	sbarrier.arrive $0xFFFF  }
0x6c: {  	_ =	shalt  }

</sc_bundles>
